<compile_context>
chip_gen: v7x
topology: tpu7x:2x2x1
jax: 0.10.2.dev20260603
libtpu: 0.0.44.dev20260713+nightly
codegen_flags: <defaults>
</compile_context>

<pallas_src>
import jax
import jax.numpy as jnp
from jax import lax
from jax.experimental import pallas as pl
from jax.experimental.pallas import tpu as pltpu
from jax.experimental.pallas import tpu_sc as plsc

NUM_CORES = 2
NUM_SUBCORES = 16
LANES = 16
NUM_WORKERS = NUM_CORES * NUM_SUBCORES

BATCH = 16384
EMB_DIM = 32
NUM_ROWS = 1000000
B_PER_W = BATCH // NUM_WORKERS
N_QUADS = B_PER_W // 4
FETCH_W = 128
FETCH_MASK = FETCH_W - 1


def _bpr_kernel(qidx_hbm, ut_hbm, it_hbm, w_hbm, b_hbm,
                out_pos_hbm, out_neg_hbm,
                qidx_v, u_buf, i_buf, j_buf, w_v, b_v, outp_v, outn_v, sem):
    wid = lax.axis_index("s") * NUM_CORES + lax.axis_index("c")
    base = wid * B_PER_W

    pltpu.sync_copy(qidx_hbm.at[wid], qidx_v)
    pltpu.sync_copy(w_hbm, w_v)
    pltpu.sync_copy(b_hbm, b_v)

    w_lo = w_v[pl.ds(0, LANES)]
    w_hi = w_v[pl.ds(LANES, LANES)]
    b_s = b_v[pl.ds(0, LANES)][0]
    iota16 = lax.iota(jnp.int32, LANES)
    row_lo = iota16
    row_hi = iota16 + LANES

    def fire(q, slot):
        qv = qidx_v[q, pl.ds(0, LANES)]
        for e in range(4):
            for buf, lane, tab in ((u_buf, e, ut_hbm),
                                   (i_buf, 4 + e, it_hbm),
                                   (j_buf, 8 + e, it_hbm)):
                x = qv[lane]
                xa = pl.multiple_of(x & ~FETCH_MASK, 128)
                pltpu.async_copy(
                    tab.at[:, pl.ds(xa, FETCH_W)], buf.at[slot, e], sem)

    def drain(slot):
        for buf in (u_buf, i_buf, j_buf):
            for e in range(4):
                pltpu.make_async_copy(
                    ut_hbm.at[:, pl.ds(0, FETCH_W)], buf.at[slot, e], sem
                ).wait()

    def compute(q, slot, acc_p, acc_n):
        qv = qidx_v[q, pl.ds(0, LANES)]
        for e in range(4):
            xu = qv[e]
            xi = qv[4 + e]
            xj = qv[8 + e]
            cu = jnp.full((LANES,), xu & FETCH_MASK, jnp.int32)
            ci = jnp.full((LANES,), xi & FETCH_MASK, jnp.int32)
            cj = jnp.full((LANES,), xj & FETCH_MASK, jnp.int32)
            u0 = plsc.load_gather(u_buf.at[slot, e], [row_lo, cu])
            u1 = plsc.load_gather(u_buf.at[slot, e], [row_hi, cu])
            i0 = plsc.load_gather(i_buf.at[slot, e], [row_lo, ci])
            i1 = plsc.load_gather(i_buf.at[slot, e], [row_hi, ci])
            j0 = plsc.load_gather(j_buf.at[slot, e], [row_lo, cj])
            j1 = plsc.load_gather(j_buf.at[slot, e], [row_hi, cj])
            uw0 = u0 * w_lo
            uw1 = u1 * w_hi
            pos = jnp.sum(uw0 * i0 + uw1 * i1) + b_s
            neg = jnp.sum(uw0 * j0 + uw1 * j1) + b_s
            onehot = iota16 == ((q % 4) * 4 + e)
            acc_p = jnp.where(onehot, pos, acc_p)
            acc_n = jnp.where(onehot, neg, acc_n)
        return acc_p, acc_n

    fire(0, 0)

    def body(q2, carry):
        acc_p, acc_n = carry
        for par in range(2):
            q = q2 * 2 + par

            @pl.when(q + 1 < N_QUADS)
            def _():
                fire(q + 1, 1 - par)

            drain(par)
            acc_p, acc_n = compute(q, par, acc_p, acc_n)

            @pl.when(q % 4 == 3)
            def _():
                outp_v[pl.ds((q // 4) * LANES, LANES)] = acc_p
                outn_v[pl.ds((q // 4) * LANES, LANES)] = acc_n

        return acc_p, acc_n

    zeros = jnp.zeros((LANES,), jnp.float32)
    lax.fori_loop(0, N_QUADS // 2, body, (zeros, zeros))

    pltpu.sync_copy(outp_v, out_pos_hbm.at[pl.ds(base, B_PER_W)])
    pltpu.sync_copy(outn_v, out_neg_hbm.at[pl.ds(base, B_PER_W)])


@jax.jit
def kernel(users, item_i, item_j, user_emb, item_emb, W, b):
    mesh = plsc.VectorSubcoreMesh(core_axis_name="c", subcore_axis_name="s")
    w_flat = W.reshape(EMB_DIM).astype(jnp.float32)
    b_vec = jnp.broadcast_to(b.reshape(1), (LANES,)).astype(jnp.float32)

    u4 = users.astype(jnp.int32).reshape(NUM_WORKERS, N_QUADS, 4)
    i4 = item_i.astype(jnp.int32).reshape(NUM_WORKERS, N_QUADS, 4)
    j4 = item_j.astype(jnp.int32).reshape(NUM_WORKERS, N_QUADS, 4)
    pad = jnp.zeros_like(u4)
    qidx = jnp.concatenate([u4, i4, j4, pad], axis=-1)

    run = pl.kernel(
        _bpr_kernel,
        out_type=(
            jax.ShapeDtypeStruct((BATCH,), jnp.float32),
            jax.ShapeDtypeStruct((BATCH,), jnp.float32),
        ),
        mesh=mesh,
        compiler_params=pltpu.CompilerParams(needs_layout_passes=False),
        scratch_types=[
            pltpu.VMEM((N_QUADS, LANES), jnp.int32),
            pltpu.VMEM((2, 4, EMB_DIM, FETCH_W), jnp.float32),
            pltpu.VMEM((2, 4, EMB_DIM, FETCH_W), jnp.float32),
            pltpu.VMEM((2, 4, EMB_DIM, FETCH_W), jnp.float32),
            pltpu.VMEM((EMB_DIM,), jnp.float32),
            pltpu.VMEM((LANES,), jnp.float32),
            pltpu.VMEM((B_PER_W,), jnp.float32),
            pltpu.VMEM((B_PER_W,), jnp.float32),
            pltpu.SemaphoreType.DMA,
        ],
        name="bpr_sc",
    )
    out_pos, out_neg = run(qidx, user_emb.T, item_emb.T, w_flat, b_vec)
    return out_pos, out_neg

# --- scband reference (transcript-rebuilt; emitter-appended) ---
"""Pipeline reference for scband-nnfor-bpr-68530498175010 (READ-ONLY COPY).

The authoritative reference and input builder live on the scoring server;
editing this copy changes nothing except your own understanding.
"""

import jax, jax.numpy as jnp
import numpy as np

NUM_USERS = 1000000
NUM_ITEMS = 1000000
EMB_DIM = 32
BATCH = 16384

def setup_inputs(seed: int = 0) -> dict:
    key = jax.random.key(seed)
    k1, k2, k3, k4, k5, k6 = jax.random.split(key, 6)
    users = jax.random.randint(k1, (BATCH,), 0, NUM_USERS, dtype=jnp.int64) if jax.config.jax_enable_x64 else jax.random.randint(k1, (BATCH,), 0, NUM_USERS, dtype=jnp.int32)
    item_i = jax.random.randint(k2, (BATCH,), 0, NUM_ITEMS, dtype=users.dtype)
    item_j = jax.random.randint(k3, (BATCH,), 0, NUM_ITEMS, dtype=users.dtype)
    user_emb = jax.random.normal(k4, (NUM_USERS, EMB_DIM), dtype=jnp.float32) * 0.01
    item_emb = jax.random.normal(k5, (NUM_ITEMS, EMB_DIM), dtype=jnp.float32) * 0.01
    # final Linear(emb_dim -> 1): PyTorch default init U(-1/sqrt(fan_in), 1/sqrt(fan_in))
    bound = 1.0 / np.sqrt(EMB_DIM)
    kW, kb = jax.random.split(k6)
    W = jax.random.uniform(kW, (1, EMB_DIM), dtype=jnp.float32, minval=-bound, maxval=bound)
    b = jax.random.uniform(kb, (1,), dtype=jnp.float32, minval=-bound, maxval=bound)
    return {"users": users, "item_i": item_i, "item_j": item_j,
            "user_emb": user_emb, "item_emb": item_emb, "W": W, "b": b}

def reference(users, item_i, item_j, user_emb, item_emb, W, b):
    u = jnp.take(user_emb, users, axis=0)
    i = jnp.take(item_emb, item_i, axis=0)
    j = jnp.take(item_emb, item_j, axis=0)
    positive_score = u * i
    negative_score = u * j
    out_pos = (positive_score @ W.T + b).squeeze(-1)
    out_neg = (negative_score @ W.T + b).squeeze(-1)
    return (out_pos, out_neg)

if __name__ == "__main__":
    import jax
    _d = setup_inputs()
    print(jax.jit(kernel)(*tuple(_d.values())))

</pallas_src>

<mosaic_0001>
#map = affine_map<(d0, d1) -> (0, 0, 0)>
#map1 = affine_map<(d0, d1) -> (0, 0)>
#map2 = affine_map<(d0, d1) -> (0)>
module attributes {stable_mosaic.version = 14 : i64} {
  func.func @bpr_sc(%arg0: i32, %arg1: i32, %arg2: memref<32x128x16xi32, #tpu.memory_space<hbm>>, %arg3: memref<32x1000000xf32, #tpu.memory_space<hbm>>, %arg4: memref<32x1000000xf32, #tpu.memory_space<hbm>>, %arg5: memref<32xf32, #tpu.memory_space<hbm>>, %arg6: memref<16xf32, #tpu.memory_space<hbm>>, %arg7: memref<16384xf32, #tpu.memory_space<hbm>>, %arg8: memref<16384xf32, #tpu.memory_space<hbm>>, %arg9: memref<128x16xi32, #tpu.memory_space<vmem>>, %arg10: memref<2x4x32x128xf32, #tpu.memory_space<vmem>>, %arg11: memref<2x4x32x128xf32, #tpu.memory_space<vmem>>, %arg12: memref<2x4x32x128xf32, #tpu.memory_space<vmem>>, %arg13: memref<32xf32, #tpu.memory_space<vmem>>, %arg14: memref<16xf32, #tpu.memory_space<vmem>>, %arg15: memref<512xf32, #tpu.memory_space<vmem>>, %arg16: memref<512xf32, #tpu.memory_space<vmem>>, %arg17: memref<!tpu.dma_semaphore, #tpu.memory_space<semaphore_mem>>) attributes {dimension_semantics = [#tpu.dimension_semantics<core_parallel>, #tpu.dimension_semantics<subcore_parallel>], iteration_bounds = array<i64: 2, 16>, scalar_prefetch = 0 : i64, scratch_operands = 9 : i64, tpu.core_type = #tpu.core_type<sc_vector_subcore>, window_params = [{transform_indices = #map}, {transform_indices = #map1}, {transform_indices = #map1}, {transform_indices = #map2}, {transform_indices = #map2}, {transform_indices = #map2}, {transform_indices = #map2}]} {
    %mul3A = arith.constant 2 : i32
    %mul3A_0 = arith.muli %arg1, %mul3A : i32
    %add3A = arith.addi %mul3A_0, %arg0 : i32
    %mul3A_1 = arith.constant 512 : i32
    %mul3A_2 = arith.muli %add3A, %mul3A_1 : i32
    "tpu.region"() ({
      %run_scoped3A = tpu.sem_alloc : memref<!tpu.dma_semaphore, #tpu.memory_space<semaphore_mem>>
      %dma_start3A_246 = arith.constant 0 : i32
      %dma_start3A_247 = arith.constant 0 : i32
      %dma_start3A_248 = tpu.memref_slice %arg2[%add3A, %dma_start3A_246, %dma_start3A_247] : memref<32x128x16xi32, #tpu.memory_space<hbm>> -> memref<1x128x16xi32, #tpu.memory_space<hbm>>
      %dma_start3A_249 = tpu.memref_squeeze %dma_start3A_248 : memref<1x128x16xi32, #tpu.memory_space<hbm>> -> memref<128x16xi32, #tpu.memory_space<hbm>>
      %dma_start3A_250 = arith.constant 0 : i32
      %dma_start3A_251 = arith.constant 0 : i32
      %dma_start3A_252 = tpu.memref_slice %arg2[%add3A, %dma_start3A_250, %dma_start3A_251] : memref<32x128x16xi32, #tpu.memory_space<hbm>> -> memref<1x128x16xi32, #tpu.memory_space<hbm>>
      %dma_start3A_253 = tpu.memref_squeeze %dma_start3A_252 : memref<1x128x16xi32, #tpu.memory_space<hbm>> -> memref<128x16xi32, #tpu.memory_space<hbm>>
      tpu.enqueue_dma source(%dma_start3A_253 : memref<128x16xi32, #tpu.memory_space<hbm>>) target(%arg9 : memref<128x16xi32, #tpu.memory_space<vmem>>) target_semaphore(%run_scoped3A : memref<!tpu.dma_semaphore, #tpu.memory_space<semaphore_mem>>)
      %dma_wait3A = arith.constant 0 : i32
      %dma_wait3A_254 = arith.constant 0 : i32
      %dma_wait3A_255 = tpu.memref_slice %arg2[%add3A, %dma_wait3A, %dma_wait3A_254] : memref<32x128x16xi32, #tpu.memory_space<hbm>> -> memref<1x128x16xi32, #tpu.memory_space<hbm>>
      %dma_wait3A_256 = tpu.memref_squeeze %dma_wait3A_255 : memref<1x128x16xi32, #tpu.memory_space<hbm>> -> memref<128x16xi32, #tpu.memory_space<hbm>>
      %dma_wait3A_257 = arith.constant 0 : i32
      %dma_wait3A_258 = arith.constant 0 : i32
      %dma_wait3A_259 = tpu.memref_slice %arg2[%add3A, %dma_wait3A_257, %dma_wait3A_258] : memref<32x128x16xi32, #tpu.memory_space<hbm>> -> memref<1x128x16xi32, #tpu.memory_space<hbm>>
      %dma_wait3A_260 = tpu.memref_squeeze %dma_wait3A_259 : memref<1x128x16xi32, #tpu.memory_space<hbm>> -> memref<128x16xi32, #tpu.memory_space<hbm>>
      tpu.wait_dma2 semaphore(%run_scoped3A : memref<!tpu.dma_semaphore, #tpu.memory_space<semaphore_mem>>) src(%dma_wait3A_260 : memref<128x16xi32, #tpu.memory_space<hbm>>) dst(%arg9 : memref<128x16xi32, #tpu.memory_space<vmem>>)
      tpu.yield
    }) : () -> ()
    "tpu.region"() ({
      %run_scoped3A = tpu.sem_alloc : memref<!tpu.dma_semaphore, #tpu.memory_space<semaphore_mem>>
      tpu.enqueue_dma source(%arg5 : memref<32xf32, #tpu.memory_space<hbm>>) target(%arg13 : memref<32xf32, #tpu.memory_space<vmem>>) target_semaphore(%run_scoped3A : memref<!tpu.dma_semaphore, #tpu.memory_space<semaphore_mem>>)
      tpu.wait_dma2 semaphore(%run_scoped3A : memref<!tpu.dma_semaphore, #tpu.memory_space<semaphore_mem>>) src(%arg5 : memref<32xf32, #tpu.memory_space<hbm>>) dst(%arg13 : memref<32xf32, #tpu.memory_space<vmem>>)
      tpu.yield
    }) : () -> ()
    "tpu.region"() ({
      %run_scoped3A = tpu.sem_alloc : memref<!tpu.dma_semaphore, #tpu.memory_space<semaphore_mem>>
      tpu.enqueue_dma source(%arg6 : memref<16xf32, #tpu.memory_space<hbm>>) target(%arg14 : memref<16xf32, #tpu.memory_space<vmem>>) target_semaphore(%run_scoped3A : memref<!tpu.dma_semaphore, #tpu.memory_space<semaphore_mem>>)
      tpu.wait_dma2 semaphore(%run_scoped3A : memref<!tpu.dma_semaphore, #tpu.memory_space<semaphore_mem>>) src(%arg6 : memref<16xf32, #tpu.memory_space<hbm>>) dst(%arg14 : memref<16xf32, #tpu.memory_space<vmem>>)
      tpu.yield
    }) : () -> ()
    %get3A = arith.constant 0 : index
    %get3A_3 = tpu.vector_load %arg13[%get3A] {strides = array<i32>} : memref<32xf32, #tpu.memory_space<vmem>>, vector<16xf32>,
    %get3A_4 = arith.constant 16 : index
    %get3A_5 = tpu.vector_load %arg13[%get3A_4] {strides = array<i32>} : memref<32xf32, #tpu.memory_space<vmem>>, vector<16xf32>,
    %get3A_6 = arith.constant 0 : index
    %get3A_7 = tpu.vector_load %arg14[%get3A_6] {strides = array<i32>} : memref<16xf32, #tpu.memory_space<vmem>>, vector<16xf32>,
    %slice3A = vector.extract_strided_slice %get3A_7 {offsets = [0], sizes = [1], strides = [1]} : vector<16xf32> to vector<1xf32>
    %squeeze3A = vector.extract %slice3A[0] : f32 from vector<1xf32>
    %iota3A = tpu.iota {dimensions = array<i32: 0>} : vector<16xi32>
    %add3A_8 = arith.constant 16 : i32
    %add3A_9 = vector.broadcast %add3A_8 : i32 to vector<16xi32>
    %add3A_10 = arith.addi %iota3A, %add3A_9 : vector<16xi32>
    %get3A_11 = arith.constant 0 : i32
    %get3A_12 = arith.index_cast %get3A_11 : i32 to index
    %get3A_13 = arith.constant 0 : index
    %get3A_14 = tpu.vector_load %arg9[%get3A_12, %get3A_13] {strides = array<i32>} : memref<128x16xi32, #tpu.memory_space<vmem>>, vector<16xi32>,
    %slice3A_15 = vector.extract_strided_slice %get3A_14 {offsets = [0], sizes = [1], strides = [1]} : vector<16xi32> to vector<1xi32>
    %squeeze3A_16 = vector.extract %slice3A_15[0] : i32 from vector<1xi32>
    %and3A = arith.constant -128 : i32
    %and3A_17 = arith.andi %squeeze3A_16, %and3A : i32
    %multiple_of3A = tpu.assume_multiple %and3A_17, 128 : i32
    %dma_start3A = arith.constant 0 : i32
    %dma_start3A_18 = arith.constant 0 : i32
    %dma_start3A_19 = arith.constant 0 : i32
    %dma_start3A_20 = arith.constant 0 : i32
    %dma_start3A_21 = tpu.memref_slice %arg10[%dma_start3A, %dma_start3A_18, %dma_start3A_19, %dma_start3A_20] : memref<2x4x32x128xf32, #tpu.memory_space<vmem>> -> memref<1x1x32x128xf32, #tpu.memory_space<vmem>>
    %dma_start3A_22 = tpu.memref_squeeze %dma_start3A_21 : memref<1x1x32x128xf32, #tpu.memory_space<vmem>> -> memref<32x128xf32, #tpu.memory_space<vmem>>
    %dma_start3A_23 = arith.constant 0 : i32
    %dma_start3A_24 = tpu.memref_slice %arg3[%dma_start3A_23, %multiple_of3A] : memref<32x1000000xf32, #tpu.memory_space<hbm>> -> memref<32x128xf32, #tpu.memory_space<hbm>>
    %dma_start3A_25 = arith.constant 0 : i32
    %dma_start3A_26 = arith.constant 0 : i32
    %dma_start3A_27 = tpu.memref_slice %arg10[%dma_start3A, %dma_start3A_18, %dma_start3A_25, %dma_start3A_26] : memref<2x4x32x128xf32, #tpu.memory_space<vmem>> -> memref<1x1x32x128xf32, #tpu.memory_space<vmem>>
    %dma_start3A_28 = tpu.memref_squeeze %dma_start3A_27 : memref<1x1x32x128xf32, #tpu.memory_space<vmem>> -> memref<32x128xf32, #tpu.memory_space<vmem>>
    %dma_start3A_29 = arith.constant 0 : i32
    %dma_start3A_30 = tpu.memref_slice %arg3[%dma_start3A_29, %multiple_of3A] : memref<32x1000000xf32, #tpu.memory_space<hbm>> -> memref<32x128xf32, #tpu.memory_space<hbm>>
    tpu.enqueue_dma source(%dma_start3A_30 : memref<32x128xf32, #tpu.memory_space<hbm>>) target(%dma_start3A_28 : memref<32x128xf32, #tpu.memory_space<vmem>>) target_semaphore(%arg17 : memref<!tpu.dma_semaphore, #tpu.memory_space<semaphore_mem>>)
    %slice3A_31 = vector.extract_strided_slice %get3A_14 {offsets = [4], sizes = [1], strides = [1]} : vector<16xi32> to vector<1xi32>
    %squeeze3A_32 = vector.extract %slice3A_31[0] : i32 from vector<1xi32>
    %and3A_33 = arith.constant -128 : i32
    %and3A_34 = arith.andi %squeeze3A_32, %and3A_33 : i32
    %multiple_of3A_35 = tpu.assume_multiple %and3A_34, 128 : i32
    %dma_start3A_36 = arith.constant 0 : i32
    %dma_start3A_37 = arith.constant 0 : i32
    %dma_start3A_38 = arith.constant 0 : i32
    %dma_start3A_39 = arith.constant 0 : i32
    %dma_start3A_40 = tpu.memref_slice %arg11[%dma_start3A_36, %dma_start3A_37, %dma_start3A_38, %dma_start3A_39] : memref<2x4x32x128xf32, #tpu.memory_space<vmem>> -> memref<1x1x32x128xf32, #tpu.memory_space<vmem>>
    %dma_start3A_41 = tpu.memref_squeeze %dma_start3A_40 : memref<1x1x32x128xf32, #tpu.memory_space<vmem>> -> memref<32x128xf32, #tpu.memory_space<vmem>>
    %dma_start3A_42 = arith.constant 0 : i32
    %dma_start3A_43 = tpu.memref_slice %arg4[%dma_start3A_42, %multiple_of3A_35] : memref<32x1000000xf32, #tpu.memory_space<hbm>> -> memref<32x128xf32, #tpu.memory_space<hbm>>
    %dma_start3A_44 = arith.constant 0 : i32
    %dma_start3A_45 = arith.constant 0 : i32
    %dma_start3A_46 = tpu.memref_slice %arg11[%dma_start3A_36, %dma_start3A_37, %dma_start3A_44, %dma_start3A_45] : memref<2x4x32x128xf32, #tpu.memory_space<vmem>> -> memref<1x1x32x128xf32, #tpu.memory_space<vmem>>
    %dma_start3A_47 = tpu.memref_squeeze %dma_start3A_46 : memref<1x1x32x128xf32, #tpu.memory_space<vmem>> -> memref<32x128xf32, #tpu.memory_space<vmem>>
    %dma_start3A_48 = arith.constant 0 : i32
    %dma_start3A_49 = tpu.memref_slice %arg4[%dma_start3A_48, %multiple_of3A_35] : memref<32x1000000xf32, #tpu.memory_space<hbm>> -> memref<32x128xf32, #tpu.memory_space<hbm>>
    tpu.enqueue_dma source(%dma_start3A_49 : memref<32x128xf32, #tpu.memory_space<hbm>>) target(%dma_start3A_47 : memref<32x128xf32, #tpu.memory_space<vmem>>) target_semaphore(%arg17 : memref<!tpu.dma_semaphore, #tpu.memory_space<semaphore_mem>>)
    %slice3A_50 = vector.extract_strided_slice %get3A_14 {offsets = [8], sizes = [1], strides = [1]} : vector<16xi32> to vector<1xi32>
    %squeeze3A_51 = vector.extract %slice3A_50[0] : i32 from vector<1xi32>
    %and3A_52 = arith.constant -128 : i32
    %and3A_53 = arith.andi %squeeze3A_51, %and3A_52 : i32
    %multiple_of3A_54 = tpu.assume_multiple %and3A_53, 128 : i32
    %dma_start3A_55 = arith.constant 0 : i32
    %dma_start3A_56 = arith.constant 0 : i32
    %dma_start3A_57 = arith.constant 0 : i32
    %dma_start3A_58 = arith.constant 0 : i32
    %dma_start3A_59 = tpu.memref_slice %arg12[%dma_start3A_55, %dma_start3A_56, %dma_start3A_57, %dma_start3A_58] : memref<2x4x32x128xf32, #tpu.memory_space<vmem>> -> memref<1x1x32x128xf32, #tpu.memory_space<vmem>>
    %dma_start3A_60 = tpu.memref_squeeze %dma_start3A_59 : memref<1x1x32x128xf32, #tpu.memory_space<vmem>> -> memref<32x128xf32, #tpu.memory_space<vmem>>
    %dma_start3A_61 = arith.constant 0 : i32
    %dma_start3A_62 = tpu.memref_slice %arg4[%dma_start3A_61, %multiple_of3A_54] : memref<32x1000000xf32, #tpu.memory_space<hbm>> -> memref<32x128xf32, #tpu.memory_space<hbm>>
    %dma_start3A_63 = arith.constant 0 : i32
    %dma_start3A_64 = arith.constant 0 : i32
    %dma_start3A_65 = tpu.memref_slice %arg12[%dma_start3A_55, %dma_start3A_56, %dma_start3A_63, %dma_start3A_64] : memref<2x4x32x128xf32, #tpu.memory_space<vmem>> -> memref<1x1x32x128xf32, #tpu.memory_space<vmem>>
    %dma_start3A_66 = tpu.memref_squeeze %dma_start3A_65 : memref<1x1x32x128xf32, #tpu.memory_space<vmem>> -> memref<32x128xf32, #tpu.memory_space<vmem>>
    %dma_start3A_67 = arith.constant 0 : i32
    %dma_start3A_68 = tpu.memref_slice %arg4[%dma_start3A_67, %multiple_of3A_54] : memref<32x1000000xf32, #tpu.memory_space<hbm>> -> memref<32x128xf32, #tpu.memory_space<hbm>>
    tpu.enqueue_dma source(%dma_start3A_68 : memref<32x128xf32, #tpu.memory_space<hbm>>) target(%dma_start3A_66 : memref<32x128xf32, #tpu.memory_space<vmem>>) target_semaphore(%arg17 : memref<!tpu.dma_semaphore, #tpu.memory_space<semaphore_mem>>)
    %slice3A_69 = vector.extract_strided_slice %get3A_14 {offsets = [1], sizes = [1], strides = [1]} : vector<16xi32> to vector<1xi32>
    %squeeze3A_70 = vector.extract %slice3A_69[0] : i32 from vector<1xi32>
    %and3A_71 = arith.constant -128 : i32
    %and3A_72 = arith.andi %squeeze3A_70, %and3A_71 : i32
    %multiple_of3A_73 = tpu.assume_multiple %and3A_72, 128 : i32
    %dma_start3A_74 = arith.constant 0 : i32
    %dma_start3A_75 = arith.constant 1 : i32
    %dma_start3A_76 = arith.constant 0 : i32
    %dma_start3A_77 = arith.constant 0 : i32
    %dma_start3A_78 = tpu.memref_slice %arg10[%dma_start3A_74, %dma_start3A_75, %dma_start3A_76, %dma_start3A_77] : memref<2x4x32x128xf32, #tpu.memory_space<vmem>> -> memref<1x1x32x128xf32, #tpu.memory_space<vmem>>
    %dma_start3A_79 = tpu.memref_squeeze %dma_start3A_78 : memref<1x1x32x128xf32, #tpu.memory_space<vmem>> -> memref<32x128xf32, #tpu.memory_space<vmem>>
    %dma_start3A_80 = arith.constant 0 : i32
    %dma_start3A_81 = tpu.memref_slice %arg3[%dma_start3A_80, %multiple_of3A_73] : memref<32x1000000xf32, #tpu.memory_space<hbm>> -> memref<32x128xf32, #tpu.memory_space<hbm>>
    %dma_start3A_82 = arith.constant 0 : i32
    %dma_start3A_83 = arith.constant 0 : i32
    %dma_start3A_84 = tpu.memref_slice %arg10[%dma_start3A_74, %dma_start3A_75, %dma_start3A_82, %dma_start3A_83] : memref<2x4x32x128xf32, #tpu.memory_space<vmem>> -> memref<1x1x32x128xf32, #tpu.memory_space<vmem>>
    %dma_start3A_85 = tpu.memref_squeeze %dma_start3A_84 : memref<1x1x32x128xf32, #tpu.memory_space<vmem>> -> memref<32x128xf32, #tpu.memory_space<vmem>>
    %dma_start3A_86 = arith.constant 0 : i32
    %dma_start3A_87 = tpu.memref_slice %arg3[%dma_start3A_86, %multiple_of3A_73] : memref<32x1000000xf32, #tpu.memory_space<hbm>> -> memref<32x128xf32, #tpu.memory_space<hbm>>
    tpu.enqueue_dma source(%dma_start3A_87 : memref<32x128xf32, #tpu.memory_space<hbm>>) target(%dma_start3A_85 : memref<32x128xf32, #tpu.memory_space<vmem>>) target_semaphore(%arg17 : memref<!tpu.dma_semaphore, #tpu.memory_space<semaphore_mem>>)
    %slice3A_88 = vector.extract_strided_slice %get3A_14 {offsets = [5], sizes = [1], strides = [1]} : vector<16xi32> to vector<1xi32>
    %squeeze3A_89 = vector.extract %slice3A_88[0] : i32 from vector<1xi32>
    %and3A_90 = arith.constant -128 : i32
    %and3A_91 = arith.andi %squeeze3A_89, %and3A_90 : i32
    %multiple_of3A_92 = tpu.assume_multiple %and3A_91, 128 : i32
    %dma_start3A_93 = arith.constant 0 : i32
    %dma_start3A_94 = arith.constant 1 : i32
    %dma_start3A_95 = arith.constant 0 : i32
    %dma_start3A_96 = arith.constant 0 : i32
    %dma_start3A_97 = tpu.memref_slice %arg11[%dma_start3A_93, %dma_start3A_94, %dma_start3A_95, %dma_start3A_96] : memref<2x4x32x128xf32, #tpu.memory_space<vmem>> -> memref<1x1x32x128xf32, #tpu.memory_space<vmem>>
    %dma_start3A_98 = tpu.memref_squeeze %dma_start3A_97 : memref<1x1x32x128xf32, #tpu.memory_space<vmem>> -> memref<32x128xf32, #tpu.memory_space<vmem>>
    %dma_start3A_99 = arith.constant 0 : i32
    %dma_start3A_100 = tpu.memref_slice %arg4[%dma_start3A_99, %multiple_of3A_92] : memref<32x1000000xf32, #tpu.memory_space<hbm>> -> memref<32x128xf32, #tpu.memory_space<hbm>>
    %dma_start3A_101 = arith.constant 0 : i32
    %dma_start3A_102 = arith.constant 0 : i32
    %dma_start3A_103 = tpu.memref_slice %arg11[%dma_start3A_93, %dma_start3A_94, %dma_start3A_101, %dma_start3A_102] : memref<2x4x32x128xf32, #tpu.memory_space<vmem>> -> memref<1x1x32x128xf32, #tpu.memory_space<vmem>>
    %dma_start3A_104 = tpu.memref_squeeze %dma_start3A_103 : memref<1x1x32x128xf32, #tpu.memory_space<vmem>> -> memref<32x128xf32, #tpu.memory_space<vmem>>
    %dma_start3A_105 = arith.constant 0 : i32
    %dma_start3A_106 = tpu.memref_slice %arg4[%dma_start3A_105, %multiple_of3A_92] : memref<32x1000000xf32, #tpu.memory_space<hbm>> -> memref<32x128xf32, #tpu.memory_space<hbm>>
    tpu.enqueue_dma source(%dma_start3A_106 : memref<32x128xf32, #tpu.memory_space<hbm>>) target(%dma_start3A_104 : memref<32x128xf32, #tpu.memory_space<vmem>>) target_semaphore(%arg17 : memref<!tpu.dma_semaphore, #tpu.memory_space<semaphore_mem>>)
    %slice3A_107 = vector.extract_strided_slice %get3A_14 {offsets = [9], sizes = [1], strides = [1]} : vector<16xi32> to vector<1xi32>
    %squeeze3A_108 = vector.extract %slice3A_107[0] : i32 from vector<1xi32>
    %and3A_109 = arith.constant -128 : i32
    %and3A_110 = arith.andi %squeeze3A_108, %and3A_109 : i32
    %multiple_of3A_111 = tpu.assume_multiple %and3A_110, 128 : i32
    %dma_start3A_112 = arith.constant 0 : i32
    %dma_start3A_113 = arith.constant 1 : i32
    %dma_start3A_114 = arith.constant 0 : i32
    %dma_start3A_115 = arith.constant 0 : i32
    %dma_start3A_116 = tpu.memref_slice %arg12[%dma_start3A_112, %dma_start3A_113, %dma_start3A_114, %dma_start3A_115] : memref<2x4x32x128xf32, #tpu.memory_space<vmem>> -> memref<1x1x32x128xf32, #tpu.memory_space<vmem>>
    %dma_start3A_117 = tpu.memref_squeeze %dma_start3A_116 : memref<1x1x32x128xf32, #tpu.memory_space<vmem>> -> memref<32x128xf32, #tpu.memory_space<vmem>>
    %dma_start3A_118 = arith.constant 0 : i32
    %dma_start3A_119 = tpu.memref_slice %arg4[%dma_start3A_118, %multiple_of3A_111] : memref<32x1000000xf32, #tpu.memory_space<hbm>> -> memref<32x128xf32, #tpu.memory_space<hbm>>
    %dma_start3A_120 = arith.constant 0 : i32
    %dma_start3A_121 = arith.constant 0 : i32
    %dma_start3A_122 = tpu.memref_slice %arg12[%dma_start3A_112, %dma_start3A_113, %dma_start3A_120, %dma_start3A_121] : memref<2x4x32x128xf32, #tpu.memory_space<vmem>> -> memref<1x1x32x128xf32, #tpu.memory_space<vmem>>
    %dma_start3A_123 = tpu.memref_squeeze %dma_start3A_122 : memref<1x1x32x128xf32, #tpu.memory_space<vmem>> -> memref<32x128xf32, #tpu.memory_space<vmem>>
    %dma_start3A_124 = arith.constant 0 : i32
    %dma_start3A_125 = tpu.memref_slice %arg4[%dma_start3A_124, %multiple_of3A_111] : memref<32x1000000xf32, #tpu.memory_space<hbm>> -> memref<32x128xf32, #tpu.memory_space<hbm>>
    tpu.enqueue_dma source(%dma_start3A_125 : memref<32x128xf32, #tpu.memory_space<hbm>>) target(%dma_start3A_123 : memref<32x128xf32, #tpu.memory_space<vmem>>) target_semaphore(%arg17 : memref<!tpu.dma_semaphore, #tpu.memory_space<semaphore_mem>>)
    %slice3A_126 = vector.extract_strided_slice %get3A_14 {offsets = [2], sizes = [1], strides = [1]} : vector<16xi32> to vector<1xi32>
    %squeeze3A_127 = vector.extract %slice3A_126[0] : i32 from vector<1xi32>
    %and3A_128 = arith.constant -128 : i32
    %and3A_129 = arith.andi %squeeze3A_127, %and3A_128 : i32
    %multiple_of3A_130 = tpu.assume_multiple %and3A_129, 128 : i32
    %dma_start3A_131 = arith.constant 0 : i32
    %dma_start3A_132 = arith.constant 2 : i32
    %dma_start3A_133 = arith.constant 0 : i32
    %dma_start3A_134 = arith.constant 0 : i32
    %dma_start3A_135 = tpu.memref_slice %arg10[%dma_start3A_131, %dma_start3A_132, %dma_start3A_133, %dma_start3A_134] : memref<2x4x32x128xf32, #tpu.memory_space<vmem>> -> memref<1x1x32x128xf32, #tpu.memory_space<vmem>>
    %dma_start3A_136 = tpu.memref_squeeze %dma_start3A_135 : memref<1x1x32x128xf32, #tpu.memory_space<vmem>> -> memref<32x128xf32, #tpu.memory_space<vmem>>
    %dma_start3A_137 = arith.constant 0 : i32
    %dma_start3A_138 = tpu.memref_slice %arg3[%dma_start3A_137, %multiple_of3A_130] : memref<32x1000000xf32, #tpu.memory_space<hbm>> -> memref<32x128xf32, #tpu.memory_space<hbm>>
    %dma_start3A_139 = arith.constant 0 : i32
    %dma_start3A_140 = arith.constant 0 : i32
    %dma_start3A_141 = tpu.memref_slice %arg10[%dma_start3A_131, %dma_start3A_132, %dma_start3A_139, %dma_start3A_140] : memref<2x4x32x128xf32, #tpu.memory_space<vmem>> -> memref<1x1x32x128xf32, #tpu.memory_space<vmem>>
    %dma_start3A_142 = tpu.memref_squeeze %dma_start3A_141 : memref<1x1x32x128xf32, #tpu.memory_space<vmem>> -> memref<32x128xf32, #tpu.memory_space<vmem>>
    %dma_start3A_143 = arith.constant 0 : i32
    %dma_start3A_144 = tpu.memref_slice %arg3[%dma_start3A_143, %multiple_of3A_130] : memref<32x1000000xf32, #tpu.memory_space<hbm>> -> memref<32x128xf32, #tpu.memory_space<hbm>>
    tpu.enqueue_dma source(%dma_start3A_144 : memref<32x128xf32, #tpu.memory_space<hbm>>) target(%dma_start3A_142 : memref<32x128xf32, #tpu.memory_space<vmem>>) target_semaphore(%arg17 : memref<!tpu.dma_semaphore, #tpu.memory_space<semaphore_mem>>)
    %slice3A_145 = vector.extract_strided_slice %get3A_14 {offsets = [6], sizes = [1], strides = [1]} : vector<16xi32> to vector<1xi32>
    %squeeze3A_146 = vector.extract %slice3A_145[0] : i32 from vector<1xi32>
    %and3A_147 = arith.constant -128 : i32
    %and3A_148 = arith.andi %squeeze3A_146, %and3A_147 : i32
    %multiple_of3A_149 = tpu.assume_multiple %and3A_148, 128 : i32
    %dma_start3A_150 = arith.constant 0 : i32
    %dma_start3A_151 = arith.constant 2 : i32
    %dma_start3A_152 = arith.constant 0 : i32
    %dma_start3A_153 = arith.constant 0 : i32
    %dma_start3A_154 = tpu.memref_slice %arg11[%dma_start3A_150, %dma_start3A_151, %dma_start3A_152, %dma_start3A_153] : memref<2x4x32x128xf32, #tpu.memory_space<vmem>> -> memref<1x1x32x128xf32, #tpu.memory_space<vmem>>
    %dma_start3A_155 = tpu.memref_squeeze %dma_start3A_154 : memref<1x1x32x128xf32, #tpu.memory_space<vmem>> -> memref<32x128xf32, #tpu.memory_space<vmem>>
    %dma_start3A_156 = arith.constant 0 : i32
    %dma_start3A_157 = tpu.memref_slice %arg4[%dma_start3A_156, %multiple_of3A_149] : memref<32x1000000xf32, #tpu.memory_space<hbm>> -> memref<32x128xf32, #tpu.memory_space<hbm>>
    %dma_start3A_158 = arith.constant 0 : i32
    %dma_start3A_159 = arith.constant 0 : i32
    %dma_start3A_160 = tpu.memref_slice %arg11[%dma_start3A_150, %dma_start3A_151, %dma_start3A_158, %dma_start3A_159] : memref<2x4x32x128xf32, #tpu.memory_space<vmem>> -> memref<1x1x32x128xf32, #tpu.memory_space<vmem>>
    %dma_start3A_161 = tpu.memref_squeeze %dma_start3A_160 : memref<1x1x32x128xf32, #tpu.memory_space<vmem>> -> memref<32x128xf32, #tpu.memory_space<vmem>>
    %dma_start3A_162 = arith.constant 0 : i32
    %dma_start3A_163 = tpu.memref_slice %arg4[%dma_start3A_162, %multiple_of3A_149] : memref<32x1000000xf32, #tpu.memory_space<hbm>> -> memref<32x128xf32, #tpu.memory_space<hbm>>
    tpu.enqueue_dma source(%dma_start3A_163 : memref<32x128xf32, #tpu.memory_space<hbm>>) target(%dma_start3A_161 : memref<32x128xf32, #tpu.memory_space<vmem>>) target_semaphore(%arg17 : memref<!tpu.dma_semaphore, #tpu.memory_space<semaphore_mem>>)
    %slice3A_164 = vector.extract_strided_slice %get3A_14 {offsets = [10], sizes = [1], strides = [1]} : vector<16xi32> to vector<1xi32>
    %squeeze3A_165 = vector.extract %slice3A_164[0] : i32 from vector<1xi32>
    %and3A_166 = arith.constant -128 : i32
    %and3A_167 = arith.andi %squeeze3A_165, %and3A_166 : i32
    %multiple_of3A_168 = tpu.assume_multiple %and3A_167, 128 : i32
    %dma_start3A_169 = arith.constant 0 : i32
    %dma_start3A_170 = arith.constant 2 : i32
    %dma_start3A_171 = arith.constant 0 : i32
    %dma_start3A_172 = arith.constant 0 : i32
    %dma_start3A_173 = tpu.memref_slice %arg12[%dma_start3A_169, %dma_start3A_170, %dma_start3A_171, %dma_start3A_172] : memref<2x4x32x128xf32, #tpu.memory_space<vmem>> -> memref<1x1x32x128xf32, #tpu.memory_space<vmem>>
    %dma_start3A_174 = tpu.memref_squeeze %dma_start3A_173 : memref<1x1x32x128xf32, #tpu.memory_space<vmem>> -> memref<32x128xf32, #tpu.memory_space<vmem>>
    %dma_start3A_175 = arith.constant 0 : i32
    %dma_start3A_176 = tpu.memref_slice %arg4[%dma_start3A_175, %multiple_of3A_168] : memref<32x1000000xf32, #tpu.memory_space<hbm>> -> memref<32x128xf32, #tpu.memory_space<hbm>>
    %dma_start3A_177 = arith.constant 0 : i32
    %dma_start3A_178 = arith.constant 0 : i32
    %dma_start3A_179 = tpu.memref_slice %arg12[%dma_start3A_169, %dma_start3A_170, %dma_start3A_177, %dma_start3A_178] : memref<2x4x32x128xf32, #tpu.memory_space<vmem>> -> memref<1x1x32x128xf32, #tpu.memory_space<vmem>>
    %dma_start3A_180 = tpu.memref_squeeze %dma_start3A_179 : memref<1x1x32x128xf32, #tpu.memory_space<vmem>> -> memref<32x128xf32, #tpu.memory_space<vmem>>
    %dma_start3A_181 = arith.constant 0 : i32
    %dma_start3A_182 = tpu.memref_slice %arg4[%dma_start3A_181, %multiple_of3A_168] : memref<32x1000000xf32, #tpu.memory_space<hbm>> -> memref<32x128xf32, #tpu.memory_space<hbm>>
    tpu.enqueue_dma source(%dma_start3A_182 : memref<32x128xf32, #tpu.memory_space<hbm>>) target(%dma_start3A_180 : memref<32x128xf32, #tpu.memory_space<vmem>>) target_semaphore(%arg17 : memref<!tpu.dma_semaphore, #tpu.memory_space<semaphore_mem>>)
    %slice3A_183 = vector.extract_strided_slice %get3A_14 {offsets = [3], sizes = [1], strides = [1]} : vector<16xi32> to vector<1xi32>
    %squeeze3A_184 = vector.extract %slice3A_183[0] : i32 from vector<1xi32>
    %and3A_185 = arith.constant -128 : i32
    %and3A_186 = arith.andi %squeeze3A_184, %and3A_185 : i32
    %multiple_of3A_187 = tpu.assume_multiple %and3A_186, 128 : i32
    %dma_start3A_188 = arith.constant 0 : i32
    %dma_start3A_189 = arith.constant 3 : i32
    %dma_start3A_190 = arith.constant 0 : i32
    %dma_start3A_191 = arith.constant 0 : i32
    %dma_start3A_192 = tpu.memref_slice %arg10[%dma_start3A_188, %dma_start3A_189, %dma_start3A_190, %dma_start3A_191] : memref<2x4x32x128xf32, #tpu.memory_space<vmem>> -> memref<1x1x32x128xf32, #tpu.memory_space<vmem>>
    %dma_start3A_193 = tpu.memref_squeeze %dma_start3A_192 : memref<1x1x32x128xf32, #tpu.memory_space<vmem>> -> memref<32x128xf32, #tpu.memory_space<vmem>>
    %dma_start3A_194 = arith.constant 0 : i32
    %dma_start3A_195 = tpu.memref_slice %arg3[%dma_start3A_194, %multiple_of3A_187] : memref<32x1000000xf32, #tpu.memory_space<hbm>> -> memref<32x128xf32, #tpu.memory_space<hbm>>
    %dma_start3A_196 = arith.constant 0 : i32
    %dma_start3A_197 = arith.constant 0 : i32
    %dma_start3A_198 = tpu.memref_slice %arg10[%dma_start3A_188, %dma_start3A_189, %dma_start3A_196, %dma_start3A_197] : memref<2x4x32x128xf32, #tpu.memory_space<vmem>> -> memref<1x1x32x128xf32, #tpu.memory_space<vmem>>
    %dma_start3A_199 = tpu.memref_squeeze %dma_start3A_198 : memref<1x1x32x128xf32, #tpu.memory_space<vmem>> -> memref<32x128xf32, #tpu.memory_space<vmem>>
    %dma_start3A_200 = arith.constant 0 : i32
    %dma_start3A_201 = tpu.memref_slice %arg3[%dma_start3A_200, %multiple_of3A_187] : memref<32x1000000xf32, #tpu.memory_space<hbm>> -> memref<32x128xf32, #tpu.memory_space<hbm>>
    tpu.enqueue_dma source(%dma_start3A_201 : memref<32x128xf32, #tpu.memory_space<hbm>>) target(%dma_start3A_199 : memref<32x128xf32, #tpu.memory_space<vmem>>) target_semaphore(%arg17 : memref<!tpu.dma_semaphore, #tpu.memory_space<semaphore_mem>>)
    %slice3A_202 = vector.extract_strided_slice %get3A_14 {offsets = [7], sizes = [1], strides = [1]} : vector<16xi32> to vector<1xi32>
    %squeeze3A_203 = vector.extract %slice3A_202[0] : i32 from vector<1xi32>
    %and3A_204 = arith.constant -128 : i32
    %and3A_205 = arith.andi %squeeze3A_203, %and3A_204 : i32
    %multiple_of3A_206 = tpu.assume_multiple %and3A_205, 128 : i32
    %dma_start3A_207 = arith.constant 0 : i32
    %dma_start3A_208 = arith.constant 3 : i32
    %dma_start3A_209 = arith.constant 0 : i32
    %dma_start3A_210 = arith.constant 0 : i32
    %dma_start3A_211 = tpu.memref_slice %arg11[%dma_start3A_207, %dma_start3A_208, %dma_start3A_209, %dma_start3A_210] : memref<2x4x32x128xf32, #tpu.memory_space<vmem>> -> memref<1x1x32x128xf32, #tpu.memory_space<vmem>>
    %dma_start3A_212 = tpu.memref_squeeze %dma_start3A_211 : memref<1x1x32x128xf32, #tpu.memory_space<vmem>> -> memref<32x128xf32, #tpu.memory_space<vmem>>
    %dma_start3A_213 = arith.constant 0 : i32
    %dma_start3A_214 = tpu.memref_slice %arg4[%dma_start3A_213, %multiple_of3A_206] : memref<32x1000000xf32, #tpu.memory_space<hbm>> -> memref<32x128xf32, #tpu.memory_space<hbm>>
    %dma_start3A_215 = arith.constant 0 : i32
    %dma_start3A_216 = arith.constant 0 : i32
    %dma_start3A_217 = tpu.memref_slice %arg11[%dma_start3A_207, %dma_start3A_208, %dma_start3A_215, %dma_start3A_216] : memref<2x4x32x128xf32, #tpu.memory_space<vmem>> -> memref<1x1x32x128xf32, #tpu.memory_space<vmem>>
    %dma_start3A_218 = tpu.memref_squeeze %dma_start3A_217 : memref<1x1x32x128xf32, #tpu.memory_space<vmem>> -> memref<32x128xf32, #tpu.memory_space<vmem>>
    %dma_start3A_219 = arith.constant 0 : i32
    %dma_start3A_220 = tpu.memref_slice %arg4[%dma_start3A_219, %multiple_of3A_206] : memref<32x1000000xf32, #tpu.memory_space<hbm>> -> memref<32x128xf32, #tpu.memory_space<hbm>>
    tpu.enqueue_dma source(%dma_start3A_220 : memref<32x128xf32, #tpu.memory_space<hbm>>) target(%dma_start3A_218 : memref<32x128xf32, #tpu.memory_space<vmem>>) target_semaphore(%arg17 : memref<!tpu.dma_semaphore, #tpu.memory_space<semaphore_mem>>)
    %slice3A_221 = vector.extract_strided_slice %get3A_14 {offsets = [11], sizes = [1], strides = [1]} : vector<16xi32> to vector<1xi32>
    %squeeze3A_222 = vector.extract %slice3A_221[0] : i32 from vector<1xi32>
    %and3A_223 = arith.constant -128 : i32
    %and3A_224 = arith.andi %squeeze3A_222, %and3A_223 : i32
    %multiple_of3A_225 = tpu.assume_multiple %and3A_224, 128 : i32
    %dma_start3A_226 = arith.constant 0 : i32
    %dma_start3A_227 = arith.constant 3 : i32
    %dma_start3A_228 = arith.constant 0 : i32
    %dma_start3A_229 = arith.constant 0 : i32
    %dma_start3A_230 = tpu.memref_slice %arg12[%dma_start3A_226, %dma_start3A_227, %dma_start3A_228, %dma_start3A_229] : memref<2x4x32x128xf32, #tpu.memory_space<vmem>> -> memref<1x1x32x128xf32, #tpu.memory_space<vmem>>
    %dma_start3A_231 = tpu.memref_squeeze %dma_start3A_230 : memref<1x1x32x128xf32, #tpu.memory_space<vmem>> -> memref<32x128xf32, #tpu.memory_space<vmem>>
    %dma_start3A_232 = arith.constant 0 : i32
    %dma_start3A_233 = tpu.memref_slice %arg4[%dma_start3A_232, %multiple_of3A_225] : memref<32x1000000xf32, #tpu.memory_space<hbm>> -> memref<32x128xf32, #tpu.memory_space<hbm>>
    %dma_start3A_234 = arith.constant 0 : i32
    %dma_start3A_235 = arith.constant 0 : i32
    %dma_start3A_236 = tpu.memref_slice %arg12[%dma_start3A_226, %dma_start3A_227, %dma_start3A_234, %dma_start3A_235] : memref<2x4x32x128xf32, #tpu.memory_space<vmem>> -> memref<1x1x32x128xf32, #tpu.memory_space<vmem>>
    %dma_start3A_237 = tpu.memref_squeeze %dma_start3A_236 : memref<1x1x32x128xf32, #tpu.memory_space<vmem>> -> memref<32x128xf32, #tpu.memory_space<vmem>>
    %dma_start3A_238 = arith.constant 0 : i32
    %dma_start3A_239 = tpu.memref_slice %arg4[%dma_start3A_238, %multiple_of3A_225] : memref<32x1000000xf32, #tpu.memory_space<hbm>> -> memref<32x128xf32, #tpu.memory_space<hbm>>
    tpu.enqueue_dma source(%dma_start3A_239 : memref<32x128xf32, #tpu.memory_space<hbm>>) target(%dma_start3A_237 : memref<32x128xf32, #tpu.memory_space<vmem>>) target_semaphore(%arg17 : memref<!tpu.dma_semaphore, #tpu.memory_space<semaphore_mem>>)
    %broadcast_in_dim3A = arith.constant 0.000000e+00 : f32
    %broadcast_in_dim3A_240 = vector.broadcast %broadcast_in_dim3A : f32 to vector<16xf32>
    %scan3A = arith.constant 0 : i32
    %scan3A_241 = arith.constant 64 : i32
    %scan3A_242 = arith.addi %scan3A, %scan3A_241 : i32
    %scan3A_243 = arith.constant 1 : i32
    %scan3A_244:2 = scf.for %scan3A_246 = %scan3A to %scan3A_242 step %scan3A_243 iter_args(%scan3A_247 = %broadcast_in_dim3A_240, %scan3A_248 = %broadcast_in_dim3A_240) -> (vector<16xf32>, vector<16xf32>)  : i32 {
      %mul3A_249 = arith.constant 2 : i32
      %mul3A_250 = arith.muli %scan3A_246, %mul3A_249 : i32
      %add3A_251 = arith.constant 0 : i32
      %add3A_252 = arith.addi %mul3A_250, %add3A_251 : i32
      %add3A_253 = arith.constant 1 : i32
      %add3A_254 = arith.addi %add3A_252, %add3A_253 : i32
      %lt3A = arith.constant 128 : i32
      %lt3A_255 = arith.cmpi slt, %add3A_254, %lt3A : i32
      %convert_element_type3A = arith.extui %lt3A_255 : i1 to i32
      %cond3A = arith.constant 0 : i32
      %cond3A_256 = arith.cmpi ne, %convert_element_type3A, %cond3A : i32
      scf.if %cond3A_256 {
        %add3A_1500 = arith.constant 1 : i32
        %add3A_1501 = arith.addi %add3A_252, %add3A_1500 : i32
        %get3A_1502 = arith.index_cast %add3A_1501 : i32 to index
        %get3A_1503 = arith.constant 0 : index
        %get3A_1504 = tpu.vector_load %arg9[%get3A_1502, %get3A_1503] {strides = array<i32>} : memref<128x16xi32, #tpu.memory_space<vmem>>, vector<16xi32>,
        %slice3A_1505 = vector.extract_strided_slice %get3A_1504 {offsets = [0], sizes = [1], strides = [1]} : vector<16xi32> to vector<1xi32>
        %squeeze3A_1506 = vector.extract %slice3A_1505[0] : i32 from vector<1xi32>
        %and3A_1507 = arith.constant -128 : i32
        %and3A_1508 = arith.andi %squeeze3A_1506, %and3A_1507 : i32
        %multiple_of3A_1509 = tpu.assume_multiple %and3A_1508, 128 : i32
        %dma_start3A_1510 = arith.constant 1 : i32
        %dma_start3A_1511 = arith.constant 0 : i32
        %dma_start3A_1512 = arith.constant 0 : i32
        %dma_start3A_1513 = arith.constant 0 : i32
        %dma_start3A_1514 = tpu.memref_slice %arg10[%dma_start3A_1510, %dma_start3A_1511, %dma_start3A_1512, %dma_start3A_1513] : memref<2x4x32x128xf32, #tpu.memory_space<vmem>> -> memref<1x1x32x128xf32, #tpu.memory_space<vmem>>
        %dma_start3A_1515 = tpu.memref_squeeze %dma_start3A_1514 : memref<1x1x32x128xf32, #tpu.memory_space<vmem>> -> memref<32x128xf32, #tpu.memory_space<vmem>>
        %dma_start3A_1516 = arith.constant 0 : i32
        %dma_start3A_1517 = tpu.memref_slice %arg3[%dma_start3A_1516, %multiple_of3A_1509] : memref<32x1000000xf32, #tpu.memory_space<hbm>> -> memref<32x128xf32, #tpu.memory_space<hbm>>
        %dma_start3A_1518 = arith.constant 0 : i32
        %dma_start3A_1519 = arith.constant 0 : i32
        %dma_start3A_1520 = tpu.memref_slice %arg10[%dma_start3A_1510, %dma_start3A_1511, %dma_start3A_1518, %dma_start3A_1519] : memref<2x4x32x128xf32, #tpu.memory_space<vmem>> -> memref<1x1x32x128xf32, #tpu.memory_space<vmem>>
        %dma_start3A_1521 = tpu.memref_squeeze %dma_start3A_1520 : memref<1x1x32x128xf32, #tpu.memory_space<vmem>> -> memref<32x128xf32, #tpu.memory_space<vmem>>
        %dma_start3A_1522 = arith.constant 0 : i32
        %dma_start3A_1523 = tpu.memref_slice %arg3[%dma_start3A_1522, %multiple_of3A_1509] : memref<32x1000000xf32, #tpu.memory_space<hbm>> -> memref<32x128xf32, #tpu.memory_space<hbm>>
        tpu.enqueue_dma source(%dma_start3A_1523 : memref<32x128xf32, #tpu.memory_space<hbm>>) target(%dma_start3A_1521 : memref<32x128xf32, #tpu.memory_space<vmem>>) target_semaphore(%arg17 : memref<!tpu.dma_semaphore, #tpu.memory_space<semaphore_mem>>)
        %slice3A_1524 = vector.extract_strided_slice %get3A_1504 {offsets = [4], sizes = [1], strides = [1]} : vector<16xi32> to vector<1xi32>
        %squeeze3A_1525 = vector.extract %slice3A_1524[0] : i32 from vector<1xi32>
        %and3A_1526 = arith.constant -128 : i32
        %and3A_1527 = arith.andi %squeeze3A_1525, %and3A_1526 : i32
        %multiple_of3A_1528 = tpu.assume_multiple %and3A_1527, 128 : i32
        %dma_start3A_1529 = arith.constant 1 : i32
        %dma_start3A_1530 = arith.constant 0 : i32
        %dma_start3A_1531 = arith.constant 0 : i32
        %dma_start3A_1532 = arith.constant 0 : i32
        %dma_start3A_1533 = tpu.memref_slice %arg11[%dma_start3A_1529, %dma_start3A_1530, %dma_start3A_1531, %dma_start3A_1532] : memref<2x4x32x128xf32, #tpu.memory_space<vmem>> -> memref<1x1x32x128xf32, #tpu.memory_space<vmem>>
        %dma_start3A_1534 = tpu.memref_squeeze %dma_start3A_1533 : memref<1x1x32x128xf32, #tpu.memory_space<vmem>> -> memref<32x128xf32, #tpu.memory_space<vmem>>
        %dma_start3A_1535 = arith.constant 0 : i32
        %dma_start3A_1536 = tpu.memref_slice %arg4[%dma_start3A_1535, %multiple_of3A_1528] : memref<32x1000000xf32, #tpu.memory_space<hbm>> -> memref<32x128xf32, #tpu.memory_space<hbm>>
        %dma_start3A_1537 = arith.constant 0 : i32
        %dma_start3A_1538 = arith.constant 0 : i32
        %dma_start3A_1539 = tpu.memref_slice %arg11[%dma_start3A_1529, %dma_start3A_1530, %dma_start3A_1537, %dma_start3A_1538] : memref<2x4x32x128xf32, #tpu.memory_space<vmem>> -> memref<1x1x32x128xf32, #tpu.memory_space<vmem>>
        %dma_start3A_1540 = tpu.memref_squeeze %dma_start3A_1539 : memref<1x1x32x128xf32, #tpu.memory_space<vmem>> -> memref<32x128xf32, #tpu.memory_space<vmem>>
        %dma_start3A_1541 = arith.constant 0 : i32
        %dma_start3A_1542 = tpu.memref_slice %arg4[%dma_start3A_1541, %multiple_of3A_1528] : memref<32x1000000xf32, #tpu.memory_space<hbm>> -> memref<32x128xf32, #tpu.memory_space<hbm>>
        tpu.enqueue_dma source(%dma_start3A_1542 : memref<32x128xf32, #tpu.memory_space<hbm>>) target(%dma_start3A_1540 : memref<32x128xf32, #tpu.memory_space<vmem>>) target_semaphore(%arg17 : memref<!tpu.dma_semaphore, #tpu.memory_space<semaphore_mem>>)
        %slice3A_1543 = vector.extract_strided_slice %get3A_1504 {offsets = [8], sizes = [1], strides = [1]} : vector<16xi32> to vector<1xi32>
        %squeeze3A_1544 = vector.extract %slice3A_1543[0] : i32 from vector<1xi32>
        %and3A_1545 = arith.constant -128 : i32
        %and3A_1546 = arith.andi %squeeze3A_1544, %and3A_1545 : i32
        %multiple_of3A_1547 = tpu.assume_multiple %and3A_1546, 128 : i32
        %dma_start3A_1548 = arith.constant 1 : i32
        %dma_start3A_1549 = arith.constant 0 : i32
        %dma_start3A_1550 = arith.constant 0 : i32
        %dma_start3A_1551 = arith.constant 0 : i32
        %dma_start3A_1552 = tpu.memref_slice %arg12[%dma_start3A_1548, %dma_start3A_1549, %dma_start3A_1550, %dma_start3A_1551] : memref<2x4x32x128xf32, #tpu.memory_space<vmem>> -> memref<1x1x32x128xf32, #tpu.memory_space<vmem>>
        %dma_start3A_1553 = tpu.memref_squeeze %dma_start3A_1552 : memref<1x1x32x128xf32, #tpu.memory_space<vmem>> -> memref<32x128xf32, #tpu.memory_space<vmem>>
        %dma_start3A_1554 = arith.constant 0 : i32
        %dma_start3A_1555 = tpu.memref_slice %arg4[%dma_start3A_1554, %multiple_of3A_1547] : memref<32x1000000xf32, #tpu.memory_space<hbm>> -> memref<32x128xf32, #tpu.memory_space<hbm>>
        %dma_start3A_1556 = arith.constant 0 : i32
        %dma_start3A_1557 = arith.constant 0 : i32
        %dma_start3A_1558 = tpu.memref_slice %arg12[%dma_start3A_1548, %dma_start3A_1549, %dma_start3A_1556, %dma_start3A_1557] : memref<2x4x32x128xf32, #tpu.memory_space<vmem>> -> memref<1x1x32x128xf32, #tpu.memory_space<vmem>>
        %dma_start3A_1559 = tpu.memref_squeeze %dma_start3A_1558 : memref<1x1x32x128xf32, #tpu.memory_space<vmem>> -> memref<32x128xf32, #tpu.memory_space<vmem>>
        %dma_start3A_1560 = arith.constant 0 : i32
        %dma_start3A_1561 = tpu.memref_slice %arg4[%dma_start3A_1560, %multiple_of3A_1547] : memref<32x1000000xf32, #tpu.memory_space<hbm>> -> memref<32x128xf32, #tpu.memory_space<hbm>>
        tpu.enqueue_dma source(%dma_start3A_1561 : memref<32x128xf32, #tpu.memory_space<hbm>>) target(%dma_start3A_1559 : memref<32x128xf32, #tpu.memory_space<vmem>>) target_semaphore(%arg17 : memref<!tpu.dma_semaphore, #tpu.memory_space<semaphore_mem>>)
        %slice3A_1562 = vector.extract_strided_slice %get3A_1504 {offsets = [1], sizes = [1], strides = [1]} : vector<16xi32> to vector<1xi32>
        %squeeze3A_1563 = vector.extract %slice3A_1562[0] : i32 from vector<1xi32>
        %and3A_1564 = arith.constant -128 : i32
        %and3A_1565 = arith.andi %squeeze3A_1563, %and3A_1564 : i32
        %multiple_of3A_1566 = tpu.assume_multiple %and3A_1565, 128 : i32
        %dma_start3A_1567 = arith.constant 1 : i32
        %dma_start3A_1568 = arith.constant 1 : i32
        %dma_start3A_1569 = arith.constant 0 : i32
        %dma_start3A_1570 = arith.constant 0 : i32
        %dma_start3A_1571 = tpu.memref_slice %arg10[%dma_start3A_1567, %dma_start3A_1568, %dma_start3A_1569, %dma_start3A_1570] : memref<2x4x32x128xf32, #tpu.memory_space<vmem>> -> memref<1x1x32x128xf32, #tpu.memory_space<vmem>>
        %dma_start3A_1572 = tpu.memref_squeeze %dma_start3A_1571 : memref<1x1x32x128xf32, #tpu.memory_space<vmem>> -> memref<32x128xf32, #tpu.memory_space<vmem>>
        %dma_start3A_1573 = arith.constant 0 : i32
        %dma_start3A_1574 = tpu.memref_slice %arg3[%dma_start3A_1573, %multiple_of3A_1566] : memref<32x1000000xf32, #tpu.memory_space<hbm>> -> memref<32x128xf32, #tpu.memory_space<hbm>>
        %dma_start3A_1575 = arith.constant 0 : i32
        %dma_start3A_1576 = arith.constant 0 : i32
        %dma_start3A_1577 = tpu.memref_slice %arg10[%dma_start3A_1567, %dma_start3A_1568, %dma_start3A_1575, %dma_start3A_1576] : memref<2x4x32x128xf32, #tpu.memory_space<vmem>> -> memref<1x1x32x128xf32, #tpu.memory_space<vmem>>
        %dma_start3A_1578 = tpu.memref_squeeze %dma_start3A_1577 : memref<1x1x32x128xf32, #tpu.memory_space<vmem>> -> memref<32x128xf32, #tpu.memory_space<vmem>>
        %dma_start3A_1579 = arith.constant 0 : i32
        %dma_start3A_1580 = tpu.memref_slice %arg3[%dma_start3A_1579, %multiple_of3A_1566] : memref<32x1000000xf32, #tpu.memory_space<hbm>> -> memref<32x128xf32, #tpu.memory_space<hbm>>
        tpu.enqueue_dma source(%dma_start3A_1580 : memref<32x128xf32, #tpu.memory_space<hbm>>) target(%dma_start3A_1578 : memref<32x128xf32, #tpu.memory_space<vmem>>) target_semaphore(%arg17 : memref<!tpu.dma_semaphore, #tpu.memory_space<semaphore_mem>>)
        %slice3A_1581 = vector.extract_strided_slice %get3A_1504 {offsets = [5], sizes = [1], strides = [1]} : vector<16xi32> to vector<1xi32>
        %squeeze3A_1582 = vector.extract %slice3A_1581[0] : i32 from vector<1xi32>
        %and3A_1583 = arith.constant -128 : i32
        %and3A_1584 = arith.andi %squeeze3A_1582, %and3A_1583 : i32
        %multiple_of3A_1585 = tpu.assume_multiple %and3A_1584, 128 : i32
        %dma_start3A_1586 = arith.constant 1 : i32
        %dma_start3A_1587 = arith.constant 1 : i32
        %dma_start3A_1588 = arith.constant 0 : i32
        %dma_start3A_1589 = arith.constant 0 : i32
        %dma_start3A_1590 = tpu.memref_slice %arg11[%dma_start3A_1586, %dma_start3A_1587, %dma_start3A_1588, %dma_start3A_1589] : memref<2x4x32x128xf32, #tpu.memory_space<vmem>> -> memref<1x1x32x128xf32, #tpu.memory_space<vmem>>
        %dma_start3A_1591 = tpu.memref_squeeze %dma_start3A_1590 : memref<1x1x32x128xf32, #tpu.memory_space<vmem>> -> memref<32x128xf32, #tpu.memory_space<vmem>>
        %dma_start3A_1592 = arith.constant 0 : i32
        %dma_start3A_1593 = tpu.memref_slice %arg4[%dma_start3A_1592, %multiple_of3A_1585] : memref<32x1000000xf32, #tpu.memory_space<hbm>> -> memref<32x128xf32, #tpu.memory_space<hbm>>
        %dma_start3A_1594 = arith.constant 0 : i32
        %dma_start3A_1595 = arith.constant 0 : i32
        %dma_start3A_1596 = tpu.memref_slice %arg11[%dma_start3A_1586, %dma_start3A_1587, %dma_start3A_1594, %dma_start3A_1595] : memref<2x4x32x128xf32, #tpu.memory_space<vmem>> -> memref<1x1x32x128xf32, #tpu.memory_space<vmem>>
        %dma_start3A_1597 = tpu.memref_squeeze %dma_start3A_1596 : memref<1x1x32x128xf32, #tpu.memory_space<vmem>> -> memref<32x128xf32, #tpu.memory_space<vmem>>
        %dma_start3A_1598 = arith.constant 0 : i32
        %dma_start3A_1599 = tpu.memref_slice %arg4[%dma_start3A_1598, %multiple_of3A_1585] : memref<32x1000000xf32, #tpu.memory_space<hbm>> -> memref<32x128xf32, #tpu.memory_space<hbm>>
        tpu.enqueue_dma source(%dma_start3A_1599 : memref<32x128xf32, #tpu.memory_space<hbm>>) target(%dma_start3A_1597 : memref<32x128xf32, #tpu.memory_space<vmem>>) target_semaphore(%arg17 : memref<!tpu.dma_semaphore, #tpu.memory_space<semaphore_mem>>)
        %slice3A_1600 = vector.extract_strided_slice %get3A_1504 {offsets = [9], sizes = [1], strides = [1]} : vector<16xi32> to vector<1xi32>
        %squeeze3A_1601 = vector.extract %slice3A_1600[0] : i32 from vector<1xi32>
        %and3A_1602 = arith.constant -128 : i32
        %and3A_1603 = arith.andi %squeeze3A_1601, %and3A_1602 : i32
        %multiple_of3A_1604 = tpu.assume_multiple %and3A_1603, 128 : i32
        %dma_start3A_1605 = arith.constant 1 : i32
        %dma_start3A_1606 = arith.constant 1 : i32
        %dma_start3A_1607 = arith.constant 0 : i32
        %dma_start3A_1608 = arith.constant 0 : i32
        %dma_start3A_1609 = tpu.memref_slice %arg12[%dma_start3A_1605, %dma_start3A_1606, %dma_start3A_1607, %dma_start3A_1608] : memref<2x4x32x128xf32, #tpu.memory_space<vmem>> -> memref<1x1x32x128xf32, #tpu.memory_space<vmem>>
        %dma_start3A_1610 = tpu.memref_squeeze %dma_start3A_1609 : memref<1x1x32x128xf32, #tpu.memory_space<vmem>> -> memref<32x128xf32, #tpu.memory_space<vmem>>
        %dma_start3A_1611 = arith.constant 0 : i32
        %dma_start3A_1612 = tpu.memref_slice %arg4[%dma_start3A_1611, %multiple_of3A_1604] : memref<32x1000000xf32, #tpu.memory_space<hbm>> -> memref<32x128xf32, #tpu.memory_space<hbm>>
        %dma_start3A_1613 = arith.constant 0 : i32
        %dma_start3A_1614 = arith.constant 0 : i32
        %dma_start3A_1615 = tpu.memref_slice %arg12[%dma_start3A_1605, %dma_start3A_1606, %dma_start3A_1613, %dma_start3A_1614] : memref<2x4x32x128xf32, #tpu.memory_space<vmem>> -> memref<1x1x32x128xf32, #tpu.memory_space<vmem>>
        %dma_start3A_1616 = tpu.memref_squeeze %dma_start3A_1615 : memref<1x1x32x128xf32, #tpu.memory_space<vmem>> -> memref<32x128xf32, #tpu.memory_space<vmem>>
        %dma_start3A_1617 = arith.constant 0 : i32
        %dma_start3A_1618 = tpu.memref_slice %arg4[%dma_start3A_1617, %multiple_of3A_1604] : memref<32x1000000xf32, #tpu.memory_space<hbm>> -> memref<32x128xf32, #tpu.memory_space<hbm>>
        tpu.enqueue_dma source(%dma_start3A_1618 : memref<32x128xf32, #tpu.memory_space<hbm>>) target(%dma_start3A_1616 : memref<32x128xf32, #tpu.memory_space<vmem>>) target_semaphore(%arg17 : memref<!tpu.dma_semaphore, #tpu.memory_space<semaphore_mem>>)
        %slice3A_1619 = vector.extract_strided_slice %get3A_1504 {offsets = [2], sizes = [1], strides = [1]} : vector<16xi32> to vector<1xi32>
        %squeeze3A_1620 = vector.extract %slice3A_1619[0] : i32 from vector<1xi32>
        %and3A_1621 = arith.constant -128 : i32
        %and3A_1622 = arith.andi %squeeze3A_1620, %and3A_1621 : i32
        %multiple_of3A_1623 = tpu.assume_multiple %and3A_1622, 128 : i32
        %dma_start3A_1624 = arith.constant 1 : i32
        %dma_start3A_1625 = arith.constant 2 : i32
        %dma_start3A_1626 = arith.constant 0 : i32
        %dma_start3A_1627 = arith.constant 0 : i32
        %dma_start3A_1628 = tpu.memref_slice %arg10[%dma_start3A_1624, %dma_start3A_1625, %dma_start3A_1626, %dma_start3A_1627] : memref<2x4x32x128xf32, #tpu.memory_space<vmem>> -> memref<1x1x32x128xf32, #tpu.memory_space<vmem>>
        %dma_start3A_1629 = tpu.memref_squeeze %dma_start3A_1628 : memref<1x1x32x128xf32, #tpu.memory_space<vmem>> -> memref<32x128xf32, #tpu.memory_space<vmem>>
        %dma_start3A_1630 = arith.constant 0 : i32
        %dma_start3A_1631 = tpu.memref_slice %arg3[%dma_start3A_1630, %multiple_of3A_1623] : memref<32x1000000xf32, #tpu.memory_space<hbm>> -> memref<32x128xf32, #tpu.memory_space<hbm>>
        %dma_start3A_1632 = arith.constant 0 : i32
        %dma_start3A_1633 = arith.constant 0 : i32
        %dma_start3A_1634 = tpu.memref_slice %arg10[%dma_start3A_1624, %dma_start3A_1625, %dma_start3A_1632, %dma_start3A_1633] : memref<2x4x32x128xf32, #tpu.memory_space<vmem>> -> memref<1x1x32x128xf32, #tpu.memory_space<vmem>>
        %dma_start3A_1635 = tpu.memref_squeeze %dma_start3A_1634 : memref<1x1x32x128xf32, #tpu.memory_space<vmem>> -> memref<32x128xf32, #tpu.memory_space<vmem>>
        %dma_start3A_1636 = arith.constant 0 : i32
        %dma_start3A_1637 = tpu.memref_slice %arg3[%dma_start3A_1636, %multiple_of3A_1623] : memref<32x1000000xf32, #tpu.memory_space<hbm>> -> memref<32x128xf32, #tpu.memory_space<hbm>>
        tpu.enqueue_dma source(%dma_start3A_1637 : memref<32x128xf32, #tpu.memory_space<hbm>>) target(%dma_start3A_1635 : memref<32x128xf32, #tpu.memory_space<vmem>>) target_semaphore(%arg17 : memref<!tpu.dma_semaphore, #tpu.memory_space<semaphore_mem>>)
        %slice3A_1638 = vector.extract_strided_slice %get3A_1504 {offsets = [6], sizes = [1], strides = [1]} : vector<16xi32> to vector<1xi32>
        %squeeze3A_1639 = vector.extract %slice3A_1638[0] : i32 from vector<1xi32>
        %and3A_1640 = arith.constant -128 : i32
        %and3A_1641 = arith.andi %squeeze3A_1639, %and3A_1640 : i32
        %multiple_of3A_1642 = tpu.assume_multiple %and3A_1641, 128 : i32
        %dma_start3A_1643 = arith.constant 1 : i32
        %dma_start3A_1644 = arith.constant 2 : i32
        %dma_start3A_1645 = arith.constant 0 : i32
        %dma_start3A_1646 = arith.constant 0 : i32
        %dma_start3A_1647 = tpu.memref_slice %arg11[%dma_start3A_1643, %dma_start3A_1644, %dma_start3A_1645, %dma_start3A_1646] : memref<2x4x32x128xf32, #tpu.memory_space<vmem>> -> memref<1x1x32x128xf32, #tpu.memory_space<vmem>>
        %dma_start3A_1648 = tpu.memref_squeeze %dma_start3A_1647 : memref<1x1x32x128xf32, #tpu.memory_space<vmem>> -> memref<32x128xf32, #tpu.memory_space<vmem>>
        %dma_start3A_1649 = arith.constant 0 : i32
        %dma_start3A_1650 = tpu.memref_slice %arg4[%dma_start3A_1649, %multiple_of3A_1642] : memref<32x1000000xf32, #tpu.memory_space<hbm>> -> memref<32x128xf32, #tpu.memory_space<hbm>>
        %dma_start3A_1651 = arith.constant 0 : i32
        %dma_start3A_1652 = arith.constant 0 : i32
        %dma_start3A_1653 = tpu.memref_slice %arg11[%dma_start3A_1643, %dma_start3A_1644, %dma_start3A_1651, %dma_start3A_1652] : memref<2x4x32x128xf32, #tpu.memory_space<vmem>> -> memref<1x1x32x128xf32, #tpu.memory_space<vmem>>
        %dma_start3A_1654 = tpu.memref_squeeze %dma_start3A_1653 : memref<1x1x32x128xf32, #tpu.memory_space<vmem>> -> memref<32x128xf32, #tpu.memory_space<vmem>>
        %dma_start3A_1655 = arith.constant 0 : i32
        %dma_start3A_1656 = tpu.memref_slice %arg4[%dma_start3A_1655, %multiple_of3A_1642] : memref<32x1000000xf32, #tpu.memory_space<hbm>> -> memref<32x128xf32, #tpu.memory_space<hbm>>
        tpu.enqueue_dma source(%dma_start3A_1656 : memref<32x128xf32, #tpu.memory_space<hbm>>) target(%dma_start3A_1654 : memref<32x128xf32, #tpu.memory_space<vmem>>) target_semaphore(%arg17 : memref<!tpu.dma_semaphore, #tpu.memory_space<semaphore_mem>>)
        %slice3A_1657 = vector.extract_strided_slice %get3A_1504 {offsets = [10], sizes = [1], strides = [1]} : vector<16xi32> to vector<1xi32>
        %squeeze3A_1658 = vector.extract %slice3A_1657[0] : i32 from vector<1xi32>
        %and3A_1659 = arith.constant -128 : i32
        %and3A_1660 = arith.andi %squeeze3A_1658, %and3A_1659 : i32
        %multiple_of3A_1661 = tpu.assume_multiple %and3A_1660, 128 : i32
        %dma_start3A_1662 = arith.constant 1 : i32
        %dma_start3A_1663 = arith.constant 2 : i32
        %dma_start3A_1664 = arith.constant 0 : i32
        %dma_start3A_1665 = arith.constant 0 : i32
        %dma_start3A_1666 = tpu.memref_slice %arg12[%dma_start3A_1662, %dma_start3A_1663, %dma_start3A_1664, %dma_start3A_1665] : memref<2x4x32x128xf32, #tpu.memory_space<vmem>> -> memref<1x1x32x128xf32, #tpu.memory_space<vmem>>
        %dma_start3A_1667 = tpu.memref_squeeze %dma_start3A_1666 : memref<1x1x32x128xf32, #tpu.memory_space<vmem>> -> memref<32x128xf32, #tpu.memory_space<vmem>>
        %dma_start3A_1668 = arith.constant 0 : i32
        %dma_start3A_1669 = tpu.memref_slice %arg4[%dma_start3A_1668, %multiple_of3A_1661] : memref<32x1000000xf32, #tpu.memory_space<hbm>> -> memref<32x128xf32, #tpu.memory_space<hbm>>
        %dma_start3A_1670 = arith.constant 0 : i32
        %dma_start3A_1671 = arith.constant 0 : i32
        %dma_start3A_1672 = tpu.memref_slice %arg12[%dma_start3A_1662, %dma_start3A_1663, %dma_start3A_1670, %dma_start3A_1671] : memref<2x4x32x128xf32, #tpu.memory_space<vmem>> -> memref<1x1x32x128xf32, #tpu.memory_space<vmem>>
        %dma_start3A_1673 = tpu.memref_squeeze %dma_start3A_1672 : memref<1x1x32x128xf32, #tpu.memory_space<vmem>> -> memref<32x128xf32, #tpu.memory_space<vmem>>
        %dma_start3A_1674 = arith.constant 0 : i32
        %dma_start3A_1675 = tpu.memref_slice %arg4[%dma_start3A_1674, %multiple_of3A_1661] : memref<32x1000000xf32, #tpu.memory_space<hbm>> -> memref<32x128xf32, #tpu.memory_space<hbm>>
        tpu.enqueue_dma source(%dma_start3A_1675 : memref<32x128xf32, #tpu.memory_space<hbm>>) target(%dma_start3A_1673 : memref<32x128xf32, #tpu.memory_space<vmem>>) target_semaphore(%arg17 : memref<!tpu.dma_semaphore, #tpu.memory_space<semaphore_mem>>)
        %slice3A_1676 = vector.extract_strided_slice %get3A_1504 {offsets = [3], sizes = [1], strides = [1]} : vector<16xi32> to vector<1xi32>
        %squeeze3A_1677 = vector.extract %slice3A_1676[0] : i32 from vector<1xi32>
        %and3A_1678 = arith.constant -128 : i32
        %and3A_1679 = arith.andi %squeeze3A_1677, %and3A_1678 : i32
        %multiple_of3A_1680 = tpu.assume_multiple %and3A_1679, 128 : i32
        %dma_start3A_1681 = arith.constant 1 : i32
        %dma_start3A_1682 = arith.constant 3 : i32
        %dma_start3A_1683 = arith.constant 0 : i32
        %dma_start3A_1684 = arith.constant 0 : i32
        %dma_start3A_1685 = tpu.memref_slice %arg10[%dma_start3A_1681, %dma_start3A_1682, %dma_start3A_1683, %dma_start3A_1684] : memref<2x4x32x128xf32, #tpu.memory_space<vmem>> -> memref<1x1x32x128xf32, #tpu.memory_space<vmem>>
        %dma_start3A_1686 = tpu.memref_squeeze %dma_start3A_1685 : memref<1x1x32x128xf32, #tpu.memory_space<vmem>> -> memref<32x128xf32, #tpu.memory_space<vmem>>
        %dma_start3A_1687 = arith.constant 0 : i32
        %dma_start3A_1688 = tpu.memref_slice %arg3[%dma_start3A_1687, %multiple_of3A_1680] : memref<32x1000000xf32, #tpu.memory_space<hbm>> -> memref<32x128xf32, #tpu.memory_space<hbm>>
        %dma_start3A_1689 = arith.constant 0 : i32
        %dma_start3A_1690 = arith.constant 0 : i32
        %dma_start3A_1691 = tpu.memref_slice %arg10[%dma_start3A_1681, %dma_start3A_1682, %dma_start3A_1689, %dma_start3A_1690] : memref<2x4x32x128xf32, #tpu.memory_space<vmem>> -> memref<1x1x32x128xf32, #tpu.memory_space<vmem>>
        %dma_start3A_1692 = tpu.memref_squeeze %dma_start3A_1691 : memref<1x1x32x128xf32, #tpu.memory_space<vmem>> -> memref<32x128xf32, #tpu.memory_space<vmem>>
        %dma_start3A_1693 = arith.constant 0 : i32
        %dma_start3A_1694 = tpu.memref_slice %arg3[%dma_start3A_1693, %multiple_of3A_1680] : memref<32x1000000xf32, #tpu.memory_space<hbm>> -> memref<32x128xf32, #tpu.memory_space<hbm>>
        tpu.enqueue_dma source(%dma_start3A_1694 : memref<32x128xf32, #tpu.memory_space<hbm>>) target(%dma_start3A_1692 : memref<32x128xf32, #tpu.memory_space<vmem>>) target_semaphore(%arg17 : memref<!tpu.dma_semaphore, #tpu.memory_space<semaphore_mem>>)
        %slice3A_1695 = vector.extract_strided_slice %get3A_1504 {offsets = [7], sizes = [1], strides = [1]} : vector<16xi32> to vector<1xi32>
        %squeeze3A_1696 = vector.extract %slice3A_1695[0] : i32 from vector<1xi32>
        %and3A_1697 = arith.constant -128 : i32
        %and3A_1698 = arith.andi %squeeze3A_1696, %and3A_1697 : i32
        %multiple_of3A_1699 = tpu.assume_multiple %and3A_1698, 128 : i32
        %dma_start3A_1700 = arith.constant 1 : i32
        %dma_start3A_1701 = arith.constant 3 : i32
        %dma_start3A_1702 = arith.constant 0 : i32
        %dma_start3A_1703 = arith.constant 0 : i32
        %dma_start3A_1704 = tpu.memref_slice %arg11[%dma_start3A_1700, %dma_start3A_1701, %dma_start3A_1702, %dma_start3A_1703] : memref<2x4x32x128xf32, #tpu.memory_space<vmem>> -> memref<1x1x32x128xf32, #tpu.memory_space<vmem>>
        %dma_start3A_1705 = tpu.memref_squeeze %dma_start3A_1704 : memref<1x1x32x128xf32, #tpu.memory_space<vmem>> -> memref<32x128xf32, #tpu.memory_space<vmem>>
        %dma_start3A_1706 = arith.constant 0 : i32
        %dma_start3A_1707 = tpu.memref_slice %arg4[%dma_start3A_1706, %multiple_of3A_1699] : memref<32x1000000xf32, #tpu.memory_space<hbm>> -> memref<32x128xf32, #tpu.memory_space<hbm>>
        %dma_start3A_1708 = arith.constant 0 : i32
        %dma_start3A_1709 = arith.constant 0 : i32
        %dma_start3A_1710 = tpu.memref_slice %arg11[%dma_start3A_1700, %dma_start3A_1701, %dma_start3A_1708, %dma_start3A_1709] : memref<2x4x32x128xf32, #tpu.memory_space<vmem>> -> memref<1x1x32x128xf32, #tpu.memory_space<vmem>>
        %dma_start3A_1711 = tpu.memref_squeeze %dma_start3A_1710 : memref<1x1x32x128xf32, #tpu.memory_space<vmem>> -> memref<32x128xf32, #tpu.memory_space<vmem>>
        %dma_start3A_1712 = arith.constant 0 : i32
        %dma_start3A_1713 = tpu.memref_slice %arg4[%dma_start3A_1712, %multiple_of3A_1699] : memref<32x1000000xf32, #tpu.memory_space<hbm>> -> memref<32x128xf32, #tpu.memory_space<hbm>>
        tpu.enqueue_dma source(%dma_start3A_1713 : memref<32x128xf32, #tpu.memory_space<hbm>>) target(%dma_start3A_1711 : memref<32x128xf32, #tpu.memory_space<vmem>>) target_semaphore(%arg17 : memref<!tpu.dma_semaphore, #tpu.memory_space<semaphore_mem>>)
        %slice3A_1714 = vector.extract_strided_slice %get3A_1504 {offsets = [11], sizes = [1], strides = [1]} : vector<16xi32> to vector<1xi32>
        %squeeze3A_1715 = vector.extract %slice3A_1714[0] : i32 from vector<1xi32>
        %and3A_1716 = arith.constant -128 : i32
        %and3A_1717 = arith.andi %squeeze3A_1715, %and3A_1716 : i32
        %multiple_of3A_1718 = tpu.assume_multiple %and3A_1717, 128 : i32
        %dma_start3A_1719 = arith.constant 1 : i32
        %dma_start3A_1720 = arith.constant 3 : i32
        %dma_start3A_1721 = arith.constant 0 : i32
        %dma_start3A_1722 = arith.constant 0 : i32
        %dma_start3A_1723 = tpu.memref_slice %arg12[%dma_start3A_1719, %dma_start3A_1720, %dma_start3A_1721, %dma_start3A_1722] : memref<2x4x32x128xf32, #tpu.memory_space<vmem>> -> memref<1x1x32x128xf32, #tpu.memory_space<vmem>>
        %dma_start3A_1724 = tpu.memref_squeeze %dma_start3A_1723 : memref<1x1x32x128xf32, #tpu.memory_space<vmem>> -> memref<32x128xf32, #tpu.memory_space<vmem>>
        %dma_start3A_1725 = arith.constant 0 : i32
        %dma_start3A_1726 = tpu.memref_slice %arg4[%dma_start3A_1725, %multiple_of3A_1718] : memref<32x1000000xf32, #tpu.memory_space<hbm>> -> memref<32x128xf32, #tpu.memory_space<hbm>>
        %dma_start3A_1727 = arith.constant 0 : i32
        %dma_start3A_1728 = arith.constant 0 : i32
        %dma_start3A_1729 = tpu.memref_slice %arg12[%dma_start3A_1719, %dma_start3A_1720, %dma_start3A_1727, %dma_start3A_1728] : memref<2x4x32x128xf32, #tpu.memory_space<vmem>> -> memref<1x1x32x128xf32, #tpu.memory_space<vmem>>
        %dma_start3A_1730 = tpu.memref_squeeze %dma_start3A_1729 : memref<1x1x32x128xf32, #tpu.memory_space<vmem>> -> memref<32x128xf32, #tpu.memory_space<vmem>>
        %dma_start3A_1731 = arith.constant 0 : i32
        %dma_start3A_1732 = tpu.memref_slice %arg4[%dma_start3A_1731, %multiple_of3A_1718] : memref<32x1000000xf32, #tpu.memory_space<hbm>> -> memref<32x128xf32, #tpu.memory_space<hbm>>
        tpu.enqueue_dma source(%dma_start3A_1732 : memref<32x128xf32, #tpu.memory_space<hbm>>) target(%dma_start3A_1730 : memref<32x128xf32, #tpu.memory_space<vmem>>) target_semaphore(%arg17 : memref<!tpu.dma_semaphore, #tpu.memory_space<semaphore_mem>>)
      } else {
      }
      %dma_wait3A = arith.constant 0 : i32
      %dma_wait3A_257 = arith.constant 0 : i32
      %dma_wait3A_258 = arith.constant 0 : i32
      %dma_wait3A_259 = arith.constant 0 : i32
      %dma_wait3A_260 = tpu.memref_slice %arg10[%dma_wait3A, %dma_wait3A_257, %dma_wait3A_258, %dma_wait3A_259] : memref<2x4x32x128xf32, #tpu.memory_space<vmem>> -> memref<1x1x32x128xf32, #tpu.memory_space<vmem>>
      %dma_wait3A_261 = tpu.memref_squeeze %dma_wait3A_260 : memref<1x1x32x128xf32, #tpu.memory_space<vmem>> -> memref<32x128xf32, #tpu.memory_space<vmem>>
      %dma_wait3A_262 = arith.constant 0 : i32
      %dma_wait3A_263 = arith.constant 0 : i32
      %dma_wait3A_264 = tpu.memref_slice %arg3[%dma_wait3A_262, %dma_wait3A_263] : memref<32x1000000xf32, #tpu.memory_space<hbm>> -> memref<32x128xf32, #tpu.memory_space<hbm>>
      %dma_wait3A_265 = arith.constant 0 : i32
      %dma_wait3A_266 = arith.constant 0 : i32
      %dma_wait3A_267 = tpu.memref_slice %arg10[%dma_wait3A, %dma_wait3A_257, %dma_wait3A_265, %dma_wait3A_266] : memref<2x4x32x128xf32, #tpu.memory_space<vmem>> -> memref<1x1x32x128xf32, #tpu.memory_space<vmem>>
      %dma_wait3A_268 = tpu.memref_squeeze %dma_wait3A_267 : memref<1x1x32x128xf32, #tpu.memory_space<vmem>> -> memref<32x128xf32, #tpu.memory_space<vmem>>
      %dma_wait3A_269 = arith.constant 0 : i32
      %dma_wait3A_270 = arith.constant 0 : i32
      %dma_wait3A_271 = tpu.memref_slice %arg3[%dma_wait3A_269, %dma_wait3A_270] : memref<32x1000000xf32, #tpu.memory_space<hbm>> -> memref<32x128xf32, #tpu.memory_space<hbm>>
      tpu.wait_dma2 semaphore(%arg17 : memref<!tpu.dma_semaphore, #tpu.memory_space<semaphore_mem>>) src(%dma_wait3A_271 : memref<32x128xf32, #tpu.memory_space<hbm>>) dst(%dma_wait3A_268 : memref<32x128xf32, #tpu.memory_space<vmem>>)
      %dma_wait3A_272 = arith.constant 0 : i32
      %dma_wait3A_273 = arith.constant 1 : i32
      %dma_wait3A_274 = arith.constant 0 : i32
      %dma_wait3A_275 = arith.constant 0 : i32
      %dma_wait3A_276 = tpu.memref_slice %arg10[%dma_wait3A_272, %dma_wait3A_273, %dma_wait3A_274, %dma_wait3A_275] : memref<2x4x32x128xf32, #tpu.memory_space<vmem>> -> memref<1x1x32x128xf32, #tpu.memory_space<vmem>>
      %dma_wait3A_277 = tpu.memref_squeeze %dma_wait3A_276 : memref<1x1x32x128xf32, #tpu.memory_space<vmem>> -> memref<32x128xf32, #tpu.memory_space<vmem>>
      %dma_wait3A_278 = arith.constant 0 : i32
      %dma_wait3A_279 = arith.constant 0 : i32
      %dma_wait3A_280 = tpu.memref_slice %arg3[%dma_wait3A_278, %dma_wait3A_279] : memref<32x1000000xf32, #tpu.memory_space<hbm>> -> memref<32x128xf32, #tpu.memory_space<hbm>>
      %dma_wait3A_281 = arith.constant 0 : i32
      %dma_wait3A_282 = arith.constant 0 : i32
      %dma_wait3A_283 = tpu.memref_slice %arg10[%dma_wait3A_272, %dma_wait3A_273, %dma_wait3A_281, %dma_wait3A_282] : memref<2x4x32x128xf32, #tpu.memory_space<vmem>> -> memref<1x1x32x128xf32, #tpu.memory_space<vmem>>
      %dma_wait3A_284 = tpu.memref_squeeze %dma_wait3A_283 : memref<1x1x32x128xf32, #tpu.memory_space<vmem>> -> memref<32x128xf32, #tpu.memory_space<vmem>>
      %dma_wait3A_285 = arith.constant 0 : i32
      %dma_wait3A_286 = arith.constant 0 : i32
      %dma_wait3A_287 = tpu.memref_slice %arg3[%dma_wait3A_285, %dma_wait3A_286] : memref<32x1000000xf32, #tpu.memory_space<hbm>> -> memref<32x128xf32, #tpu.memory_space<hbm>>
      tpu.wait_dma2 semaphore(%arg17 : memref<!tpu.dma_semaphore, #tpu.memory_space<semaphore_mem>>) src(%dma_wait3A_287 : memref<32x128xf32, #tpu.memory_space<hbm>>) dst(%dma_wait3A_284 : memref<32x128xf32, #tpu.memory_space<vmem>>)
      %dma_wait3A_288 = arith.constant 0 : i32
      %dma_wait3A_289 = arith.constant 2 : i32
      %dma_wait3A_290 = arith.constant 0 : i32
      %dma_wait3A_291 = arith.constant 0 : i32
      %dma_wait3A_292 = tpu.memref_slice %arg10[%dma_wait3A_288, %dma_wait3A_289, %dma_wait3A_290, %dma_wait3A_291] : memref<2x4x32x128xf32, #tpu.memory_space<vmem>> -> memref<1x1x32x128xf32, #tpu.memory_space<vmem>>
      %dma_wait3A_293 = tpu.memref_squeeze %dma_wait3A_292 : memref<1x1x32x128xf32, #tpu.memory_space<vmem>> -> memref<32x128xf32, #tpu.memory_space<vmem>>
      %dma_wait3A_294 = arith.constant 0 : i32
      %dma_wait3A_295 = arith.constant 0 : i32
      %dma_wait3A_296 = tpu.memref_slice %arg3[%dma_wait3A_294, %dma_wait3A_295] : memref<32x1000000xf32, #tpu.memory_space<hbm>> -> memref<32x128xf32, #tpu.memory_space<hbm>>
      %dma_wait3A_297 = arith.constant 0 : i32
      %dma_wait3A_298 = arith.constant 0 : i32
      %dma_wait3A_299 = tpu.memref_slice %arg10[%dma_wait3A_288, %dma_wait3A_289, %dma_wait3A_297, %dma_wait3A_298] : memref<2x4x32x128xf32, #tpu.memory_space<vmem>> -> memref<1x1x32x128xf32, #tpu.memory_space<vmem>>
      %dma_wait3A_300 = tpu.memref_squeeze %dma_wait3A_299 : memref<1x1x32x128xf32, #tpu.memory_space<vmem>> -> memref<32x128xf32, #tpu.memory_space<vmem>>
      %dma_wait3A_301 = arith.constant 0 : i32
      %dma_wait3A_302 = arith.constant 0 : i32
      %dma_wait3A_303 = tpu.memref_slice %arg3[%dma_wait3A_301, %dma_wait3A_302] : memref<32x1000000xf32, #tpu.memory_space<hbm>> -> memref<32x128xf32, #tpu.memory_space<hbm>>
      tpu.wait_dma2 semaphore(%arg17 : memref<!tpu.dma_semaphore, #tpu.memory_space<semaphore_mem>>) src(%dma_wait3A_303 : memref<32x128xf32, #tpu.memory_space<hbm>>) dst(%dma_wait3A_300 : memref<32x128xf32, #tpu.memory_space<vmem>>)
      %dma_wait3A_304 = arith.constant 0 : i32
      %dma_wait3A_305 = arith.constant 3 : i32
      %dma_wait3A_306 = arith.constant 0 : i32
      %dma_wait3A_307 = arith.constant 0 : i32
      %dma_wait3A_308 = tpu.memref_slice %arg10[%dma_wait3A_304, %dma_wait3A_305, %dma_wait3A_306, %dma_wait3A_307] : memref<2x4x32x128xf32, #tpu.memory_space<vmem>> -> memref<1x1x32x128xf32, #tpu.memory_space<vmem>>
      %dma_wait3A_309 = tpu.memref_squeeze %dma_wait3A_308 : memref<1x1x32x128xf32, #tpu.memory_space<vmem>> -> memref<32x128xf32, #tpu.memory_space<vmem>>
      %dma_wait3A_310 = arith.constant 0 : i32
      %dma_wait3A_311 = arith.constant 0 : i32
      %dma_wait3A_312 = tpu.memref_slice %arg3[%dma_wait3A_310, %dma_wait3A_311] : memref<32x1000000xf32, #tpu.memory_space<hbm>> -> memref<32x128xf32, #tpu.memory_space<hbm>>
      %dma_wait3A_313 = arith.constant 0 : i32
      %dma_wait3A_314 = arith.constant 0 : i32
      %dma_wait3A_315 = tpu.memref_slice %arg10[%dma_wait3A_304, %dma_wait3A_305, %dma_wait3A_313, %dma_wait3A_314] : memref<2x4x32x128xf32, #tpu.memory_space<vmem>> -> memref<1x1x32x128xf32, #tpu.memory_space<vmem>>
      %dma_wait3A_316 = tpu.memref_squeeze %dma_wait3A_315 : memref<1x1x32x128xf32, #tpu.memory_space<vmem>> -> memref<32x128xf32, #tpu.memory_space<vmem>>
      %dma_wait3A_317 = arith.constant 0 : i32
      %dma_wait3A_318 = arith.constant 0 : i32
      %dma_wait3A_319 = tpu.memref_slice %arg3[%dma_wait3A_317, %dma_wait3A_318] : memref<32x1000000xf32, #tpu.memory_space<hbm>> -> memref<32x128xf32, #tpu.memory_space<hbm>>
      tpu.wait_dma2 semaphore(%arg17 : memref<!tpu.dma_semaphore, #tpu.memory_space<semaphore_mem>>) src(%dma_wait3A_319 : memref<32x128xf32, #tpu.memory_space<hbm>>) dst(%dma_wait3A_316 : memref<32x128xf32, #tpu.memory_space<vmem>>)
      %dma_wait3A_320 = arith.constant 0 : i32
      %dma_wait3A_321 = arith.constant 0 : i32
      %dma_wait3A_322 = arith.constant 0 : i32
      %dma_wait3A_323 = arith.constant 0 : i32
      %dma_wait3A_324 = tpu.memref_slice %arg11[%dma_wait3A_320, %dma_wait3A_321, %dma_wait3A_322, %dma_wait3A_323] : memref<2x4x32x128xf32, #tpu.memory_space<vmem>> -> memref<1x1x32x128xf32, #tpu.memory_space<vmem>>
      %dma_wait3A_325 = tpu.memref_squeeze %dma_wait3A_324 : memref<1x1x32x128xf32, #tpu.memory_space<vmem>> -> memref<32x128xf32, #tpu.memory_space<vmem>>
      %dma_wait3A_326 = arith.constant 0 : i32
      %dma_wait3A_327 = arith.constant 0 : i32
      %dma_wait3A_328 = tpu.memref_slice %arg3[%dma_wait3A_326, %dma_wait3A_327] : memref<32x1000000xf32, #tpu.memory_space<hbm>> -> memref<32x128xf32, #tpu.memory_space<hbm>>
      %dma_wait3A_329 = arith.constant 0 : i32
      %dma_wait3A_330 = arith.constant 0 : i32
      %dma_wait3A_331 = tpu.memref_slice %arg11[%dma_wait3A_320, %dma_wait3A_321, %dma_wait3A_329, %dma_wait3A_330] : memref<2x4x32x128xf32, #tpu.memory_space<vmem>> -> memref<1x1x32x128xf32, #tpu.memory_space<vmem>>
      %dma_wait3A_332 = tpu.memref_squeeze %dma_wait3A_331 : memref<1x1x32x128xf32, #tpu.memory_space<vmem>> -> memref<32x128xf32, #tpu.memory_space<vmem>>
      %dma_wait3A_333 = arith.constant 0 : i32
      %dma_wait3A_334 = arith.constant 0 : i32
      %dma_wait3A_335 = tpu.memref_slice %arg3[%dma_wait3A_333, %dma_wait3A_334] : memref<32x1000000xf32, #tpu.memory_space<hbm>> -> memref<32x128xf32, #tpu.memory_space<hbm>>
      tpu.wait_dma2 semaphore(%arg17 : memref<!tpu.dma_semaphore, #tpu.memory_space<semaphore_mem>>) src(%dma_wait3A_335 : memref<32x128xf32, #tpu.memory_space<hbm>>) dst(%dma_wait3A_332 : memref<32x128xf32, #tpu.memory_space<vmem>>)
      %dma_wait3A_336 = arith.constant 0 : i32
      %dma_wait3A_337 = arith.constant 1 : i32
      %dma_wait3A_338 = arith.constant 0 : i32
      %dma_wait3A_339 = arith.constant 0 : i32
      %dma_wait3A_340 = tpu.memref_slice %arg11[%dma_wait3A_336, %dma_wait3A_337, %dma_wait3A_338, %dma_wait3A_339] : memref<2x4x32x128xf32, #tpu.memory_space<vmem>> -> memref<1x1x32x128xf32, #tpu.memory_space<vmem>>
      %dma_wait3A_341 = tpu.memref_squeeze %dma_wait3A_340 : memref<1x1x32x128xf32, #tpu.memory_space<vmem>> -> memref<32x128xf32, #tpu.memory_space<vmem>>
      %dma_wait3A_342 = arith.constant 0 : i32
      %dma_wait3A_343 = arith.constant 0 : i32
      %dma_wait3A_344 = tpu.memref_slice %arg3[%dma_wait3A_342, %dma_wait3A_343] : memref<32x1000000xf32, #tpu.memory_space<hbm>> -> memref<32x128xf32, #tpu.memory_space<hbm>>
      %dma_wait3A_345 = arith.constant 0 : i32
      %dma_wait3A_346 = arith.constant 0 : i32
      %dma_wait3A_347 = tpu.memref_slice %arg11[%dma_wait3A_336, %dma_wait3A_337, %dma_wait3A_345, %dma_wait3A_346] : memref<2x4x32x128xf32, #tpu.memory_space<vmem>> -> memref<1x1x32x128xf32, #tpu.memory_space<vmem>>
      %dma_wait3A_348 = tpu.memref_squeeze %dma_wait3A_347 : memref<1x1x32x128xf32, #tpu.memory_space<vmem>> -> memref<32x128xf32, #tpu.memory_space<vmem>>
      %dma_wait3A_349 = arith.constant 0 : i32
      %dma_wait3A_350 = arith.constant 0 : i32
      %dma_wait3A_351 = tpu.memref_slice %arg3[%dma_wait3A_349, %dma_wait3A_350] : memref<32x1000000xf32, #tpu.memory_space<hbm>> -> memref<32x128xf32, #tpu.memory_space<hbm>>
      tpu.wait_dma2 semaphore(%arg17 : memref<!tpu.dma_semaphore, #tpu.memory_space<semaphore_mem>>) src(%dma_wait3A_351 : memref<32x128xf32, #tpu.memory_space<hbm>>) dst(%dma_wait3A_348 : memref<32x128xf32, #tpu.memory_space<vmem>>)
      %dma_wait3A_352 = arith.constant 0 : i32
      %dma_wait3A_353 = arith.constant 2 : i32
      %dma_wait3A_354 = arith.constant 0 : i32
      %dma_wait3A_355 = arith.constant 0 : i32
      %dma_wait3A_356 = tpu.memref_slice %arg11[%dma_wait3A_352, %dma_wait3A_353, %dma_wait3A_354, %dma_wait3A_355] : memref<2x4x32x128xf32, #tpu.memory_space<vmem>> -> memref<1x1x32x128xf32, #tpu.memory_space<vmem>>
      %dma_wait3A_357 = tpu.memref_squeeze %dma_wait3A_356 : memref<1x1x32x128xf32, #tpu.memory_space<vmem>> -> memref<32x128xf32, #tpu.memory_space<vmem>>
      %dma_wait3A_358 = arith.constant 0 : i32
      %dma_wait3A_359 = arith.constant 0 : i32
      %dma_wait3A_360 = tpu.memref_slice %arg3[%dma_wait3A_358, %dma_wait3A_359] : memref<32x1000000xf32, #tpu.memory_space<hbm>> -> memref<32x128xf32, #tpu.memory_space<hbm>>
      %dma_wait3A_361 = arith.constant 0 : i32
      %dma_wait3A_362 = arith.constant 0 : i32
      %dma_wait3A_363 = tpu.memref_slice %arg11[%dma_wait3A_352, %dma_wait3A_353, %dma_wait3A_361, %dma_wait3A_362] : memref<2x4x32x128xf32, #tpu.memory_space<vmem>> -> memref<1x1x32x128xf32, #tpu.memory_space<vmem>>
      %dma_wait3A_364 = tpu.memref_squeeze %dma_wait3A_363 : memref<1x1x32x128xf32, #tpu.memory_space<vmem>> -> memref<32x128xf32, #tpu.memory_space<vmem>>
      %dma_wait3A_365 = arith.constant 0 : i32
      %dma_wait3A_366 = arith.constant 0 : i32
      %dma_wait3A_367 = tpu.memref_slice %arg3[%dma_wait3A_365, %dma_wait3A_366] : memref<32x1000000xf32, #tpu.memory_space<hbm>> -> memref<32x128xf32, #tpu.memory_space<hbm>>
      tpu.wait_dma2 semaphore(%arg17 : memref<!tpu.dma_semaphore, #tpu.memory_space<semaphore_mem>>) src(%dma_wait3A_367 : memref<32x128xf32, #tpu.memory_space<hbm>>) dst(%dma_wait3A_364 : memref<32x128xf32, #tpu.memory_space<vmem>>)
      %dma_wait3A_368 = arith.constant 0 : i32
      %dma_wait3A_369 = arith.constant 3 : i32
      %dma_wait3A_370 = arith.constant 0 : i32
      %dma_wait3A_371 = arith.constant 0 : i32
      %dma_wait3A_372 = tpu.memref_slice %arg11[%dma_wait3A_368, %dma_wait3A_369, %dma_wait3A_370, %dma_wait3A_371] : memref<2x4x32x128xf32, #tpu.memory_space<vmem>> -> memref<1x1x32x128xf32, #tpu.memory_space<vmem>>
      %dma_wait3A_373 = tpu.memref_squeeze %dma_wait3A_372 : memref<1x1x32x128xf32, #tpu.memory_space<vmem>> -> memref<32x128xf32, #tpu.memory_space<vmem>>
      %dma_wait3A_374 = arith.constant 0 : i32
      %dma_wait3A_375 = arith.constant 0 : i32
      %dma_wait3A_376 = tpu.memref_slice %arg3[%dma_wait3A_374, %dma_wait3A_375] : memref<32x1000000xf32, #tpu.memory_space<hbm>> -> memref<32x128xf32, #tpu.memory_space<hbm>>
      %dma_wait3A_377 = arith.constant 0 : i32
      %dma_wait3A_378 = arith.constant 0 : i32
      %dma_wait3A_379 = tpu.memref_slice %arg11[%dma_wait3A_368, %dma_wait3A_369, %dma_wait3A_377, %dma_wait3A_378] : memref<2x4x32x128xf32, #tpu.memory_space<vmem>> -> memref<1x1x32x128xf32, #tpu.memory_space<vmem>>
      %dma_wait3A_380 = tpu.memref_squeeze %dma_wait3A_379 : memref<1x1x32x128xf32, #tpu.memory_space<vmem>> -> memref<32x128xf32, #tpu.memory_space<vmem>>
      %dma_wait3A_381 = arith.constant 0 : i32
      %dma_wait3A_382 = arith.constant 0 : i32
      %dma_wait3A_383 = tpu.memref_slice %arg3[%dma_wait3A_381, %dma_wait3A_382] : memref<32x1000000xf32, #tpu.memory_space<hbm>> -> memref<32x128xf32, #tpu.memory_space<hbm>>
      tpu.wait_dma2 semaphore(%arg17 : memref<!tpu.dma_semaphore, #tpu.memory_space<semaphore_mem>>) src(%dma_wait3A_383 : memref<32x128xf32, #tpu.memory_space<hbm>>) dst(%dma_wait3A_380 : memref<32x128xf32, #tpu.memory_space<vmem>>)
      %dma_wait3A_384 = arith.constant 0 : i32
      %dma_wait3A_385 = arith.constant 0 : i32
      %dma_wait3A_386 = arith.constant 0 : i32
      %dma_wait3A_387 = arith.constant 0 : i32
      %dma_wait3A_388 = tpu.memref_slice %arg12[%dma_wait3A_384, %dma_wait3A_385, %dma_wait3A_386, %dma_wait3A_387] : memref<2x4x32x128xf32, #tpu.memory_space<vmem>> -> memref<1x1x32x128xf32, #tpu.memory_space<vmem>>
      %dma_wait3A_389 = tpu.memref_squeeze %dma_wait3A_388 : memref<1x1x32x128xf32, #tpu.memory_space<vmem>> -> memref<32x128xf32, #tpu.memory_space<vmem>>
      %dma_wait3A_390 = arith.constant 0 : i32
      %dma_wait3A_391 = arith.constant 0 : i32
      %dma_wait3A_392 = tpu.memref_slice %arg3[%dma_wait3A_390, %dma_wait3A_391] : memref<32x1000000xf32, #tpu.memory_space<hbm>> -> memref<32x128xf32, #tpu.memory_space<hbm>>
      %dma_wait3A_393 = arith.constant 0 : i32
      %dma_wait3A_394 = arith.constant 0 : i32
      %dma_wait3A_395 = tpu.memref_slice %arg12[%dma_wait3A_384, %dma_wait3A_385, %dma_wait3A_393, %dma_wait3A_394] : memref<2x4x32x128xf32, #tpu.memory_space<vmem>> -> memref<1x1x32x128xf32, #tpu.memory_space<vmem>>
      %dma_wait3A_396 = tpu.memref_squeeze %dma_wait3A_395 : memref<1x1x32x128xf32, #tpu.memory_space<vmem>> -> memref<32x128xf32, #tpu.memory_space<vmem>>
      %dma_wait3A_397 = arith.constant 0 : i32
      %dma_wait3A_398 = arith.constant 0 : i32
      %dma_wait3A_399 = tpu.memref_slice %arg3[%dma_wait3A_397, %dma_wait3A_398] : memref<32x1000000xf32, #tpu.memory_space<hbm>> -> memref<32x128xf32, #tpu.memory_space<hbm>>
      tpu.wait_dma2 semaphore(%arg17 : memref<!tpu.dma_semaphore, #tpu.memory_space<semaphore_mem>>) src(%dma_wait3A_399 : memref<32x128xf32, #tpu.memory_space<hbm>>) dst(%dma_wait3A_396 : memref<32x128xf32, #tpu.memory_space<vmem>>)
      %dma_wait3A_400 = arith.constant 0 : i32
      %dma_wait3A_401 = arith.constant 1 : i32
      %dma_wait3A_402 = arith.constant 0 : i32
      %dma_wait3A_403 = arith.constant 0 : i32
      %dma_wait3A_404 = tpu.memref_slice %arg12[%dma_wait3A_400, %dma_wait3A_401, %dma_wait3A_402, %dma_wait3A_403] : memref<2x4x32x128xf32, #tpu.memory_space<vmem>> -> memref<1x1x32x128xf32, #tpu.memory_space<vmem>>
      %dma_wait3A_405 = tpu.memref_squeeze %dma_wait3A_404 : memref<1x1x32x128xf32, #tpu.memory_space<vmem>> -> memref<32x128xf32, #tpu.memory_space<vmem>>
      %dma_wait3A_406 = arith.constant 0 : i32
      %dma_wait3A_407 = arith.constant 0 : i32
      %dma_wait3A_408 = tpu.memref_slice %arg3[%dma_wait3A_406, %dma_wait3A_407] : memref<32x1000000xf32, #tpu.memory_space<hbm>> -> memref<32x128xf32, #tpu.memory_space<hbm>>
      %dma_wait3A_409 = arith.constant 0 : i32
      %dma_wait3A_410 = arith.constant 0 : i32
      %dma_wait3A_411 = tpu.memref_slice %arg12[%dma_wait3A_400, %dma_wait3A_401, %dma_wait3A_409, %dma_wait3A_410] : memref<2x4x32x128xf32, #tpu.memory_space<vmem>> -> memref<1x1x32x128xf32, #tpu.memory_space<vmem>>
      %dma_wait3A_412 = tpu.memref_squeeze %dma_wait3A_411 : memref<1x1x32x128xf32, #tpu.memory_space<vmem>> -> memref<32x128xf32, #tpu.memory_space<vmem>>
      %dma_wait3A_413 = arith.constant 0 : i32
      %dma_wait3A_414 = arith.constant 0 : i32
      %dma_wait3A_415 = tpu.memref_slice %arg3[%dma_wait3A_413, %dma_wait3A_414] : memref<32x1000000xf32, #tpu.memory_space<hbm>> -> memref<32x128xf32, #tpu.memory_space<hbm>>
      tpu.wait_dma2 semaphore(%arg17 : memref<!tpu.dma_semaphore, #tpu.memory_space<semaphore_mem>>) src(%dma_wait3A_415 : memref<32x128xf32, #tpu.memory_space<hbm>>) dst(%dma_wait3A_412 : memref<32x128xf32, #tpu.memory_space<vmem>>)
      %dma_wait3A_416 = arith.constant 0 : i32
      %dma_wait3A_417 = arith.constant 2 : i32
      %dma_wait3A_418 = arith.constant 0 : i32
      %dma_wait3A_419 = arith.constant 0 : i32
      %dma_wait3A_420 = tpu.memref_slice %arg12[%dma_wait3A_416, %dma_wait3A_417, %dma_wait3A_418, %dma_wait3A_419] : memref<2x4x32x128xf32, #tpu.memory_space<vmem>> -> memref<1x1x32x128xf32, #tpu.memory_space<vmem>>
      %dma_wait3A_421 = tpu.memref_squeeze %dma_wait3A_420 : memref<1x1x32x128xf32, #tpu.memory_space<vmem>> -> memref<32x128xf32, #tpu.memory_space<vmem>>
      %dma_wait3A_422 = arith.constant 0 : i32
      %dma_wait3A_423 = arith.constant 0 : i32
      %dma_wait3A_424 = tpu.memref_slice %arg3[%dma_wait3A_422, %dma_wait3A_423] : memref<32x1000000xf32, #tpu.memory_space<hbm>> -> memref<32x128xf32, #tpu.memory_space<hbm>>
      %dma_wait3A_425 = arith.constant 0 : i32
      %dma_wait3A_426 = arith.constant 0 : i32
      %dma_wait3A_427 = tpu.memref_slice %arg12[%dma_wait3A_416, %dma_wait3A_417, %dma_wait3A_425, %dma_wait3A_426] : memref<2x4x32x128xf32, #tpu.memory_space<vmem>> -> memref<1x1x32x128xf32, #tpu.memory_space<vmem>>
      %dma_wait3A_428 = tpu.memref_squeeze %dma_wait3A_427 : memref<1x1x32x128xf32, #tpu.memory_space<vmem>> -> memref<32x128xf32, #tpu.memory_space<vmem>>
      %dma_wait3A_429 = arith.constant 0 : i32
      %dma_wait3A_430 = arith.constant 0 : i32
      %dma_wait3A_431 = tpu.memref_slice %arg3[%dma_wait3A_429, %dma_wait3A_430] : memref<32x1000000xf32, #tpu.memory_space<hbm>> -> memref<32x128xf32, #tpu.memory_space<hbm>>
      tpu.wait_dma2 semaphore(%arg17 : memref<!tpu.dma_semaphore, #tpu.memory_space<semaphore_mem>>) src(%dma_wait3A_431 : memref<32x128xf32, #tpu.memory_space<hbm>>) dst(%dma_wait3A_428 : memref<32x128xf32, #tpu.memory_space<vmem>>)
      %dma_wait3A_432 = arith.constant 0 : i32
      %dma_wait3A_433 = arith.constant 3 : i32
      %dma_wait3A_434 = arith.constant 0 : i32
      %dma_wait3A_435 = arith.constant 0 : i32
      %dma_wait3A_436 = tpu.memref_slice %arg12[%dma_wait3A_432, %dma_wait3A_433, %dma_wait3A_434, %dma_wait3A_435] : memref<2x4x32x128xf32, #tpu.memory_space<vmem>> -> memref<1x1x32x128xf32, #tpu.memory_space<vmem>>
      %dma_wait3A_437 = tpu.memref_squeeze %dma_wait3A_436 : memref<1x1x32x128xf32, #tpu.memory_space<vmem>> -> memref<32x128xf32, #tpu.memory_space<vmem>>
      %dma_wait3A_438 = arith.constant 0 : i32
      %dma_wait3A_439 = arith.constant 0 : i32
      %dma_wait3A_440 = tpu.memref_slice %arg3[%dma_wait3A_438, %dma_wait3A_439] : memref<32x1000000xf32, #tpu.memory_space<hbm>> -> memref<32x128xf32, #tpu.memory_space<hbm>>
      %dma_wait3A_441 = arith.constant 0 : i32
      %dma_wait3A_442 = arith.constant 0 : i32
      %dma_wait3A_443 = tpu.memref_slice %arg12[%dma_wait3A_432, %dma_wait3A_433, %dma_wait3A_441, %dma_wait3A_442] : memref<2x4x32x128xf32, #tpu.memory_space<vmem>> -> memref<1x1x32x128xf32, #tpu.memory_space<vmem>>
      %dma_wait3A_444 = tpu.memref_squeeze %dma_wait3A_443 : memref<1x1x32x128xf32, #tpu.memory_space<vmem>> -> memref<32x128xf32, #tpu.memory_space<vmem>>
      %dma_wait3A_445 = arith.constant 0 : i32
      %dma_wait3A_446 = arith.constant 0 : i32
      %dma_wait3A_447 = tpu.memref_slice %arg3[%dma_wait3A_445, %dma_wait3A_446] : memref<32x1000000xf32, #tpu.memory_space<hbm>> -> memref<32x128xf32, #tpu.memory_space<hbm>>
      tpu.wait_dma2 semaphore(%arg17 : memref<!tpu.dma_semaphore, #tpu.memory_space<semaphore_mem>>) src(%dma_wait3A_447 : memref<32x128xf32, #tpu.memory_space<hbm>>) dst(%dma_wait3A_444 : memref<32x128xf32, #tpu.memory_space<vmem>>)
      %get3A_448 = arith.index_cast %add3A_252 : i32 to index
      %get3A_449 = arith.constant 0 : index
      %get3A_450 = tpu.vector_load %arg9[%get3A_448, %get3A_449] {strides = array<i32>} : memref<128x16xi32, #tpu.memory_space<vmem>>, vector<16xi32>,
      %slice3A_451 = vector.extract_strided_slice %get3A_450 {offsets = [0], sizes = [1], strides = [1]} : vector<16xi32> to vector<1xi32>
      %squeeze3A_452 = vector.extract %slice3A_451[0] : i32 from vector<1xi32>
      %slice3A_453 = vector.extract_strided_slice %get3A_450 {offsets = [4], sizes = [1], strides = [1]} : vector<16xi32> to vector<1xi32>
      %squeeze3A_454 = vector.extract %slice3A_453[0] : i32 from vector<1xi32>
      %slice3A_455 = vector.extract_strided_slice %get3A_450 {offsets = [8], sizes = [1], strides = [1]} : vector<16xi32> to vector<1xi32>
      %squeeze3A_456 = vector.extract %slice3A_455[0] : i32 from vector<1xi32>
      %and3A_457 = arith.constant 127 : i32
      %and3A_458 = arith.andi %squeeze3A_452, %and3A_457 : i32
      %broadcast_in_dim3A_459 = vector.broadcast %and3A_458 : i32 to vector<16xi32>
      %and3A_460 = arith.constant 127 : i32
      %and3A_461 = arith.andi %squeeze3A_454, %and3A_460 : i32
      %broadcast_in_dim3A_462 = vector.broadcast %and3A_461 : i32 to vector<16xi32>
      %and3A_463 = arith.constant 127 : i32
      %and3A_464 = arith.andi %squeeze3A_456, %and3A_463 : i32
      %broadcast_in_dim3A_465 = vector.broadcast %and3A_464 : i32 to vector<16xi32>
      %gather3A = arith.constant 0 : i32
      %gather3A_466 = arith.constant 0 : i32
      %gather3A_467 = arith.constant 0 : i32
      %gather3A_468 = arith.constant 0 : i32
      %gather3A_469 = tpu.memref_slice %arg10[%gather3A, %gather3A_466, %gather3A_467, %gather3A_468] : memref<2x4x32x128xf32, #tpu.memory_space<vmem>> -> memref<1x1x32x128xf32, #tpu.memory_space<vmem>>
      %gather3A_470 = tpu.memref_squeeze %gather3A_469 : memref<1x1x32x128xf32, #tpu.memory_space<vmem>> -> memref<32x128xf32, #tpu.memory_space<vmem>>
      %gather3A_471 = tpu.vector_load_idx %gather3A_470[%iota3A, %broadcast_in_dim3A_459] : memref<32x128xf32, #tpu.memory_space<vmem>>[vector<16xi32>, vector<16xi32>], vector<16xf32>,
      %gather3A_472 = arith.constant 0 : i32
      %gather3A_473 = arith.constant 0 : i32
      %gather3A_474 = arith.constant 0 : i32
      %gather3A_475 = arith.constant 0 : i32
      %gather3A_476 = tpu.memref_slice %arg10[%gather3A_472, %gather3A_473, %gather3A_474, %gather3A_475] : memref<2x4x32x128xf32, #tpu.memory_space<vmem>> -> memref<1x1x32x128xf32, #tpu.memory_space<vmem>>
      %gather3A_477 = tpu.memref_squeeze %gather3A_476 : memref<1x1x32x128xf32, #tpu.memory_space<vmem>> -> memref<32x128xf32, #tpu.memory_space<vmem>>
      %gather3A_478 = tpu.vector_load_idx %gather3A_477[%add3A_10, %broadcast_in_dim3A_459] : memref<32x128xf32, #tpu.memory_space<vmem>>[vector<16xi32>, vector<16xi32>], vector<16xf32>,
      %gather3A_479 = arith.constant 0 : i32
      %gather3A_480 = arith.constant 0 : i32
      %gather3A_481 = arith.constant 0 : i32
      %gather3A_482 = arith.constant 0 : i32
      %gather3A_483 = tpu.memref_slice %arg11[%gather3A_479, %gather3A_480, %gather3A_481, %gather3A_482] : memref<2x4x32x128xf32, #tpu.memory_space<vmem>> -> memref<1x1x32x128xf32, #tpu.memory_space<vmem>>
      %gather3A_484 = tpu.memref_squeeze %gather3A_483 : memref<1x1x32x128xf32, #tpu.memory_space<vmem>> -> memref<32x128xf32, #tpu.memory_space<vmem>>
      %gather3A_485 = tpu.vector_load_idx %gather3A_484[%iota3A, %broadcast_in_dim3A_462] : memref<32x128xf32, #tpu.memory_space<vmem>>[vector<16xi32>, vector<16xi32>], vector<16xf32>,
      %gather3A_486 = arith.constant 0 : i32
      %gather3A_487 = arith.constant 0 : i32
      %gather3A_488 = arith.constant 0 : i32
      %gather3A_489 = arith.constant 0 : i32
      %gather3A_490 = tpu.memref_slice %arg11[%gather3A_486, %gather3A_487, %gather3A_488, %gather3A_489] : memref<2x4x32x128xf32, #tpu.memory_space<vmem>> -> memref<1x1x32x128xf32, #tpu.memory_space<vmem>>
      %gather3A_491 = tpu.memref_squeeze %gather3A_490 : memref<1x1x32x128xf32, #tpu.memory_space<vmem>> -> memref<32x128xf32, #tpu.memory_space<vmem>>
      %gather3A_492 = tpu.vector_load_idx %gather3A_491[%add3A_10, %broadcast_in_dim3A_462] : memref<32x128xf32, #tpu.memory_space<vmem>>[vector<16xi32>, vector<16xi32>], vector<16xf32>,
      %gather3A_493 = arith.constant 0 : i32
      %gather3A_494 = arith.constant 0 : i32
      %gather3A_495 = arith.constant 0 : i32
      %gather3A_496 = arith.constant 0 : i32
      %gather3A_497 = tpu.memref_slice %arg12[%gather3A_493, %gather3A_494, %gather3A_495, %gather3A_496] : memref<2x4x32x128xf32, #tpu.memory_space<vmem>> -> memref<1x1x32x128xf32, #tpu.memory_space<vmem>>
      %gather3A_498 = tpu.memref_squeeze %gather3A_497 : memref<1x1x32x128xf32, #tpu.memory_space<vmem>> -> memref<32x128xf32, #tpu.memory_space<vmem>>
      %gather3A_499 = tpu.vector_load_idx %gather3A_498[%iota3A, %broadcast_in_dim3A_465] : memref<32x128xf32, #tpu.memory_space<vmem>>[vector<16xi32>, vector<16xi32>], vector<16xf32>,
      %gather3A_500 = arith.constant 0 : i32
      %gather3A_501 = arith.constant 0 : i32
      %gather3A_502 = arith.constant 0 : i32
      %gather3A_503 = arith.constant 0 : i32
      %gather3A_504 = tpu.memref_slice %arg12[%gather3A_500, %gather3A_501, %gather3A_502, %gather3A_503] : memref<2x4x32x128xf32, #tpu.memory_space<vmem>> -> memref<1x1x32x128xf32, #tpu.memory_space<vmem>>
      %gather3A_505 = tpu.memref_squeeze %gather3A_504 : memref<1x1x32x128xf32, #tpu.memory_space<vmem>> -> memref<32x128xf32, #tpu.memory_space<vmem>>
      %gather3A_506 = tpu.vector_load_idx %gather3A_505[%add3A_10, %broadcast_in_dim3A_465] : memref<32x128xf32, #tpu.memory_space<vmem>>[vector<16xi32>, vector<16xi32>], vector<16xf32>,
      %mul3A_507 = arith.mulf %gather3A_471, %get3A_3 : vector<16xf32>
      %mul3A_508 = arith.mulf %gather3A_478, %get3A_5 : vector<16xf32>
      %mul3A_509 = arith.mulf %mul3A_507, %gather3A_485 : vector<16xf32>
      %mul3A_510 = arith.mulf %mul3A_508, %gather3A_492 : vector<16xf32>
      %add3A_511 = arith.addf %mul3A_509, %mul3A_510 : vector<16xf32>
      %reduce_sum3A = arith.constant true
      %reduce_sum3A_512 = vector.broadcast %reduce_sum3A : i1 to vector<16xi1>
      %reduce_sum3A_513 = tpu.scan <sum>, %add3A_511 masked %reduce_sum3A_512 : vector<16xf32>, vector<16xi1> -> vector<16xf32>
      %reduce_sum3A_514 = vector.extract %reduce_sum3A_513[15] : f32 from vector<16xf32>
      %add3A_515 = arith.addf %reduce_sum3A_514, %squeeze3A : f32
      %mul3A_516 = arith.mulf %mul3A_507, %gather3A_499 : vector<16xf32>
      %mul3A_517 = arith.mulf %mul3A_508, %gather3A_506 : vector<16xf32>
      %add3A_518 = arith.addf %mul3A_516, %mul3A_517 : vector<16xf32>
      %reduce_sum3A_519 = arith.constant true
      %reduce_sum3A_520 = vector.broadcast %reduce_sum3A_519 : i1 to vector<16xi1>
      %reduce_sum3A_521 = tpu.scan <sum>, %add3A_518 masked %reduce_sum3A_520 : vector<16xf32>, vector<16xi1> -> vector<16xf32>
      %reduce_sum3A_522 = vector.extract %reduce_sum3A_521[15] : f32 from vector<16xf32>
      %add3A_523 = arith.addf %reduce_sum3A_522, %squeeze3A : f32
      %jit3A = arith.constant 4 : i32
      %eq3A = arith.constant 0 : i32
      %eq3A_524 = arith.cmpi eq, %jit3A, %eq3A : i32
      %jit3A_525 = arith.constant 1 : i32
      %select_n3A = arith.select %eq3A_524, %jit3A_525, %jit3A : i32
      %rem3A = arith.remsi %add3A_252, %select_n3A : i32
      %ne3A = arith.constant 0 : i32
      %ne3A_526 = arith.cmpi ne, %rem3A, %ne3A : i32
      %lt3A_527 = arith.constant 0 : i32
      %lt3A_528 = arith.cmpi slt, %rem3A, %lt3A_527 : i32
      %lt3A_529 = arith.constant 0 : i32
      %lt3A_530 = arith.cmpi slt, %select_n3A, %lt3A_529 : i32
      %ne3A_531 = arith.xori %lt3A_528, %lt3A_530 : i1
      %and3A_532 = arith.andi %ne3A_531, %ne3A_526 : i1
      %add3A_533 = arith.addi %rem3A, %select_n3A : i32
      %select_n3A_534 = arith.select %and3A_532, %add3A_533, %rem3A : i32
      %mul3A_535 = arith.constant 4 : i32
      %mul3A_536 = arith.muli %select_n3A_534, %mul3A_535 : i32
      %add3A_537 = arith.constant 0 : i32
      %add3A_538 = arith.addi %mul3A_536, %add3A_537 : i32
      %eq3A_539 = vector.broadcast %add3A_538 : i32 to vector<16xi32>
      %eq3A_540 = arith.cmpi eq, %iota3A, %eq3A_539 : vector<16xi32>
      %broadcast_in_dim3A_541 = vector.broadcast %add3A_515 : f32 to vector<16xf32>
      %select_n3A_542 = arith.select %eq3A_540, %broadcast_in_dim3A_541, %scan3A_247 : vector<16xi1>, vector<16xf32>
      %broadcast_in_dim3A_543 = vector.broadcast %add3A_523 : f32 to vector<16xf32>
      %select_n3A_544 = arith.select %eq3A_540, %broadcast_in_dim3A_543, %scan3A_248 : vector<16xi1>, vector<16xf32>
      %slice3A_545 = vector.extract_strided_slice %get3A_450 {offsets = [1], sizes = [1], strides = [1]} : vector<16xi32> to vector<1xi32>
      %squeeze3A_546 = vector.extract %slice3A_545[0] : i32 from vector<1xi32>
      %slice3A_547 = vector.extract_strided_slice %get3A_450 {offsets = [5], sizes = [1], strides = [1]} : vector<16xi32> to vector<1xi32>
      %squeeze3A_548 = vector.extract %slice3A_547[0] : i32 from vector<1xi32>
      %slice3A_549 = vector.extract_strided_slice %get3A_450 {offsets = [9], sizes = [1], strides = [1]} : vector<16xi32> to vector<1xi32>
      %squeeze3A_550 = vector.extract %slice3A_549[0] : i32 from vector<1xi32>
      %and3A_551 = arith.constant 127 : i32
      %and3A_552 = arith.andi %squeeze3A_546, %and3A_551 : i32
      %broadcast_in_dim3A_553 = vector.broadcast %and3A_552 : i32 to vector<16xi32>
      %and3A_554 = arith.constant 127 : i32
      %and3A_555 = arith.andi %squeeze3A_548, %and3A_554 : i32
      %broadcast_in_dim3A_556 = vector.broadcast %and3A_555 : i32 to vector<16xi32>
      %and3A_557 = arith.constant 127 : i32
      %and3A_558 = arith.andi %squeeze3A_550, %and3A_557 : i32
      %broadcast_in_dim3A_559 = vector.broadcast %and3A_558 : i32 to vector<16xi32>
      %gather3A_560 = arith.constant 0 : i32
      %gather3A_561 = arith.constant 1 : i32
      %gather3A_562 = arith.constant 0 : i32
      %gather3A_563 = arith.constant 0 : i32
      %gather3A_564 = tpu.memref_slice %arg10[%gather3A_560, %gather3A_561, %gather3A_562, %gather3A_563] : memref<2x4x32x128xf32, #tpu.memory_space<vmem>> -> memref<1x1x32x128xf32, #tpu.memory_space<vmem>>
      %gather3A_565 = tpu.memref_squeeze %gather3A_564 : memref<1x1x32x128xf32, #tpu.memory_space<vmem>> -> memref<32x128xf32, #tpu.memory_space<vmem>>
      %gather3A_566 = tpu.vector_load_idx %gather3A_565[%iota3A, %broadcast_in_dim3A_553] : memref<32x128xf32, #tpu.memory_space<vmem>>[vector<16xi32>, vector<16xi32>], vector<16xf32>,
      %gather3A_567 = arith.constant 0 : i32
      %gather3A_568 = arith.constant 1 : i32
      %gather3A_569 = arith.constant 0 : i32
      %gather3A_570 = arith.constant 0 : i32
      %gather3A_571 = tpu.memref_slice %arg10[%gather3A_567, %gather3A_568, %gather3A_569, %gather3A_570] : memref<2x4x32x128xf32, #tpu.memory_space<vmem>> -> memref<1x1x32x128xf32, #tpu.memory_space<vmem>>
      %gather3A_572 = tpu.memref_squeeze %gather3A_571 : memref<1x1x32x128xf32, #tpu.memory_space<vmem>> -> memref<32x128xf32, #tpu.memory_space<vmem>>
      %gather3A_573 = tpu.vector_load_idx %gather3A_572[%add3A_10, %broadcast_in_dim3A_553] : memref<32x128xf32, #tpu.memory_space<vmem>>[vector<16xi32>, vector<16xi32>], vector<16xf32>,
      %gather3A_574 = arith.constant 0 : i32
      %gather3A_575 = arith.constant 1 : i32
      %gather3A_576 = arith.constant 0 : i32
      %gather3A_577 = arith.constant 0 : i32
      %gather3A_578 = tpu.memref_slice %arg11[%gather3A_574, %gather3A_575, %gather3A_576, %gather3A_577] : memref<2x4x32x128xf32, #tpu.memory_space<vmem>> -> memref<1x1x32x128xf32, #tpu.memory_space<vmem>>
      %gather3A_579 = tpu.memref_squeeze %gather3A_578 : memref<1x1x32x128xf32, #tpu.memory_space<vmem>> -> memref<32x128xf32, #tpu.memory_space<vmem>>
      %gather3A_580 = tpu.vector_load_idx %gather3A_579[%iota3A, %broadcast_in_dim3A_556] : memref<32x128xf32, #tpu.memory_space<vmem>>[vector<16xi32>, vector<16xi32>], vector<16xf32>,
      %gather3A_581 = arith.constant 0 : i32
      %gather3A_582 = arith.constant 1 : i32
      %gather3A_583 = arith.constant 0 : i32
      %gather3A_584 = arith.constant 0 : i32
      %gather3A_585 = tpu.memref_slice %arg11[%gather3A_581, %gather3A_582, %gather3A_583, %gather3A_584] : memref<2x4x32x128xf32, #tpu.memory_space<vmem>> -> memref<1x1x32x128xf32, #tpu.memory_space<vmem>>
      %gather3A_586 = tpu.memref_squeeze %gather3A_585 : memref<1x1x32x128xf32, #tpu.memory_space<vmem>> -> memref<32x128xf32, #tpu.memory_space<vmem>>
      %gather3A_587 = tpu.vector_load_idx %gather3A_586[%add3A_10, %broadcast_in_dim3A_556] : memref<32x128xf32, #tpu.memory_space<vmem>>[vector<16xi32>, vector<16xi32>], vector<16xf32>,
      %gather3A_588 = arith.constant 0 : i32
      %gather3A_589 = arith.constant 1 : i32
      %gather3A_590 = arith.constant 0 : i32
      %gather3A_591 = arith.constant 0 : i32
      %gather3A_592 = tpu.memref_slice %arg12[%gather3A_588, %gather3A_589, %gather3A_590, %gather3A_591] : memref<2x4x32x128xf32, #tpu.memory_space<vmem>> -> memref<1x1x32x128xf32, #tpu.memory_space<vmem>>
      %gather3A_593 = tpu.memref_squeeze %gather3A_592 : memref<1x1x32x128xf32, #tpu.memory_space<vmem>> -> memref<32x128xf32, #tpu.memory_space<vmem>>
      %gather3A_594 = tpu.vector_load_idx %gather3A_593[%iota3A, %broadcast_in_dim3A_559] : memref<32x128xf32, #tpu.memory_space<vmem>>[vector<16xi32>, vector<16xi32>], vector<16xf32>,
      %gather3A_595 = arith.constant 0 : i32
      %gather3A_596 = arith.constant 1 : i32
      %gather3A_597 = arith.constant 0 : i32
      %gather3A_598 = arith.constant 0 : i32
      %gather3A_599 = tpu.memref_slice %arg12[%gather3A_595, %gather3A_596, %gather3A_597, %gather3A_598] : memref<2x4x32x128xf32, #tpu.memory_space<vmem>> -> memref<1x1x32x128xf32, #tpu.memory_space<vmem>>
      %gather3A_600 = tpu.memref_squeeze %gather3A_599 : memref<1x1x32x128xf32, #tpu.memory_space<vmem>> -> memref<32x128xf32, #tpu.memory_space<vmem>>
      %gather3A_601 = tpu.vector_load_idx %gather3A_600[%add3A_10, %broadcast_in_dim3A_559] : memref<32x128xf32, #tpu.memory_space<vmem>>[vector<16xi32>, vector<16xi32>], vector<16xf32>,
      %mul3A_602 = arith.mulf %gather3A_566, %get3A_3 : vector<16xf32>
      %mul3A_603 = arith.mulf %gather3A_573, %get3A_5 : vector<16xf32>
      %mul3A_604 = arith.mulf %mul3A_602, %gather3A_580 : vector<16xf32>
      %mul3A_605 = arith.mulf %mul3A_603, %gather3A_587 : vector<16xf32>
      %add3A_606 = arith.addf %mul3A_604, %mul3A_605 : vector<16xf32>
      %reduce_sum3A_607 = arith.constant true
      %reduce_sum3A_608 = vector.broadcast %reduce_sum3A_607 : i1 to vector<16xi1>
      %reduce_sum3A_609 = tpu.scan <sum>, %add3A_606 masked %reduce_sum3A_608 : vector<16xf32>, vector<16xi1> -> vector<16xf32>
      %reduce_sum3A_610 = vector.extract %reduce_sum3A_609[15] : f32 from vector<16xf32>
      %add3A_611 = arith.addf %reduce_sum3A_610, %squeeze3A : f32
      %mul3A_612 = arith.mulf %mul3A_602, %gather3A_594 : vector<16xf32>
      %mul3A_613 = arith.mulf %mul3A_603, %gather3A_601 : vector<16xf32>
      %add3A_614 = arith.addf %mul3A_612, %mul3A_613 : vector<16xf32>
      %reduce_sum3A_615 = arith.constant true
      %reduce_sum3A_616 = vector.broadcast %reduce_sum3A_615 : i1 to vector<16xi1>
      %reduce_sum3A_617 = tpu.scan <sum>, %add3A_614 masked %reduce_sum3A_616 : vector<16xf32>, vector<16xi1> -> vector<16xf32>
      %reduce_sum3A_618 = vector.extract %reduce_sum3A_617[15] : f32 from vector<16xf32>
      %add3A_619 = arith.addf %reduce_sum3A_618, %squeeze3A : f32
      %jit3A_620 = arith.constant 4 : i32
      %eq3A_621 = arith.constant 0 : i32
      %eq3A_622 = arith.cmpi eq, %jit3A_620, %eq3A_621 : i32
      %jit3A_623 = arith.constant 1 : i32
      %select_n3A_624 = arith.select %eq3A_622, %jit3A_623, %jit3A_620 : i32
      %rem3A_625 = arith.remsi %add3A_252, %select_n3A_624 : i32
      %ne3A_626 = arith.constant 0 : i32
      %ne3A_627 = arith.cmpi ne, %rem3A_625, %ne3A_626 : i32
      %lt3A_628 = arith.constant 0 : i32
      %lt3A_629 = arith.cmpi slt, %rem3A_625, %lt3A_628 : i32
      %lt3A_630 = arith.constant 0 : i32
      %lt3A_631 = arith.cmpi slt, %select_n3A_624, %lt3A_630 : i32
      %ne3A_632 = arith.xori %lt3A_629, %lt3A_631 : i1
      %and3A_633 = arith.andi %ne3A_632, %ne3A_627 : i1
      %add3A_634 = arith.addi %rem3A_625, %select_n3A_624 : i32
      %select_n3A_635 = arith.select %and3A_633, %add3A_634, %rem3A_625 : i32
      %mul3A_636 = arith.constant 4 : i32
      %mul3A_637 = arith.muli %select_n3A_635, %mul3A_636 : i32
      %add3A_638 = arith.constant 1 : i32
      %add3A_639 = arith.addi %mul3A_637, %add3A_638 : i32
      %eq3A_640 = vector.broadcast %add3A_639 : i32 to vector<16xi32>
      %eq3A_641 = arith.cmpi eq, %iota3A, %eq3A_640 : vector<16xi32>
      %broadcast_in_dim3A_642 = vector.broadcast %add3A_611 : f32 to vector<16xf32>
      %select_n3A_643 = arith.select %eq3A_641, %broadcast_in_dim3A_642, %select_n3A_542 : vector<16xi1>, vector<16xf32>
      %broadcast_in_dim3A_644 = vector.broadcast %add3A_619 : f32 to vector<16xf32>
      %select_n3A_645 = arith.select %eq3A_641, %broadcast_in_dim3A_644, %select_n3A_544 : vector<16xi1>, vector<16xf32>
      %slice3A_646 = vector.extract_strided_slice %get3A_450 {offsets = [2], sizes = [1], strides = [1]} : vector<16xi32> to vector<1xi32>
      %squeeze3A_647 = vector.extract %slice3A_646[0] : i32 from vector<1xi32>
      %slice3A_648 = vector.extract_strided_slice %get3A_450 {offsets = [6], sizes = [1], strides = [1]} : vector<16xi32> to vector<1xi32>
      %squeeze3A_649 = vector.extract %slice3A_648[0] : i32 from vector<1xi32>
      %slice3A_650 = vector.extract_strided_slice %get3A_450 {offsets = [10], sizes = [1], strides = [1]} : vector<16xi32> to vector<1xi32>
      %squeeze3A_651 = vector.extract %slice3A_650[0] : i32 from vector<1xi32>
      %and3A_652 = arith.constant 127 : i32
      %and3A_653 = arith.andi %squeeze3A_647, %and3A_652 : i32
      %broadcast_in_dim3A_654 = vector.broadcast %and3A_653 : i32 to vector<16xi32>
      %and3A_655 = arith.constant 127 : i32
      %and3A_656 = arith.andi %squeeze3A_649, %and3A_655 : i32
      %broadcast_in_dim3A_657 = vector.broadcast %and3A_656 : i32 to vector<16xi32>
      %and3A_658 = arith.constant 127 : i32
      %and3A_659 = arith.andi %squeeze3A_651, %and3A_658 : i32
      %broadcast_in_dim3A_660 = vector.broadcast %and3A_659 : i32 to vector<16xi32>
      %gather3A_661 = arith.constant 0 : i32
      %gather3A_662 = arith.constant 2 : i32
      %gather3A_663 = arith.constant 0 : i32
      %gather3A_664 = arith.constant 0 : i32
      %gather3A_665 = tpu.memref_slice %arg10[%gather3A_661, %gather3A_662, %gather3A_663, %gather3A_664] : memref<2x4x32x128xf32, #tpu.memory_space<vmem>> -> memref<1x1x32x128xf32, #tpu.memory_space<vmem>>
      %gather3A_666 = tpu.memref_squeeze %gather3A_665 : memref<1x1x32x128xf32, #tpu.memory_space<vmem>> -> memref<32x128xf32, #tpu.memory_space<vmem>>
      %gather3A_667 = tpu.vector_load_idx %gather3A_666[%iota3A, %broadcast_in_dim3A_654] : memref<32x128xf32, #tpu.memory_space<vmem>>[vector<16xi32>, vector<16xi32>], vector<16xf32>,
      %gather3A_668 = arith.constant 0 : i32
      %gather3A_669 = arith.constant 2 : i32
      %gather3A_670 = arith.constant 0 : i32
      %gather3A_671 = arith.constant 0 : i32
      %gather3A_672 = tpu.memref_slice %arg10[%gather3A_668, %gather3A_669, %gather3A_670, %gather3A_671] : memref<2x4x32x128xf32, #tpu.memory_space<vmem>> -> memref<1x1x32x128xf32, #tpu.memory_space<vmem>>
      %gather3A_673 = tpu.memref_squeeze %gather3A_672 : memref<1x1x32x128xf32, #tpu.memory_space<vmem>> -> memref<32x128xf32, #tpu.memory_space<vmem>>
      %gather3A_674 = tpu.vector_load_idx %gather3A_673[%add3A_10, %broadcast_in_dim3A_654] : memref<32x128xf32, #tpu.memory_space<vmem>>[vector<16xi32>, vector<16xi32>], vector<16xf32>,
      %gather3A_675 = arith.constant 0 : i32
      %gather3A_676 = arith.constant 2 : i32
      %gather3A_677 = arith.constant 0 : i32
      %gather3A_678 = arith.constant 0 : i32
      %gather3A_679 = tpu.memref_slice %arg11[%gather3A_675, %gather3A_676, %gather3A_677, %gather3A_678] : memref<2x4x32x128xf32, #tpu.memory_space<vmem>> -> memref<1x1x32x128xf32, #tpu.memory_space<vmem>>
      %gather3A_680 = tpu.memref_squeeze %gather3A_679 : memref<1x1x32x128xf32, #tpu.memory_space<vmem>> -> memref<32x128xf32, #tpu.memory_space<vmem>>
      %gather3A_681 = tpu.vector_load_idx %gather3A_680[%iota3A, %broadcast_in_dim3A_657] : memref<32x128xf32, #tpu.memory_space<vmem>>[vector<16xi32>, vector<16xi32>], vector<16xf32>,
      %gather3A_682 = arith.constant 0 : i32
      %gather3A_683 = arith.constant 2 : i32
      %gather3A_684 = arith.constant 0 : i32
      %gather3A_685 = arith.constant 0 : i32
      %gather3A_686 = tpu.memref_slice %arg11[%gather3A_682, %gather3A_683, %gather3A_684, %gather3A_685] : memref<2x4x32x128xf32, #tpu.memory_space<vmem>> -> memref<1x1x32x128xf32, #tpu.memory_space<vmem>>
      %gather3A_687 = tpu.memref_squeeze %gather3A_686 : memref<1x1x32x128xf32, #tpu.memory_space<vmem>> -> memref<32x128xf32, #tpu.memory_space<vmem>>
      %gather3A_688 = tpu.vector_load_idx %gather3A_687[%add3A_10, %broadcast_in_dim3A_657] : memref<32x128xf32, #tpu.memory_space<vmem>>[vector<16xi32>, vector<16xi32>], vector<16xf32>,
      %gather3A_689 = arith.constant 0 : i32
      %gather3A_690 = arith.constant 2 : i32
      %gather3A_691 = arith.constant 0 : i32
      %gather3A_692 = arith.constant 0 : i32
      %gather3A_693 = tpu.memref_slice %arg12[%gather3A_689, %gather3A_690, %gather3A_691, %gather3A_692] : memref<2x4x32x128xf32, #tpu.memory_space<vmem>> -> memref<1x1x32x128xf32, #tpu.memory_space<vmem>>
      %gather3A_694 = tpu.memref_squeeze %gather3A_693 : memref<1x1x32x128xf32, #tpu.memory_space<vmem>> -> memref<32x128xf32, #tpu.memory_space<vmem>>
      %gather3A_695 = tpu.vector_load_idx %gather3A_694[%iota3A, %broadcast_in_dim3A_660] : memref<32x128xf32, #tpu.memory_space<vmem>>[vector<16xi32>, vector<16xi32>], vector<16xf32>,
      %gather3A_696 = arith.constant 0 : i32
      %gather3A_697 = arith.constant 2 : i32
      %gather3A_698 = arith.constant 0 : i32
      %gather3A_699 = arith.constant 0 : i32
      %gather3A_700 = tpu.memref_slice %arg12[%gather3A_696, %gather3A_697, %gather3A_698, %gather3A_699] : memref<2x4x32x128xf32, #tpu.memory_space<vmem>> -> memref<1x1x32x128xf32, #tpu.memory_space<vmem>>
      %gather3A_701 = tpu.memref_squeeze %gather3A_700 : memref<1x1x32x128xf32, #tpu.memory_space<vmem>> -> memref<32x128xf32, #tpu.memory_space<vmem>>
      %gather3A_702 = tpu.vector_load_idx %gather3A_701[%add3A_10, %broadcast_in_dim3A_660] : memref<32x128xf32, #tpu.memory_space<vmem>>[vector<16xi32>, vector<16xi32>], vector<16xf32>,
      %mul3A_703 = arith.mulf %gather3A_667, %get3A_3 : vector<16xf32>
      %mul3A_704 = arith.mulf %gather3A_674, %get3A_5 : vector<16xf32>
      %mul3A_705 = arith.mulf %mul3A_703, %gather3A_681 : vector<16xf32>
      %mul3A_706 = arith.mulf %mul3A_704, %gather3A_688 : vector<16xf32>
      %add3A_707 = arith.addf %mul3A_705, %mul3A_706 : vector<16xf32>
      %reduce_sum3A_708 = arith.constant true
      %reduce_sum3A_709 = vector.broadcast %reduce_sum3A_708 : i1 to vector<16xi1>
      %reduce_sum3A_710 = tpu.scan <sum>, %add3A_707 masked %reduce_sum3A_709 : vector<16xf32>, vector<16xi1> -> vector<16xf32>
      %reduce_sum3A_711 = vector.extract %reduce_sum3A_710[15] : f32 from vector<16xf32>
      %add3A_712 = arith.addf %reduce_sum3A_711, %squeeze3A : f32
      %mul3A_713 = arith.mulf %mul3A_703, %gather3A_695 : vector<16xf32>
      %mul3A_714 = arith.mulf %mul3A_704, %gather3A_702 : vector<16xf32>
      %add3A_715 = arith.addf %mul3A_713, %mul3A_714 : vector<16xf32>
      %reduce_sum3A_716 = arith.constant true
      %reduce_sum3A_717 = vector.broadcast %reduce_sum3A_716 : i1 to vector<16xi1>
      %reduce_sum3A_718 = tpu.scan <sum>, %add3A_715 masked %reduce_sum3A_717 : vector<16xf32>, vector<16xi1> -> vector<16xf32>
      %reduce_sum3A_719 = vector.extract %reduce_sum3A_718[15] : f32 from vector<16xf32>
      %add3A_720 = arith.addf %reduce_sum3A_719, %squeeze3A : f32
      %jit3A_721 = arith.constant 4 : i32
      %eq3A_722 = arith.constant 0 : i32
      %eq3A_723 = arith.cmpi eq, %jit3A_721, %eq3A_722 : i32
      %jit3A_724 = arith.constant 1 : i32
      %select_n3A_725 = arith.select %eq3A_723, %jit3A_724, %jit3A_721 : i32
      %rem3A_726 = arith.remsi %add3A_252, %select_n3A_725 : i32
      %ne3A_727 = arith.constant 0 : i32
      %ne3A_728 = arith.cmpi ne, %rem3A_726, %ne3A_727 : i32
      %lt3A_729 = arith.constant 0 : i32
      %lt3A_730 = arith.cmpi slt, %rem3A_726, %lt3A_729 : i32
      %lt3A_731 = arith.constant 0 : i32
      %lt3A_732 = arith.cmpi slt, %select_n3A_725, %lt3A_731 : i32
      %ne3A_733 = arith.xori %lt3A_730, %lt3A_732 : i1
      %and3A_734 = arith.andi %ne3A_733, %ne3A_728 : i1
      %add3A_735 = arith.addi %rem3A_726, %select_n3A_725 : i32
      %select_n3A_736 = arith.select %and3A_734, %add3A_735, %rem3A_726 : i32
      %mul3A_737 = arith.constant 4 : i32
      %mul3A_738 = arith.muli %select_n3A_736, %mul3A_737 : i32
      %add3A_739 = arith.constant 2 : i32
      %add3A_740 = arith.addi %mul3A_738, %add3A_739 : i32
      %eq3A_741 = vector.broadcast %add3A_740 : i32 to vector<16xi32>
      %eq3A_742 = arith.cmpi eq, %iota3A, %eq3A_741 : vector<16xi32>
      %broadcast_in_dim3A_743 = vector.broadcast %add3A_712 : f32 to vector<16xf32>
      %select_n3A_744 = arith.select %eq3A_742, %broadcast_in_dim3A_743, %select_n3A_643 : vector<16xi1>, vector<16xf32>
      %broadcast_in_dim3A_745 = vector.broadcast %add3A_720 : f32 to vector<16xf32>
      %select_n3A_746 = arith.select %eq3A_742, %broadcast_in_dim3A_745, %select_n3A_645 : vector<16xi1>, vector<16xf32>
      %slice3A_747 = vector.extract_strided_slice %get3A_450 {offsets = [3], sizes = [1], strides = [1]} : vector<16xi32> to vector<1xi32>
      %squeeze3A_748 = vector.extract %slice3A_747[0] : i32 from vector<1xi32>
      %slice3A_749 = vector.extract_strided_slice %get3A_450 {offsets = [7], sizes = [1], strides = [1]} : vector<16xi32> to vector<1xi32>
      %squeeze3A_750 = vector.extract %slice3A_749[0] : i32 from vector<1xi32>
      %slice3A_751 = vector.extract_strided_slice %get3A_450 {offsets = [11], sizes = [1], strides = [1]} : vector<16xi32> to vector<1xi32>
      %squeeze3A_752 = vector.extract %slice3A_751[0] : i32 from vector<1xi32>
      %and3A_753 = arith.constant 127 : i32
      %and3A_754 = arith.andi %squeeze3A_748, %and3A_753 : i32
      %broadcast_in_dim3A_755 = vector.broadcast %and3A_754 : i32 to vector<16xi32>
      %and3A_756 = arith.constant 127 : i32
      %and3A_757 = arith.andi %squeeze3A_750, %and3A_756 : i32
      %broadcast_in_dim3A_758 = vector.broadcast %and3A_757 : i32 to vector<16xi32>
      %and3A_759 = arith.constant 127 : i32
      %and3A_760 = arith.andi %squeeze3A_752, %and3A_759 : i32
      %broadcast_in_dim3A_761 = vector.broadcast %and3A_760 : i32 to vector<16xi32>
      %gather3A_762 = arith.constant 0 : i32
      %gather3A_763 = arith.constant 3 : i32
      %gather3A_764 = arith.constant 0 : i32
      %gather3A_765 = arith.constant 0 : i32
      %gather3A_766 = tpu.memref_slice %arg10[%gather3A_762, %gather3A_763, %gather3A_764, %gather3A_765] : memref<2x4x32x128xf32, #tpu.memory_space<vmem>> -> memref<1x1x32x128xf32, #tpu.memory_space<vmem>>
      %gather3A_767 = tpu.memref_squeeze %gather3A_766 : memref<1x1x32x128xf32, #tpu.memory_space<vmem>> -> memref<32x128xf32, #tpu.memory_space<vmem>>
      %gather3A_768 = tpu.vector_load_idx %gather3A_767[%iota3A, %broadcast_in_dim3A_755] : memref<32x128xf32, #tpu.memory_space<vmem>>[vector<16xi32>, vector<16xi32>], vector<16xf32>,
      %gather3A_769 = arith.constant 0 : i32
      %gather3A_770 = arith.constant 3 : i32
      %gather3A_771 = arith.constant 0 : i32
      %gather3A_772 = arith.constant 0 : i32
      %gather3A_773 = tpu.memref_slice %arg10[%gather3A_769, %gather3A_770, %gather3A_771, %gather3A_772] : memref<2x4x32x128xf32, #tpu.memory_space<vmem>> -> memref<1x1x32x128xf32, #tpu.memory_space<vmem>>
      %gather3A_774 = tpu.memref_squeeze %gather3A_773 : memref<1x1x32x128xf32, #tpu.memory_space<vmem>> -> memref<32x128xf32, #tpu.memory_space<vmem>>
      %gather3A_775 = tpu.vector_load_idx %gather3A_774[%add3A_10, %broadcast_in_dim3A_755] : memref<32x128xf32, #tpu.memory_space<vmem>>[vector<16xi32>, vector<16xi32>], vector<16xf32>,
      %gather3A_776 = arith.constant 0 : i32
      %gather3A_777 = arith.constant 3 : i32
      %gather3A_778 = arith.constant 0 : i32
      %gather3A_779 = arith.constant 0 : i32
      %gather3A_780 = tpu.memref_slice %arg11[%gather3A_776, %gather3A_777, %gather3A_778, %gather3A_779] : memref<2x4x32x128xf32, #tpu.memory_space<vmem>> -> memref<1x1x32x128xf32, #tpu.memory_space<vmem>>
      %gather3A_781 = tpu.memref_squeeze %gather3A_780 : memref<1x1x32x128xf32, #tpu.memory_space<vmem>> -> memref<32x128xf32, #tpu.memory_space<vmem>>
      %gather3A_782 = tpu.vector_load_idx %gather3A_781[%iota3A, %broadcast_in_dim3A_758] : memref<32x128xf32, #tpu.memory_space<vmem>>[vector<16xi32>, vector<16xi32>], vector<16xf32>,
      %gather3A_783 = arith.constant 0 : i32
      %gather3A_784 = arith.constant 3 : i32
      %gather3A_785 = arith.constant 0 : i32
      %gather3A_786 = arith.constant 0 : i32
      %gather3A_787 = tpu.memref_slice %arg11[%gather3A_783, %gather3A_784, %gather3A_785, %gather3A_786] : memref<2x4x32x128xf32, #tpu.memory_space<vmem>> -> memref<1x1x32x128xf32, #tpu.memory_space<vmem>>
      %gather3A_788 = tpu.memref_squeeze %gather3A_787 : memref<1x1x32x128xf32, #tpu.memory_space<vmem>> -> memref<32x128xf32, #tpu.memory_space<vmem>>
      %gather3A_789 = tpu.vector_load_idx %gather3A_788[%add3A_10, %broadcast_in_dim3A_758] : memref<32x128xf32, #tpu.memory_space<vmem>>[vector<16xi32>, vector<16xi32>], vector<16xf32>,
      %gather3A_790 = arith.constant 0 : i32
      %gather3A_791 = arith.constant 3 : i32
      %gather3A_792 = arith.constant 0 : i32
      %gather3A_793 = arith.constant 0 : i32
      %gather3A_794 = tpu.memref_slice %arg12[%gather3A_790, %gather3A_791, %gather3A_792, %gather3A_793] : memref<2x4x32x128xf32, #tpu.memory_space<vmem>> -> memref<1x1x32x128xf32, #tpu.memory_space<vmem>>
      %gather3A_795 = tpu.memref_squeeze %gather3A_794 : memref<1x1x32x128xf32, #tpu.memory_space<vmem>> -> memref<32x128xf32, #tpu.memory_space<vmem>>
      %gather3A_796 = tpu.vector_load_idx %gather3A_795[%iota3A, %broadcast_in_dim3A_761] : memref<32x128xf32, #tpu.memory_space<vmem>>[vector<16xi32>, vector<16xi32>], vector<16xf32>,
      %gather3A_797 = arith.constant 0 : i32
      %gather3A_798 = arith.constant 3 : i32
      %gather3A_799 = arith.constant 0 : i32
      %gather3A_800 = arith.constant 0 : i32
      %gather3A_801 = tpu.memref_slice %arg12[%gather3A_797, %gather3A_798, %gather3A_799, %gather3A_800] : memref<2x4x32x128xf32, #tpu.memory_space<vmem>> -> memref<1x1x32x128xf32, #tpu.memory_space<vmem>>
      %gather3A_802 = tpu.memref_squeeze %gather3A_801 : memref<1x1x32x128xf32, #tpu.memory_space<vmem>> -> memref<32x128xf32, #tpu.memory_space<vmem>>
      %gather3A_803 = tpu.vector_load_idx %gather3A_802[%add3A_10, %broadcast_in_dim3A_761] : memref<32x128xf32, #tpu.memory_space<vmem>>[vector<16xi32>, vector<16xi32>], vector<16xf32>,
      %mul3A_804 = arith.mulf %gather3A_768, %get3A_3 : vector<16xf32>
      %mul3A_805 = arith.mulf %gather3A_775, %get3A_5 : vector<16xf32>
      %mul3A_806 = arith.mulf %mul3A_804, %gather3A_782 : vector<16xf32>
      %mul3A_807 = arith.mulf %mul3A_805, %gather3A_789 : vector<16xf32>
      %add3A_808 = arith.addf %mul3A_806, %mul3A_807 : vector<16xf32>
      %reduce_sum3A_809 = arith.constant true
      %reduce_sum3A_810 = vector.broadcast %reduce_sum3A_809 : i1 to vector<16xi1>
      %reduce_sum3A_811 = tpu.scan <sum>, %add3A_808 masked %reduce_sum3A_810 : vector<16xf32>, vector<16xi1> -> vector<16xf32>
      %reduce_sum3A_812 = vector.extract %reduce_sum3A_811[15] : f32 from vector<16xf32>
      %add3A_813 = arith.addf %reduce_sum3A_812, %squeeze3A : f32
      %mul3A_814 = arith.mulf %mul3A_804, %gather3A_796 : vector<16xf32>
      %mul3A_815 = arith.mulf %mul3A_805, %gather3A_803 : vector<16xf32>
      %add3A_816 = arith.addf %mul3A_814, %mul3A_815 : vector<16xf32>
      %reduce_sum3A_817 = arith.constant true
      %reduce_sum3A_818 = vector.broadcast %reduce_sum3A_817 : i1 to vector<16xi1>
      %reduce_sum3A_819 = tpu.scan <sum>, %add3A_816 masked %reduce_sum3A_818 : vector<16xf32>, vector<16xi1> -> vector<16xf32>
      %reduce_sum3A_820 = vector.extract %reduce_sum3A_819[15] : f32 from vector<16xf32>
      %add3A_821 = arith.addf %reduce_sum3A_820, %squeeze3A : f32
      %jit3A_822 = arith.constant 4 : i32
      %eq3A_823 = arith.constant 0 : i32
      %eq3A_824 = arith.cmpi eq, %jit3A_822, %eq3A_823 : i32
      %jit3A_825 = arith.constant 1 : i32
      %select_n3A_826 = arith.select %eq3A_824, %jit3A_825, %jit3A_822 : i32
      %rem3A_827 = arith.remsi %add3A_252, %select_n3A_826 : i32
      %ne3A_828 = arith.constant 0 : i32
      %ne3A_829 = arith.cmpi ne, %rem3A_827, %ne3A_828 : i32
      %lt3A_830 = arith.constant 0 : i32
      %lt3A_831 = arith.cmpi slt, %rem3A_827, %lt3A_830 : i32
      %lt3A_832 = arith.constant 0 : i32
      %lt3A_833 = arith.cmpi slt, %select_n3A_826, %lt3A_832 : i32
      %ne3A_834 = arith.xori %lt3A_831, %lt3A_833 : i1
      %and3A_835 = arith.andi %ne3A_834, %ne3A_829 : i1
      %add3A_836 = arith.addi %rem3A_827, %select_n3A_826 : i32
      %select_n3A_837 = arith.select %and3A_835, %add3A_836, %rem3A_827 : i32
      %mul3A_838 = arith.constant 4 : i32
      %mul3A_839 = arith.muli %select_n3A_837, %mul3A_838 : i32
      %add3A_840 = arith.constant 3 : i32
      %add3A_841 = arith.addi %mul3A_839, %add3A_840 : i32
      %eq3A_842 = vector.broadcast %add3A_841 : i32 to vector<16xi32>
      %eq3A_843 = arith.cmpi eq, %iota3A, %eq3A_842 : vector<16xi32>
      %broadcast_in_dim3A_844 = vector.broadcast %add3A_813 : f32 to vector<16xf32>
      %select_n3A_845 = arith.select %eq3A_843, %broadcast_in_dim3A_844, %select_n3A_744 : vector<16xi1>, vector<16xf32>
      %broadcast_in_dim3A_846 = vector.broadcast %add3A_821 : f32 to vector<16xf32>
      %select_n3A_847 = arith.select %eq3A_843, %broadcast_in_dim3A_846, %select_n3A_746 : vector<16xi1>, vector<16xf32>
      %jit3A_848 = arith.constant 4 : i32
      %eq3A_849 = arith.constant 0 : i32
      %eq3A_850 = arith.cmpi eq, %jit3A_848, %eq3A_849 : i32
      %jit3A_851 = arith.constant 1 : i32
      %select_n3A_852 = arith.select %eq3A_850, %jit3A_851, %jit3A_848 : i32
      %rem3A_853 = arith.remsi %add3A_252, %select_n3A_852 : i32
      %ne3A_854 = arith.constant 0 : i32
      %ne3A_855 = arith.cmpi ne, %rem3A_853, %ne3A_854 : i32
      %lt3A_856 = arith.constant 0 : i32
      %lt3A_857 = arith.cmpi slt, %rem3A_853, %lt3A_856 : i32
      %lt3A_858 = arith.constant 0 : i32
      %lt3A_859 = arith.cmpi slt, %select_n3A_852, %lt3A_858 : i32
      %ne3A_860 = arith.xori %lt3A_857, %lt3A_859 : i1
      %and3A_861 = arith.andi %ne3A_860, %ne3A_855 : i1
      %add3A_862 = arith.addi %rem3A_853, %select_n3A_852 : i32
      %select_n3A_863 = arith.select %and3A_861, %add3A_862, %rem3A_853 : i32
      %eq3A_864 = arith.constant 3 : i32
      %eq3A_865 = arith.cmpi eq, %select_n3A_863, %eq3A_864 : i32
      %convert_element_type3A_866 = arith.extui %eq3A_865 : i1 to i32
      %cond3A_867 = arith.constant 0 : i32
      %cond3A_868 = arith.cmpi ne, %convert_element_type3A_866, %cond3A_867 : i32
      scf.if %cond3A_868 {
        %jit3A_1500 = arith.constant 4 : i32
        %div3A = arith.divsi %add3A_252, %jit3A_1500 : i32
        %sign3A = arith.constant 0 : i32
        %sign3A_1501 = arith.cmpi sgt, %add3A_252, %sign3A : i32
        %sign3A_1502 = arith.extui %sign3A_1501 : i1 to i32
        %sign3A_1503 = arith.constant 0 : i32
        %sign3A_1504 = arith.cmpi slt, %add3A_252, %sign3A_1503 : i32
        %sign3A_1505 = arith.extui %sign3A_1504 : i1 to i32
        %sign3A_1506 = arith.subi %sign3A_1502, %sign3A_1505 : i32
        %sign3A_1507 = arith.constant 0 : i32
        %sign3A_1508 = arith.cmpi sgt, %jit3A_1500, %sign3A_1507 : i32
        %sign3A_1509 = arith.extui %sign3A_1508 : i1 to i32
        %sign3A_1510 = arith.constant 0 : i32
        %sign3A_1511 = arith.cmpi slt, %jit3A_1500, %sign3A_1510 : i32
        %sign3A_1512 = arith.extui %sign3A_1511 : i1 to i32
        %sign3A_1513 = arith.subi %sign3A_1509, %sign3A_1512 : i32
        %ne3A_1514 = arith.cmpi ne, %sign3A_1506, %sign3A_1513 : i32
        %rem3A_1515 = arith.remsi %add3A_252, %jit3A_1500 : i32
        %ne3A_1516 = arith.constant 0 : i32
        %ne3A_1517 = arith.cmpi ne, %rem3A_1515, %ne3A_1516 : i32
        %and3A_1518 = arith.andi %ne3A_1514, %ne3A_1517 : i1
        %sub3A = arith.constant 1 : i32
        %sub3A_1519 = arith.subi %div3A, %sub3A : i32
        %select_n3A_1520 = arith.select %and3A_1518, %sub3A_1519, %div3A : i32
        %mul3A_1521 = arith.constant 16 : i32
        %mul3A_1522 = arith.muli %select_n3A_1520, %mul3A_1521 : i32
        %swap3A = arith.index_cast %mul3A_1522 : i32 to index
        %swap3A_1523 = tpu.vector_load %arg15[%swap3A] {strides = array<i32>} : memref<512xf32, #tpu.memory_space<vmem>>, vector<16xf32>,
        tpu.vector_store %arg15[%swap3A], %select_n3A_845 {strides = array<i32>} : memref<512xf32, #tpu.memory_space<vmem>>, vector<16xf32>,
        %jit3A_1524 = arith.constant 4 : i32
        %div3A_1525 = arith.divsi %add3A_252, %jit3A_1524 : i32
        %sign3A_1526 = arith.constant 0 : i32
        %sign3A_1527 = arith.cmpi sgt, %add3A_252, %sign3A_1526 : i32
        %sign3A_1528 = arith.extui %sign3A_1527 : i1 to i32
        %sign3A_1529 = arith.constant 0 : i32
        %sign3A_1530 = arith.cmpi slt, %add3A_252, %sign3A_1529 : i32
        %sign3A_1531 = arith.extui %sign3A_1530 : i1 to i32
        %sign3A_1532 = arith.subi %sign3A_1528, %sign3A_1531 : i32
        %sign3A_1533 = arith.constant 0 : i32
        %sign3A_1534 = arith.cmpi sgt, %jit3A_1524, %sign3A_1533 : i32
        %sign3A_1535 = arith.extui %sign3A_1534 : i1 to i32
        %sign3A_1536 = arith.constant 0 : i32
        %sign3A_1537 = arith.cmpi slt, %jit3A_1524, %sign3A_1536 : i32
        %sign3A_1538 = arith.extui %sign3A_1537 : i1 to i32
        %sign3A_1539 = arith.subi %sign3A_1535, %sign3A_1538 : i32
        %ne3A_1540 = arith.cmpi ne, %sign3A_1532, %sign3A_1539 : i32
        %rem3A_1541 = arith.remsi %add3A_252, %jit3A_1524 : i32
        %ne3A_1542 = arith.constant 0 : i32
        %ne3A_1543 = arith.cmpi ne, %rem3A_1541, %ne3A_1542 : i32
        %and3A_1544 = arith.andi %ne3A_1540, %ne3A_1543 : i1
        %sub3A_1545 = arith.constant 1 : i32
        %sub3A_1546 = arith.subi %div3A_1525, %sub3A_1545 : i32
        %select_n3A_1547 = arith.select %and3A_1544, %sub3A_1546, %div3A_1525 : i32
        %mul3A_1548 = arith.constant 16 : i32
        %mul3A_1549 = arith.muli %select_n3A_1547, %mul3A_1548 : i32
        %swap3A_1550 = arith.index_cast %mul3A_1549 : i32 to index
        %swap3A_1551 = tpu.vector_load %arg16[%swap3A_1550] {strides = array<i32>} : memref<512xf32, #tpu.memory_space<vmem>>, vector<16xf32>,
        tpu.vector_store %arg16[%swap3A_1550], %select_n3A_847 {strides = array<i32>} : memref<512xf32, #tpu.memory_space<vmem>>, vector<16xf32>,
      } else {
      }
      %mul3A_869 = arith.constant 2 : i32
      %mul3A_870 = arith.muli %scan3A_246, %mul3A_869 : i32
      %add3A_871 = arith.constant 1 : i32
      %add3A_872 = arith.addi %mul3A_870, %add3A_871 : i32
      %add3A_873 = arith.constant 1 : i32
      %add3A_874 = arith.addi %add3A_872, %add3A_873 : i32
      %lt3A_875 = arith.constant 128 : i32
      %lt3A_876 = arith.cmpi slt, %add3A_874, %lt3A_875 : i32
      %convert_element_type3A_877 = arith.extui %lt3A_876 : i1 to i32
      %cond3A_878 = arith.constant 0 : i32
      %cond3A_879 = arith.cmpi ne, %convert_element_type3A_877, %cond3A_878 : i32
      scf.if %cond3A_879 {
        %add3A_1500 = arith.constant 1 : i32
        %add3A_1501 = arith.addi %add3A_872, %add3A_1500 : i32
        %get3A_1502 = arith.index_cast %add3A_1501 : i32 to index
        %get3A_1503 = arith.constant 0 : index
        %get3A_1504 = tpu.vector_load %arg9[%get3A_1502, %get3A_1503] {strides = array<i32>} : memref<128x16xi32, #tpu.memory_space<vmem>>, vector<16xi32>,
        %slice3A_1505 = vector.extract_strided_slice %get3A_1504 {offsets = [0], sizes = [1], strides = [1]} : vector<16xi32> to vector<1xi32>
        %squeeze3A_1506 = vector.extract %slice3A_1505[0] : i32 from vector<1xi32>
        %and3A_1507 = arith.constant -128 : i32
        %and3A_1508 = arith.andi %squeeze3A_1506, %and3A_1507 : i32
        %multiple_of3A_1509 = tpu.assume_multiple %and3A_1508, 128 : i32
        %dma_start3A_1510 = arith.constant 0 : i32
        %dma_start3A_1511 = arith.constant 0 : i32
        %dma_start3A_1512 = arith.constant 0 : i32
        %dma_start3A_1513 = arith.constant 0 : i32
        %dma_start3A_1514 = tpu.memref_slice %arg10[%dma_start3A_1510, %dma_start3A_1511, %dma_start3A_1512, %dma_start3A_1513] : memref<2x4x32x128xf32, #tpu.memory_space<vmem>> -> memref<1x1x32x128xf32, #tpu.memory_space<vmem>>
        %dma_start3A_1515 = tpu.memref_squeeze %dma_start3A_1514 : memref<1x1x32x128xf32, #tpu.memory_space<vmem>> -> memref<32x128xf32, #tpu.memory_space<vmem>>
        %dma_start3A_1516 = arith.constant 0 : i32
        %dma_start3A_1517 = tpu.memref_slice %arg3[%dma_start3A_1516, %multiple_of3A_1509] : memref<32x1000000xf32, #tpu.memory_space<hbm>> -> memref<32x128xf32, #tpu.memory_space<hbm>>
        %dma_start3A_1518 = arith.constant 0 : i32
        %dma_start3A_1519 = arith.constant 0 : i32
        %dma_start3A_1520 = tpu.memref_slice %arg10[%dma_start3A_1510, %dma_start3A_1511, %dma_start3A_1518, %dma_start3A_1519] : memref<2x4x32x128xf32, #tpu.memory_space<vmem>> -> memref<1x1x32x128xf32, #tpu.memory_space<vmem>>
        %dma_start3A_1521 = tpu.memref_squeeze %dma_start3A_1520 : memref<1x1x32x128xf32, #tpu.memory_space<vmem>> -> memref<32x128xf32, #tpu.memory_space<vmem>>
        %dma_start3A_1522 = arith.constant 0 : i32
        %dma_start3A_1523 = tpu.memref_slice %arg3[%dma_start3A_1522, %multiple_of3A_1509] : memref<32x1000000xf32, #tpu.memory_space<hbm>> -> memref<32x128xf32, #tpu.memory_space<hbm>>
        tpu.enqueue_dma source(%dma_start3A_1523 : memref<32x128xf32, #tpu.memory_space<hbm>>) target(%dma_start3A_1521 : memref<32x128xf32, #tpu.memory_space<vmem>>) target_semaphore(%arg17 : memref<!tpu.dma_semaphore, #tpu.memory_space<semaphore_mem>>)
        %slice3A_1524 = vector.extract_strided_slice %get3A_1504 {offsets = [4], sizes = [1], strides = [1]} : vector<16xi32> to vector<1xi32>
        %squeeze3A_1525 = vector.extract %slice3A_1524[0] : i32 from vector<1xi32>
        %and3A_1526 = arith.constant -128 : i32
        %and3A_1527 = arith.andi %squeeze3A_1525, %and3A_1526 : i32
        %multiple_of3A_1528 = tpu.assume_multiple %and3A_1527, 128 : i32
        %dma_start3A_1529 = arith.constant 0 : i32
        %dma_start3A_1530 = arith.constant 0 : i32
        %dma_start3A_1531 = arith.constant 0 : i32
        %dma_start3A_1532 = arith.constant 0 : i32
        %dma_start3A_1533 = tpu.memref_slice %arg11[%dma_start3A_1529, %dma_start3A_1530, %dma_start3A_1531, %dma_start3A_1532] : memref<2x4x32x128xf32, #tpu.memory_space<vmem>> -> memref<1x1x32x128xf32, #tpu.memory_space<vmem>>
        %dma_start3A_1534 = tpu.memref_squeeze %dma_start3A_1533 : memref<1x1x32x128xf32, #tpu.memory_space<vmem>> -> memref<32x128xf32, #tpu.memory_space<vmem>>
        %dma_start3A_1535 = arith.constant 0 : i32
        %dma_start3A_1536 = tpu.memref_slice %arg4[%dma_start3A_1535, %multiple_of3A_1528] : memref<32x1000000xf32, #tpu.memory_space<hbm>> -> memref<32x128xf32, #tpu.memory_space<hbm>>
        %dma_start3A_1537 = arith.constant 0 : i32
        %dma_start3A_1538 = arith.constant 0 : i32
        %dma_start3A_1539 = tpu.memref_slice %arg11[%dma_start3A_1529, %dma_start3A_1530, %dma_start3A_1537, %dma_start3A_1538] : memref<2x4x32x128xf32, #tpu.memory_space<vmem>> -> memref<1x1x32x128xf32, #tpu.memory_space<vmem>>
        %dma_start3A_1540 = tpu.memref_squeeze %dma_start3A_1539 : memref<1x1x32x128xf32, #tpu.memory_space<vmem>> -> memref<32x128xf32, #tpu.memory_space<vmem>>
        %dma_start3A_1541 = arith.constant 0 : i32
        %dma_start3A_1542 = tpu.memref_slice %arg4[%dma_start3A_1541, %multiple_of3A_1528] : memref<32x1000000xf32, #tpu.memory_space<hbm>> -> memref<32x128xf32, #tpu.memory_space<hbm>>
        tpu.enqueue_dma source(%dma_start3A_1542 : memref<32x128xf32, #tpu.memory_space<hbm>>) target(%dma_start3A_1540 : memref<32x128xf32, #tpu.memory_space<vmem>>) target_semaphore(%arg17 : memref<!tpu.dma_semaphore, #tpu.memory_space<semaphore_mem>>)
        %slice3A_1543 = vector.extract_strided_slice %get3A_1504 {offsets = [8], sizes = [1], strides = [1]} : vector<16xi32> to vector<1xi32>
        %squeeze3A_1544 = vector.extract %slice3A_1543[0] : i32 from vector<1xi32>
        %and3A_1545 = arith.constant -128 : i32
        %and3A_1546 = arith.andi %squeeze3A_1544, %and3A_1545 : i32
        %multiple_of3A_1547 = tpu.assume_multiple %and3A_1546, 128 : i32
        %dma_start3A_1548 = arith.constant 0 : i32
        %dma_start3A_1549 = arith.constant 0 : i32
        %dma_start3A_1550 = arith.constant 0 : i32
        %dma_start3A_1551 = arith.constant 0 : i32
        %dma_start3A_1552 = tpu.memref_slice %arg12[%dma_start3A_1548, %dma_start3A_1549, %dma_start3A_1550, %dma_start3A_1551] : memref<2x4x32x128xf32, #tpu.memory_space<vmem>> -> memref<1x1x32x128xf32, #tpu.memory_space<vmem>>
        %dma_start3A_1553 = tpu.memref_squeeze %dma_start3A_1552 : memref<1x1x32x128xf32, #tpu.memory_space<vmem>> -> memref<32x128xf32, #tpu.memory_space<vmem>>
        %dma_start3A_1554 = arith.constant 0 : i32
        %dma_start3A_1555 = tpu.memref_slice %arg4[%dma_start3A_1554, %multiple_of3A_1547] : memref<32x1000000xf32, #tpu.memory_space<hbm>> -> memref<32x128xf32, #tpu.memory_space<hbm>>
        %dma_start3A_1556 = arith.constant 0 : i32
        %dma_start3A_1557 = arith.constant 0 : i32
        %dma_start3A_1558 = tpu.memref_slice %arg12[%dma_start3A_1548, %dma_start3A_1549, %dma_start3A_1556, %dma_start3A_1557] : memref<2x4x32x128xf32, #tpu.memory_space<vmem>> -> memref<1x1x32x128xf32, #tpu.memory_space<vmem>>
        %dma_start3A_1559 = tpu.memref_squeeze %dma_start3A_1558 : memref<1x1x32x128xf32, #tpu.memory_space<vmem>> -> memref<32x128xf32, #tpu.memory_space<vmem>>
        %dma_start3A_1560 = arith.constant 0 : i32
        %dma_start3A_1561 = tpu.memref_slice %arg4[%dma_start3A_1560, %multiple_of3A_1547] : memref<32x1000000xf32, #tpu.memory_space<hbm>> -> memref<32x128xf32, #tpu.memory_space<hbm>>
        tpu.enqueue_dma source(%dma_start3A_1561 : memref<32x128xf32, #tpu.memory_space<hbm>>) target(%dma_start3A_1559 : memref<32x128xf32, #tpu.memory_space<vmem>>) target_semaphore(%arg17 : memref<!tpu.dma_semaphore, #tpu.memory_space<semaphore_mem>>)
        %slice3A_1562 = vector.extract_strided_slice %get3A_1504 {offsets = [1], sizes = [1], strides = [1]} : vector<16xi32> to vector<1xi32>
        %squeeze3A_1563 = vector.extract %slice3A_1562[0] : i32 from vector<1xi32>
        %and3A_1564 = arith.constant -128 : i32
        %and3A_1565 = arith.andi %squeeze3A_1563, %and3A_1564 : i32
        %multiple_of3A_1566 = tpu.assume_multiple %and3A_1565, 128 : i32
        %dma_start3A_1567 = arith.constant 0 : i32
        %dma_start3A_1568 = arith.constant 1 : i32
        %dma_start3A_1569 = arith.constant 0 : i32
        %dma_start3A_1570 = arith.constant 0 : i32
        %dma_start3A_1571 = tpu.memref_slice %arg10[%dma_start3A_1567, %dma_start3A_1568, %dma_start3A_1569, %dma_start3A_1570] : memref<2x4x32x128xf32, #tpu.memory_space<vmem>> -> memref<1x1x32x128xf32, #tpu.memory_space<vmem>>
        %dma_start3A_1572 = tpu.memref_squeeze %dma_start3A_1571 : memref<1x1x32x128xf32, #tpu.memory_space<vmem>> -> memref<32x128xf32, #tpu.memory_space<vmem>>
        %dma_start3A_1573 = arith.constant 0 : i32
        %dma_start3A_1574 = tpu.memref_slice %arg3[%dma_start3A_1573, %multiple_of3A_1566] : memref<32x1000000xf32, #tpu.memory_space<hbm>> -> memref<32x128xf32, #tpu.memory_space<hbm>>
        %dma_start3A_1575 = arith.constant 0 : i32
        %dma_start3A_1576 = arith.constant 0 : i32
        %dma_start3A_1577 = tpu.memref_slice %arg10[%dma_start3A_1567, %dma_start3A_1568, %dma_start3A_1575, %dma_start3A_1576] : memref<2x4x32x128xf32, #tpu.memory_space<vmem>> -> memref<1x1x32x128xf32, #tpu.memory_space<vmem>>
        %dma_start3A_1578 = tpu.memref_squeeze %dma_start3A_1577 : memref<1x1x32x128xf32, #tpu.memory_space<vmem>> -> memref<32x128xf32, #tpu.memory_space<vmem>>
        %dma_start3A_1579 = arith.constant 0 : i32
        %dma_start3A_1580 = tpu.memref_slice %arg3[%dma_start3A_1579, %multiple_of3A_1566] : memref<32x1000000xf32, #tpu.memory_space<hbm>> -> memref<32x128xf32, #tpu.memory_space<hbm>>
        tpu.enqueue_dma source(%dma_start3A_1580 : memref<32x128xf32, #tpu.memory_space<hbm>>) target(%dma_start3A_1578 : memref<32x128xf32, #tpu.memory_space<vmem>>) target_semaphore(%arg17 : memref<!tpu.dma_semaphore, #tpu.memory_space<semaphore_mem>>)
        %slice3A_1581 = vector.extract_strided_slice %get3A_1504 {offsets = [5], sizes = [1], strides = [1]} : vector<16xi32> to vector<1xi32>
        %squeeze3A_1582 = vector.extract %slice3A_1581[0] : i32 from vector<1xi32>
        %and3A_1583 = arith.constant -128 : i32
        %and3A_1584 = arith.andi %squeeze3A_1582, %and3A_1583 : i32
        %multiple_of3A_1585 = tpu.assume_multiple %and3A_1584, 128 : i32
        %dma_start3A_1586 = arith.constant 0 : i32
        %dma_start3A_1587 = arith.constant 1 : i32
        %dma_start3A_1588 = arith.constant 0 : i32
        %dma_start3A_1589 = arith.constant 0 : i32
        %dma_start3A_1590 = tpu.memref_slice %arg11[%dma_start3A_1586, %dma_start3A_1587, %dma_start3A_1588, %dma_start3A_1589] : memref<2x4x32x128xf32, #tpu.memory_space<vmem>> -> memref<1x1x32x128xf32, #tpu.memory_space<vmem>>
        %dma_start3A_1591 = tpu.memref_squeeze %dma_start3A_1590 : memref<1x1x32x128xf32, #tpu.memory_space<vmem>> -> memref<32x128xf32, #tpu.memory_space<vmem>>
        %dma_start3A_1592 = arith.constant 0 : i32
        %dma_start3A_1593 = tpu.memref_slice %arg4[%dma_start3A_1592, %multiple_of3A_1585] : memref<32x1000000xf32, #tpu.memory_space<hbm>> -> memref<32x128xf32, #tpu.memory_space<hbm>>
        %dma_start3A_1594 = arith.constant 0 : i32
        %dma_start3A_1595 = arith.constant 0 : i32
        %dma_start3A_1596 = tpu.memref_slice %arg11[%dma_start3A_1586, %dma_start3A_1587, %dma_start3A_1594, %dma_start3A_1595] : memref<2x4x32x128xf32, #tpu.memory_space<vmem>> -> memref<1x1x32x128xf32, #tpu.memory_space<vmem>>
        %dma_start3A_1597 = tpu.memref_squeeze %dma_start3A_1596 : memref<1x1x32x128xf32, #tpu.memory_space<vmem>> -> memref<32x128xf32, #tpu.memory_space<vmem>>
        %dma_start3A_1598 = arith.constant 0 : i32
        %dma_start3A_1599 = tpu.memref_slice %arg4[%dma_start3A_1598, %multiple_of3A_1585] : memref<32x1000000xf32, #tpu.memory_space<hbm>> -> memref<32x128xf32, #tpu.memory_space<hbm>>
        tpu.enqueue_dma source(%dma_start3A_1599 : memref<32x128xf32, #tpu.memory_space<hbm>>) target(%dma_start3A_1597 : memref<32x128xf32, #tpu.memory_space<vmem>>) target_semaphore(%arg17 : memref<!tpu.dma_semaphore, #tpu.memory_space<semaphore_mem>>)
        %slice3A_1600 = vector.extract_strided_slice %get3A_1504 {offsets = [9], sizes = [1], strides = [1]} : vector<16xi32> to vector<1xi32>
        %squeeze3A_1601 = vector.extract %slice3A_1600[0] : i32 from vector<1xi32>
        %and3A_1602 = arith.constant -128 : i32
        %and3A_1603 = arith.andi %squeeze3A_1601, %and3A_1602 : i32
        %multiple_of3A_1604 = tpu.assume_multiple %and3A_1603, 128 : i32
        %dma_start3A_1605 = arith.constant 0 : i32
        %dma_start3A_1606 = arith.constant 1 : i32
        %dma_start3A_1607 = arith.constant 0 : i32
        %dma_start3A_1608 = arith.constant 0 : i32
        %dma_start3A_1609 = tpu.memref_slice %arg12[%dma_start3A_1605, %dma_start3A_1606, %dma_start3A_1607, %dma_start3A_1608] : memref<2x4x32x128xf32, #tpu.memory_space<vmem>> -> memref<1x1x32x128xf32, #tpu.memory_space<vmem>>
        %dma_start3A_1610 = tpu.memref_squeeze %dma_start3A_1609 : memref<1x1x32x128xf32, #tpu.memory_space<vmem>> -> memref<32x128xf32, #tpu.memory_space<vmem>>
        %dma_start3A_1611 = arith.constant 0 : i32
        %dma_start3A_1612 = tpu.memref_slice %arg4[%dma_start3A_1611, %multiple_of3A_1604] : memref<32x1000000xf32, #tpu.memory_space<hbm>> -> memref<32x128xf32, #tpu.memory_space<hbm>>
        %dma_start3A_1613 = arith.constant 0 : i32
        %dma_start3A_1614 = arith.constant 0 : i32
        %dma_start3A_1615 = tpu.memref_slice %arg12[%dma_start3A_1605, %dma_start3A_1606, %dma_start3A_1613, %dma_start3A_1614] : memref<2x4x32x128xf32, #tpu.memory_space<vmem>> -> memref<1x1x32x128xf32, #tpu.memory_space<vmem>>
        %dma_start3A_1616 = tpu.memref_squeeze %dma_start3A_1615 : memref<1x1x32x128xf32, #tpu.memory_space<vmem>> -> memref<32x128xf32, #tpu.memory_space<vmem>>
        %dma_start3A_1617 = arith.constant 0 : i32
        %dma_start3A_1618 = tpu.memref_slice %arg4[%dma_start3A_1617, %multiple_of3A_1604] : memref<32x1000000xf32, #tpu.memory_space<hbm>> -> memref<32x128xf32, #tpu.memory_space<hbm>>
        tpu.enqueue_dma source(%dma_start3A_1618 : memref<32x128xf32, #tpu.memory_space<hbm>>) target(%dma_start3A_1616 : memref<32x128xf32, #tpu.memory_space<vmem>>) target_semaphore(%arg17 : memref<!tpu.dma_semaphore, #tpu.memory_space<semaphore_mem>>)
        %slice3A_1619 = vector.extract_strided_slice %get3A_1504 {offsets = [2], sizes = [1], strides = [1]} : vector<16xi32> to vector<1xi32>
        %squeeze3A_1620 = vector.extract %slice3A_1619[0] : i32 from vector<1xi32>
        %and3A_1621 = arith.constant -128 : i32
        %and3A_1622 = arith.andi %squeeze3A_1620, %and3A_1621 : i32
        %multiple_of3A_1623 = tpu.assume_multiple %and3A_1622, 128 : i32
        %dma_start3A_1624 = arith.constant 0 : i32
        %dma_start3A_1625 = arith.constant 2 : i32
        %dma_start3A_1626 = arith.constant 0 : i32
        %dma_start3A_1627 = arith.constant 0 : i32
        %dma_start3A_1628 = tpu.memref_slice %arg10[%dma_start3A_1624, %dma_start3A_1625, %dma_start3A_1626, %dma_start3A_1627] : memref<2x4x32x128xf32, #tpu.memory_space<vmem>> -> memref<1x1x32x128xf32, #tpu.memory_space<vmem>>
        %dma_start3A_1629 = tpu.memref_squeeze %dma_start3A_1628 : memref<1x1x32x128xf32, #tpu.memory_space<vmem>> -> memref<32x128xf32, #tpu.memory_space<vmem>>
        %dma_start3A_1630 = arith.constant 0 : i32
        %dma_start3A_1631 = tpu.memref_slice %arg3[%dma_start3A_1630, %multiple_of3A_1623] : memref<32x1000000xf32, #tpu.memory_space<hbm>> -> memref<32x128xf32, #tpu.memory_space<hbm>>
        %dma_start3A_1632 = arith.constant 0 : i32
        %dma_start3A_1633 = arith.constant 0 : i32
        %dma_start3A_1634 = tpu.memref_slice %arg10[%dma_start3A_1624, %dma_start3A_1625, %dma_start3A_1632, %dma_start3A_1633] : memref<2x4x32x128xf32, #tpu.memory_space<vmem>> -> memref<1x1x32x128xf32, #tpu.memory_space<vmem>>
        %dma_start3A_1635 = tpu.memref_squeeze %dma_start3A_1634 : memref<1x1x32x128xf32, #tpu.memory_space<vmem>> -> memref<32x128xf32, #tpu.memory_space<vmem>>
        %dma_start3A_1636 = arith.constant 0 : i32
        %dma_start3A_1637 = tpu.memref_slice %arg3[%dma_start3A_1636, %multiple_of3A_1623] : memref<32x1000000xf32, #tpu.memory_space<hbm>> -> memref<32x128xf32, #tpu.memory_space<hbm>>
        tpu.enqueue_dma source(%dma_start3A_1637 : memref<32x128xf32, #tpu.memory_space<hbm>>) target(%dma_start3A_1635 : memref<32x128xf32, #tpu.memory_space<vmem>>) target_semaphore(%arg17 : memref<!tpu.dma_semaphore, #tpu.memory_space<semaphore_mem>>)
        %slice3A_1638 = vector.extract_strided_slice %get3A_1504 {offsets = [6], sizes = [1], strides = [1]} : vector<16xi32> to vector<1xi32>
        %squeeze3A_1639 = vector.extract %slice3A_1638[0] : i32 from vector<1xi32>
        %and3A_1640 = arith.constant -128 : i32
        %and3A_1641 = arith.andi %squeeze3A_1639, %and3A_1640 : i32
        %multiple_of3A_1642 = tpu.assume_multiple %and3A_1641, 128 : i32
        %dma_start3A_1643 = arith.constant 0 : i32
        %dma_start3A_1644 = arith.constant 2 : i32
        %dma_start3A_1645 = arith.constant 0 : i32
        %dma_start3A_1646 = arith.constant 0 : i32
        %dma_start3A_1647 = tpu.memref_slice %arg11[%dma_start3A_1643, %dma_start3A_1644, %dma_start3A_1645, %dma_start3A_1646] : memref<2x4x32x128xf32, #tpu.memory_space<vmem>> -> memref<1x1x32x128xf32, #tpu.memory_space<vmem>>
        %dma_start3A_1648 = tpu.memref_squeeze %dma_start3A_1647 : memref<1x1x32x128xf32, #tpu.memory_space<vmem>> -> memref<32x128xf32, #tpu.memory_space<vmem>>
        %dma_start3A_1649 = arith.constant 0 : i32
        %dma_start3A_1650 = tpu.memref_slice %arg4[%dma_start3A_1649, %multiple_of3A_1642] : memref<32x1000000xf32, #tpu.memory_space<hbm>> -> memref<32x128xf32, #tpu.memory_space<hbm>>
        %dma_start3A_1651 = arith.constant 0 : i32
        %dma_start3A_1652 = arith.constant 0 : i32
        %dma_start3A_1653 = tpu.memref_slice %arg11[%dma_start3A_1643, %dma_start3A_1644, %dma_start3A_1651, %dma_start3A_1652] : memref<2x4x32x128xf32, #tpu.memory_space<vmem>> -> memref<1x1x32x128xf32, #tpu.memory_space<vmem>>
        %dma_start3A_1654 = tpu.memref_squeeze %dma_start3A_1653 : memref<1x1x32x128xf32, #tpu.memory_space<vmem>> -> memref<32x128xf32, #tpu.memory_space<vmem>>
        %dma_start3A_1655 = arith.constant 0 : i32
        %dma_start3A_1656 = tpu.memref_slice %arg4[%dma_start3A_1655, %multiple_of3A_1642] : memref<32x1000000xf32, #tpu.memory_space<hbm>> -> memref<32x128xf32, #tpu.memory_space<hbm>>
        tpu.enqueue_dma source(%dma_start3A_1656 : memref<32x128xf32, #tpu.memory_space<hbm>>) target(%dma_start3A_1654 : memref<32x128xf32, #tpu.memory_space<vmem>>) target_semaphore(%arg17 : memref<!tpu.dma_semaphore, #tpu.memory_space<semaphore_mem>>)
        %slice3A_1657 = vector.extract_strided_slice %get3A_1504 {offsets = [10], sizes = [1], strides = [1]} : vector<16xi32> to vector<1xi32>
        %squeeze3A_1658 = vector.extract %slice3A_1657[0] : i32 from vector<1xi32>
        %and3A_1659 = arith.constant -128 : i32
        %and3A_1660 = arith.andi %squeeze3A_1658, %and3A_1659 : i32
        %multiple_of3A_1661 = tpu.assume_multiple %and3A_1660, 128 : i32
        %dma_start3A_1662 = arith.constant 0 : i32
        %dma_start3A_1663 = arith.constant 2 : i32
        %dma_start3A_1664 = arith.constant 0 : i32
        %dma_start3A_1665 = arith.constant 0 : i32
        %dma_start3A_1666 = tpu.memref_slice %arg12[%dma_start3A_1662, %dma_start3A_1663, %dma_start3A_1664, %dma_start3A_1665] : memref<2x4x32x128xf32, #tpu.memory_space<vmem>> -> memref<1x1x32x128xf32, #tpu.memory_space<vmem>>
        %dma_start3A_1667 = tpu.memref_squeeze %dma_start3A_1666 : memref<1x1x32x128xf32, #tpu.memory_space<vmem>> -> memref<32x128xf32, #tpu.memory_space<vmem>>
        %dma_start3A_1668 = arith.constant 0 : i32
        %dma_start3A_1669 = tpu.memref_slice %arg4[%dma_start3A_1668, %multiple_of3A_1661] : memref<32x1000000xf32, #tpu.memory_space<hbm>> -> memref<32x128xf32, #tpu.memory_space<hbm>>
        %dma_start3A_1670 = arith.constant 0 : i32
        %dma_start3A_1671 = arith.constant 0 : i32
        %dma_start3A_1672 = tpu.memref_slice %arg12[%dma_start3A_1662, %dma_start3A_1663, %dma_start3A_1670, %dma_start3A_1671] : memref<2x4x32x128xf32, #tpu.memory_space<vmem>> -> memref<1x1x32x128xf32, #tpu.memory_space<vmem>>
        %dma_start3A_1673 = tpu.memref_squeeze %dma_start3A_1672 : memref<1x1x32x128xf32, #tpu.memory_space<vmem>> -> memref<32x128xf32, #tpu.memory_space<vmem>>
        %dma_start3A_1674 = arith.constant 0 : i32
        %dma_start3A_1675 = tpu.memref_slice %arg4[%dma_start3A_1674, %multiple_of3A_1661] : memref<32x1000000xf32, #tpu.memory_space<hbm>> -> memref<32x128xf32, #tpu.memory_space<hbm>>
        tpu.enqueue_dma source(%dma_start3A_1675 : memref<32x128xf32, #tpu.memory_space<hbm>>) target(%dma_start3A_1673 : memref<32x128xf32, #tpu.memory_space<vmem>>) target_semaphore(%arg17 : memref<!tpu.dma_semaphore, #tpu.memory_space<semaphore_mem>>)
        %slice3A_1676 = vector.extract_strided_slice %get3A_1504 {offsets = [3], sizes = [1], strides = [1]} : vector<16xi32> to vector<1xi32>
        %squeeze3A_1677 = vector.extract %slice3A_1676[0] : i32 from vector<1xi32>
        %and3A_1678 = arith.constant -128 : i32
        %and3A_1679 = arith.andi %squeeze3A_1677, %and3A_1678 : i32
        %multiple_of3A_1680 = tpu.assume_multiple %and3A_1679, 128 : i32
        %dma_start3A_1681 = arith.constant 0 : i32
        %dma_start3A_1682 = arith.constant 3 : i32
        %dma_start3A_1683 = arith.constant 0 : i32
        %dma_start3A_1684 = arith.constant 0 : i32
        %dma_start3A_1685 = tpu.memref_slice %arg10[%dma_start3A_1681, %dma_start3A_1682, %dma_start3A_1683, %dma_start3A_1684] : memref<2x4x32x128xf32, #tpu.memory_space<vmem>> -> memref<1x1x32x128xf32, #tpu.memory_space<vmem>>
        %dma_start3A_1686 = tpu.memref_squeeze %dma_start3A_1685 : memref<1x1x32x128xf32, #tpu.memory_space<vmem>> -> memref<32x128xf32, #tpu.memory_space<vmem>>
        %dma_start3A_1687 = arith.constant 0 : i32
        %dma_start3A_1688 = tpu.memref_slice %arg3[%dma_start3A_1687, %multiple_of3A_1680] : memref<32x1000000xf32, #tpu.memory_space<hbm>> -> memref<32x128xf32, #tpu.memory_space<hbm>>
        %dma_start3A_1689 = arith.constant 0 : i32
        %dma_start3A_1690 = arith.constant 0 : i32
        %dma_start3A_1691 = tpu.memref_slice %arg10[%dma_start3A_1681, %dma_start3A_1682, %dma_start3A_1689, %dma_start3A_1690] : memref<2x4x32x128xf32, #tpu.memory_space<vmem>> -> memref<1x1x32x128xf32, #tpu.memory_space<vmem>>
        %dma_start3A_1692 = tpu.memref_squeeze %dma_start3A_1691 : memref<1x1x32x128xf32, #tpu.memory_space<vmem>> -> memref<32x128xf32, #tpu.memory_space<vmem>>
        %dma_start3A_1693 = arith.constant 0 : i32
        %dma_start3A_1694 = tpu.memref_slice %arg3[%dma_start3A_1693, %multiple_of3A_1680] : memref<32x1000000xf32, #tpu.memory_space<hbm>> -> memref<32x128xf32, #tpu.memory_space<hbm>>
        tpu.enqueue_dma source(%dma_start3A_1694 : memref<32x128xf32, #tpu.memory_space<hbm>>) target(%dma_start3A_1692 : memref<32x128xf32, #tpu.memory_space<vmem>>) target_semaphore(%arg17 : memref<!tpu.dma_semaphore, #tpu.memory_space<semaphore_mem>>)
        %slice3A_1695 = vector.extract_strided_slice %get3A_1504 {offsets = [7], sizes = [1], strides = [1]} : vector<16xi32> to vector<1xi32>
        %squeeze3A_1696 = vector.extract %slice3A_1695[0] : i32 from vector<1xi32>
        %and3A_1697 = arith.constant -128 : i32
        %and3A_1698 = arith.andi %squeeze3A_1696, %and3A_1697 : i32
        %multiple_of3A_1699 = tpu.assume_multiple %and3A_1698, 128 : i32
        %dma_start3A_1700 = arith.constant 0 : i32
        %dma_start3A_1701 = arith.constant 3 : i32
        %dma_start3A_1702 = arith.constant 0 : i32
        %dma_start3A_1703 = arith.constant 0 : i32
        %dma_start3A_1704 = tpu.memref_slice %arg11[%dma_start3A_1700, %dma_start3A_1701, %dma_start3A_1702, %dma_start3A_1703] : memref<2x4x32x128xf32, #tpu.memory_space<vmem>> -> memref<1x1x32x128xf32, #tpu.memory_space<vmem>>
        %dma_start3A_1705 = tpu.memref_squeeze %dma_start3A_1704 : memref<1x1x32x128xf32, #tpu.memory_space<vmem>> -> memref<32x128xf32, #tpu.memory_space<vmem>>
        %dma_start3A_1706 = arith.constant 0 : i32
        %dma_start3A_1707 = tpu.memref_slice %arg4[%dma_start3A_1706, %multiple_of3A_1699] : memref<32x1000000xf32, #tpu.memory_space<hbm>> -> memref<32x128xf32, #tpu.memory_space<hbm>>
        %dma_start3A_1708 = arith.constant 0 : i32
        %dma_start3A_1709 = arith.constant 0 : i32
        %dma_start3A_1710 = tpu.memref_slice %arg11[%dma_start3A_1700, %dma_start3A_1701, %dma_start3A_1708, %dma_start3A_1709] : memref<2x4x32x128xf32, #tpu.memory_space<vmem>> -> memref<1x1x32x128xf32, #tpu.memory_space<vmem>>
        %dma_start3A_1711 = tpu.memref_squeeze %dma_start3A_1710 : memref<1x1x32x128xf32, #tpu.memory_space<vmem>> -> memref<32x128xf32, #tpu.memory_space<vmem>>
        %dma_start3A_1712 = arith.constant 0 : i32
        %dma_start3A_1713 = tpu.memref_slice %arg4[%dma_start3A_1712, %multiple_of3A_1699] : memref<32x1000000xf32, #tpu.memory_space<hbm>> -> memref<32x128xf32, #tpu.memory_space<hbm>>
        tpu.enqueue_dma source(%dma_start3A_1713 : memref<32x128xf32, #tpu.memory_space<hbm>>) target(%dma_start3A_1711 : memref<32x128xf32, #tpu.memory_space<vmem>>) target_semaphore(%arg17 : memref<!tpu.dma_semaphore, #tpu.memory_space<semaphore_mem>>)
        %slice3A_1714 = vector.extract_strided_slice %get3A_1504 {offsets = [11], sizes = [1], strides = [1]} : vector<16xi32> to vector<1xi32>
        %squeeze3A_1715 = vector.extract %slice3A_1714[0] : i32 from vector<1xi32>
        %and3A_1716 = arith.constant -128 : i32
        %and3A_1717 = arith.andi %squeeze3A_1715, %and3A_1716 : i32
        %multiple_of3A_1718 = tpu.assume_multiple %and3A_1717, 128 : i32
        %dma_start3A_1719 = arith.constant 0 : i32
        %dma_start3A_1720 = arith.constant 3 : i32
        %dma_start3A_1721 = arith.constant 0 : i32
        %dma_start3A_1722 = arith.constant 0 : i32
        %dma_start3A_1723 = tpu.memref_slice %arg12[%dma_start3A_1719, %dma_start3A_1720, %dma_start3A_1721, %dma_start3A_1722] : memref<2x4x32x128xf32, #tpu.memory_space<vmem>> -> memref<1x1x32x128xf32, #tpu.memory_space<vmem>>
        %dma_start3A_1724 = tpu.memref_squeeze %dma_start3A_1723 : memref<1x1x32x128xf32, #tpu.memory_space<vmem>> -> memref<32x128xf32, #tpu.memory_space<vmem>>
        %dma_start3A_1725 = arith.constant 0 : i32
        %dma_start3A_1726 = tpu.memref_slice %arg4[%dma_start3A_1725, %multiple_of3A_1718] : memref<32x1000000xf32, #tpu.memory_space<hbm>> -> memref<32x128xf32, #tpu.memory_space<hbm>>
        %dma_start3A_1727 = arith.constant 0 : i32
        %dma_start3A_1728 = arith.constant 0 : i32
        %dma_start3A_1729 = tpu.memref_slice %arg12[%dma_start3A_1719, %dma_start3A_1720, %dma_start3A_1727, %dma_start3A_1728] : memref<2x4x32x128xf32, #tpu.memory_space<vmem>> -> memref<1x1x32x128xf32, #tpu.memory_space<vmem>>
        %dma_start3A_1730 = tpu.memref_squeeze %dma_start3A_1729 : memref<1x1x32x128xf32, #tpu.memory_space<vmem>> -> memref<32x128xf32, #tpu.memory_space<vmem>>
        %dma_start3A_1731 = arith.constant 0 : i32
        %dma_start3A_1732 = tpu.memref_slice %arg4[%dma_start3A_1731, %multiple_of3A_1718] : memref<32x1000000xf32, #tpu.memory_space<hbm>> -> memref<32x128xf32, #tpu.memory_space<hbm>>
        tpu.enqueue_dma source(%dma_start3A_1732 : memref<32x128xf32, #tpu.memory_space<hbm>>) target(%dma_start3A_1730 : memref<32x128xf32, #tpu.memory_space<vmem>>) target_semaphore(%arg17 : memref<!tpu.dma_semaphore, #tpu.memory_space<semaphore_mem>>)
      } else {
      }
      %dma_wait3A_880 = arith.constant 1 : i32
      %dma_wait3A_881 = arith.constant 0 : i32
      %dma_wait3A_882 = arith.constant 0 : i32
      %dma_wait3A_883 = arith.constant 0 : i32
      %dma_wait3A_884 = tpu.memref_slice %arg10[%dma_wait3A_880, %dma_wait3A_881, %dma_wait3A_882, %dma_wait3A_883] : memref<2x4x32x128xf32, #tpu.memory_space<vmem>> -> memref<1x1x32x128xf32, #tpu.memory_space<vmem>>
      %dma_wait3A_885 = tpu.memref_squeeze %dma_wait3A_884 : memref<1x1x32x128xf32, #tpu.memory_space<vmem>> -> memref<32x128xf32, #tpu.memory_space<vmem>>
      %dma_wait3A_886 = arith.constant 0 : i32
      %dma_wait3A_887 = arith.constant 0 : i32
      %dma_wait3A_888 = tpu.memref_slice %arg3[%dma_wait3A_886, %dma_wait3A_887] : memref<32x1000000xf32, #tpu.memory_space<hbm>> -> memref<32x128xf32, #tpu.memory_space<hbm>>
      %dma_wait3A_889 = arith.constant 0 : i32
      %dma_wait3A_890 = arith.constant 0 : i32
      %dma_wait3A_891 = tpu.memref_slice %arg10[%dma_wait3A_880, %dma_wait3A_881, %dma_wait3A_889, %dma_wait3A_890] : memref<2x4x32x128xf32, #tpu.memory_space<vmem>> -> memref<1x1x32x128xf32, #tpu.memory_space<vmem>>
      %dma_wait3A_892 = tpu.memref_squeeze %dma_wait3A_891 : memref<1x1x32x128xf32, #tpu.memory_space<vmem>> -> memref<32x128xf32, #tpu.memory_space<vmem>>
      %dma_wait3A_893 = arith.constant 0 : i32
      %dma_wait3A_894 = arith.constant 0 : i32
      %dma_wait3A_895 = tpu.memref_slice %arg3[%dma_wait3A_893, %dma_wait3A_894] : memref<32x1000000xf32, #tpu.memory_space<hbm>> -> memref<32x128xf32, #tpu.memory_space<hbm>>
      tpu.wait_dma2 semaphore(%arg17 : memref<!tpu.dma_semaphore, #tpu.memory_space<semaphore_mem>>) src(%dma_wait3A_895 : memref<32x128xf32, #tpu.memory_space<hbm>>) dst(%dma_wait3A_892 : memref<32x128xf32, #tpu.memory_space<vmem>>)
      %dma_wait3A_896 = arith.constant 1 : i32
      %dma_wait3A_897 = arith.constant 1 : i32
      %dma_wait3A_898 = arith.constant 0 : i32
      %dma_wait3A_899 = arith.constant 0 : i32
      %dma_wait3A_900 = tpu.memref_slice %arg10[%dma_wait3A_896, %dma_wait3A_897, %dma_wait3A_898, %dma_wait3A_899] : memref<2x4x32x128xf32, #tpu.memory_space<vmem>> -> memref<1x1x32x128xf32, #tpu.memory_space<vmem>>
      %dma_wait3A_901 = tpu.memref_squeeze %dma_wait3A_900 : memref<1x1x32x128xf32, #tpu.memory_space<vmem>> -> memref<32x128xf32, #tpu.memory_space<vmem>>
      %dma_wait3A_902 = arith.constant 0 : i32
      %dma_wait3A_903 = arith.constant 0 : i32
      %dma_wait3A_904 = tpu.memref_slice %arg3[%dma_wait3A_902, %dma_wait3A_903] : memref<32x1000000xf32, #tpu.memory_space<hbm>> -> memref<32x128xf32, #tpu.memory_space<hbm>>
      %dma_wait3A_905 = arith.constant 0 : i32
      %dma_wait3A_906 = arith.constant 0 : i32
      %dma_wait3A_907 = tpu.memref_slice %arg10[%dma_wait3A_896, %dma_wait3A_897, %dma_wait3A_905, %dma_wait3A_906] : memref<2x4x32x128xf32, #tpu.memory_space<vmem>> -> memref<1x1x32x128xf32, #tpu.memory_space<vmem>>
      %dma_wait3A_908 = tpu.memref_squeeze %dma_wait3A_907 : memref<1x1x32x128xf32, #tpu.memory_space<vmem>> -> memref<32x128xf32, #tpu.memory_space<vmem>>
      %dma_wait3A_909 = arith.constant 0 : i32
      %dma_wait3A_910 = arith.constant 0 : i32
      %dma_wait3A_911 = tpu.memref_slice %arg3[%dma_wait3A_909, %dma_wait3A_910] : memref<32x1000000xf32, #tpu.memory_space<hbm>> -> memref<32x128xf32, #tpu.memory_space<hbm>>
      tpu.wait_dma2 semaphore(%arg17 : memref<!tpu.dma_semaphore, #tpu.memory_space<semaphore_mem>>) src(%dma_wait3A_911 : memref<32x128xf32, #tpu.memory_space<hbm>>) dst(%dma_wait3A_908 : memref<32x128xf32, #tpu.memory_space<vmem>>)
      %dma_wait3A_912 = arith.constant 1 : i32
      %dma_wait3A_913 = arith.constant 2 : i32
      %dma_wait3A_914 = arith.constant 0 : i32
      %dma_wait3A_915 = arith.constant 0 : i32
      %dma_wait3A_916 = tpu.memref_slice %arg10[%dma_wait3A_912, %dma_wait3A_913, %dma_wait3A_914, %dma_wait3A_915] : memref<2x4x32x128xf32, #tpu.memory_space<vmem>> -> memref<1x1x32x128xf32, #tpu.memory_space<vmem>>
      %dma_wait3A_917 = tpu.memref_squeeze %dma_wait3A_916 : memref<1x1x32x128xf32, #tpu.memory_space<vmem>> -> memref<32x128xf32, #tpu.memory_space<vmem>>
      %dma_wait3A_918 = arith.constant 0 : i32
      %dma_wait3A_919 = arith.constant 0 : i32
      %dma_wait3A_920 = tpu.memref_slice %arg3[%dma_wait3A_918, %dma_wait3A_919] : memref<32x1000000xf32, #tpu.memory_space<hbm>> -> memref<32x128xf32, #tpu.memory_space<hbm>>
      %dma_wait3A_921 = arith.constant 0 : i32
      %dma_wait3A_922 = arith.constant 0 : i32
      %dma_wait3A_923 = tpu.memref_slice %arg10[%dma_wait3A_912, %dma_wait3A_913, %dma_wait3A_921, %dma_wait3A_922] : memref<2x4x32x128xf32, #tpu.memory_space<vmem>> -> memref<1x1x32x128xf32, #tpu.memory_space<vmem>>
      %dma_wait3A_924 = tpu.memref_squeeze %dma_wait3A_923 : memref<1x1x32x128xf32, #tpu.memory_space<vmem>> -> memref<32x128xf32, #tpu.memory_space<vmem>>
      %dma_wait3A_925 = arith.constant 0 : i32
      %dma_wait3A_926 = arith.constant 0 : i32
      %dma_wait3A_927 = tpu.memref_slice %arg3[%dma_wait3A_925, %dma_wait3A_926] : memref<32x1000000xf32, #tpu.memory_space<hbm>> -> memref<32x128xf32, #tpu.memory_space<hbm>>
      tpu.wait_dma2 semaphore(%arg17 : memref<!tpu.dma_semaphore, #tpu.memory_space<semaphore_mem>>) src(%dma_wait3A_927 : memref<32x128xf32, #tpu.memory_space<hbm>>) dst(%dma_wait3A_924 : memref<32x128xf32, #tpu.memory_space<vmem>>)
      %dma_wait3A_928 = arith.constant 1 : i32
      %dma_wait3A_929 = arith.constant 3 : i32
      %dma_wait3A_930 = arith.constant 0 : i32
      %dma_wait3A_931 = arith.constant 0 : i32
      %dma_wait3A_932 = tpu.memref_slice %arg10[%dma_wait3A_928, %dma_wait3A_929, %dma_wait3A_930, %dma_wait3A_931] : memref<2x4x32x128xf32, #tpu.memory_space<vmem>> -> memref<1x1x32x128xf32, #tpu.memory_space<vmem>>
      %dma_wait3A_933 = tpu.memref_squeeze %dma_wait3A_932 : memref<1x1x32x128xf32, #tpu.memory_space<vmem>> -> memref<32x128xf32, #tpu.memory_space<vmem>>
      %dma_wait3A_934 = arith.constant 0 : i32
      %dma_wait3A_935 = arith.constant 0 : i32
      %dma_wait3A_936 = tpu.memref_slice %arg3[%dma_wait3A_934, %dma_wait3A_935] : memref<32x1000000xf32, #tpu.memory_space<hbm>> -> memref<32x128xf32, #tpu.memory_space<hbm>>
      %dma_wait3A_937 = arith.constant 0 : i32
      %dma_wait3A_938 = arith.constant 0 : i32
      %dma_wait3A_939 = tpu.memref_slice %arg10[%dma_wait3A_928, %dma_wait3A_929, %dma_wait3A_937, %dma_wait3A_938] : memref<2x4x32x128xf32, #tpu.memory_space<vmem>> -> memref<1x1x32x128xf32, #tpu.memory_space<vmem>>
      %dma_wait3A_940 = tpu.memref_squeeze %dma_wait3A_939 : memref<1x1x32x128xf32, #tpu.memory_space<vmem>> -> memref<32x128xf32, #tpu.memory_space<vmem>>
      %dma_wait3A_941 = arith.constant 0 : i32
      %dma_wait3A_942 = arith.constant 0 : i32
      %dma_wait3A_943 = tpu.memref_slice %arg3[%dma_wait3A_941, %dma_wait3A_942] : memref<32x1000000xf32, #tpu.memory_space<hbm>> -> memref<32x128xf32, #tpu.memory_space<hbm>>
      tpu.wait_dma2 semaphore(%arg17 : memref<!tpu.dma_semaphore, #tpu.memory_space<semaphore_mem>>) src(%dma_wait3A_943 : memref<32x128xf32, #tpu.memory_space<hbm>>) dst(%dma_wait3A_940 : memref<32x128xf32, #tpu.memory_space<vmem>>)
      %dma_wait3A_944 = arith.constant 1 : i32
      %dma_wait3A_945 = arith.constant 0 : i32
      %dma_wait3A_946 = arith.constant 0 : i32
      %dma_wait3A_947 = arith.constant 0 : i32
      %dma_wait3A_948 = tpu.memref_slice %arg11[%dma_wait3A_944, %dma_wait3A_945, %dma_wait3A_946, %dma_wait3A_947] : memref<2x4x32x128xf32, #tpu.memory_space<vmem>> -> memref<1x1x32x128xf32, #tpu.memory_space<vmem>>
      %dma_wait3A_949 = tpu.memref_squeeze %dma_wait3A_948 : memref<1x1x32x128xf32, #tpu.memory_space<vmem>> -> memref<32x128xf32, #tpu.memory_space<vmem>>
      %dma_wait3A_950 = arith.constant 0 : i32
      %dma_wait3A_951 = arith.constant 0 : i32
      %dma_wait3A_952 = tpu.memref_slice %arg3[%dma_wait3A_950, %dma_wait3A_951] : memref<32x1000000xf32, #tpu.memory_space<hbm>> -> memref<32x128xf32, #tpu.memory_space<hbm>>
      %dma_wait3A_953 = arith.constant 0 : i32
      %dma_wait3A_954 = arith.constant 0 : i32
      %dma_wait3A_955 = tpu.memref_slice %arg11[%dma_wait3A_944, %dma_wait3A_945, %dma_wait3A_953, %dma_wait3A_954] : memref<2x4x32x128xf32, #tpu.memory_space<vmem>> -> memref<1x1x32x128xf32, #tpu.memory_space<vmem>>
      %dma_wait3A_956 = tpu.memref_squeeze %dma_wait3A_955 : memref<1x1x32x128xf32, #tpu.memory_space<vmem>> -> memref<32x128xf32, #tpu.memory_space<vmem>>
      %dma_wait3A_957 = arith.constant 0 : i32
      %dma_wait3A_958 = arith.constant 0 : i32
      %dma_wait3A_959 = tpu.memref_slice %arg3[%dma_wait3A_957, %dma_wait3A_958] : memref<32x1000000xf32, #tpu.memory_space<hbm>> -> memref<32x128xf32, #tpu.memory_space<hbm>>
      tpu.wait_dma2 semaphore(%arg17 : memref<!tpu.dma_semaphore, #tpu.memory_space<semaphore_mem>>) src(%dma_wait3A_959 : memref<32x128xf32, #tpu.memory_space<hbm>>) dst(%dma_wait3A_956 : memref<32x128xf32, #tpu.memory_space<vmem>>)
      %dma_wait3A_960 = arith.constant 1 : i32
      %dma_wait3A_961 = arith.constant 1 : i32
      %dma_wait3A_962 = arith.constant 0 : i32
      %dma_wait3A_963 = arith.constant 0 : i32
      %dma_wait3A_964 = tpu.memref_slice %arg11[%dma_wait3A_960, %dma_wait3A_961, %dma_wait3A_962, %dma_wait3A_963] : memref<2x4x32x128xf32, #tpu.memory_space<vmem>> -> memref<1x1x32x128xf32, #tpu.memory_space<vmem>>
      %dma_wait3A_965 = tpu.memref_squeeze %dma_wait3A_964 : memref<1x1x32x128xf32, #tpu.memory_space<vmem>> -> memref<32x128xf32, #tpu.memory_space<vmem>>
      %dma_wait3A_966 = arith.constant 0 : i32
      %dma_wait3A_967 = arith.constant 0 : i32
      %dma_wait3A_968 = tpu.memref_slice %arg3[%dma_wait3A_966, %dma_wait3A_967] : memref<32x1000000xf32, #tpu.memory_space<hbm>> -> memref<32x128xf32, #tpu.memory_space<hbm>>
      %dma_wait3A_969 = arith.constant 0 : i32
      %dma_wait3A_970 = arith.constant 0 : i32
      %dma_wait3A_971 = tpu.memref_slice %arg11[%dma_wait3A_960, %dma_wait3A_961, %dma_wait3A_969, %dma_wait3A_970] : memref<2x4x32x128xf32, #tpu.memory_space<vmem>> -> memref<1x1x32x128xf32, #tpu.memory_space<vmem>>
      %dma_wait3A_972 = tpu.memref_squeeze %dma_wait3A_971 : memref<1x1x32x128xf32, #tpu.memory_space<vmem>> -> memref<32x128xf32, #tpu.memory_space<vmem>>
      %dma_wait3A_973 = arith.constant 0 : i32
      %dma_wait3A_974 = arith.constant 0 : i32
      %dma_wait3A_975 = tpu.memref_slice %arg3[%dma_wait3A_973, %dma_wait3A_974] : memref<32x1000000xf32, #tpu.memory_space<hbm>> -> memref<32x128xf32, #tpu.memory_space<hbm>>
      tpu.wait_dma2 semaphore(%arg17 : memref<!tpu.dma_semaphore, #tpu.memory_space<semaphore_mem>>) src(%dma_wait3A_975 : memref<32x128xf32, #tpu.memory_space<hbm>>) dst(%dma_wait3A_972 : memref<32x128xf32, #tpu.memory_space<vmem>>)
      %dma_wait3A_976 = arith.constant 1 : i32
      %dma_wait3A_977 = arith.constant 2 : i32
      %dma_wait3A_978 = arith.constant 0 : i32
      %dma_wait3A_979 = arith.constant 0 : i32
      %dma_wait3A_980 = tpu.memref_slice %arg11[%dma_wait3A_976, %dma_wait3A_977, %dma_wait3A_978, %dma_wait3A_979] : memref<2x4x32x128xf32, #tpu.memory_space<vmem>> -> memref<1x1x32x128xf32, #tpu.memory_space<vmem>>
      %dma_wait3A_981 = tpu.memref_squeeze %dma_wait3A_980 : memref<1x1x32x128xf32, #tpu.memory_space<vmem>> -> memref<32x128xf32, #tpu.memory_space<vmem>>
      %dma_wait3A_982 = arith.constant 0 : i32
      %dma_wait3A_983 = arith.constant 0 : i32
      %dma_wait3A_984 = tpu.memref_slice %arg3[%dma_wait3A_982, %dma_wait3A_983] : memref<32x1000000xf32, #tpu.memory_space<hbm>> -> memref<32x128xf32, #tpu.memory_space<hbm>>
      %dma_wait3A_985 = arith.constant 0 : i32
      %dma_wait3A_986 = arith.constant 0 : i32
      %dma_wait3A_987 = tpu.memref_slice %arg11[%dma_wait3A_976, %dma_wait3A_977, %dma_wait3A_985, %dma_wait3A_986] : memref<2x4x32x128xf32, #tpu.memory_space<vmem>> -> memref<1x1x32x128xf32, #tpu.memory_space<vmem>>
      %dma_wait3A_988 = tpu.memref_squeeze %dma_wait3A_987 : memref<1x1x32x128xf32, #tpu.memory_space<vmem>> -> memref<32x128xf32, #tpu.memory_space<vmem>>
      %dma_wait3A_989 = arith.constant 0 : i32
      %dma_wait3A_990 = arith.constant 0 : i32
      %dma_wait3A_991 = tpu.memref_slice %arg3[%dma_wait3A_989, %dma_wait3A_990] : memref<32x1000000xf32, #tpu.memory_space<hbm>> -> memref<32x128xf32, #tpu.memory_space<hbm>>
      tpu.wait_dma2 semaphore(%arg17 : memref<!tpu.dma_semaphore, #tpu.memory_space<semaphore_mem>>) src(%dma_wait3A_991 : memref<32x128xf32, #tpu.memory_space<hbm>>) dst(%dma_wait3A_988 : memref<32x128xf32, #tpu.memory_space<vmem>>)
      %dma_wait3A_992 = arith.constant 1 : i32
      %dma_wait3A_993 = arith.constant 3 : i32
      %dma_wait3A_994 = arith.constant 0 : i32
      %dma_wait3A_995 = arith.constant 0 : i32
      %dma_wait3A_996 = tpu.memref_slice %arg11[%dma_wait3A_992, %dma_wait3A_993, %dma_wait3A_994, %dma_wait3A_995] : memref<2x4x32x128xf32, #tpu.memory_space<vmem>> -> memref<1x1x32x128xf32, #tpu.memory_space<vmem>>
      %dma_wait3A_997 = tpu.memref_squeeze %dma_wait3A_996 : memref<1x1x32x128xf32, #tpu.memory_space<vmem>> -> memref<32x128xf32, #tpu.memory_space<vmem>>
      %dma_wait3A_998 = arith.constant 0 : i32
      %dma_wait3A_999 = arith.constant 0 : i32
      %dma_wait3A_1000 = tpu.memref_slice %arg3[%dma_wait3A_998, %dma_wait3A_999] : memref<32x1000000xf32, #tpu.memory_space<hbm>> -> memref<32x128xf32, #tpu.memory_space<hbm>>
      %dma_wait3A_1001 = arith.constant 0 : i32
      %dma_wait3A_1002 = arith.constant 0 : i32
      %dma_wait3A_1003 = tpu.memref_slice %arg11[%dma_wait3A_992, %dma_wait3A_993, %dma_wait3A_1001, %dma_wait3A_1002] : memref<2x4x32x128xf32, #tpu.memory_space<vmem>> -> memref<1x1x32x128xf32, #tpu.memory_space<vmem>>
      %dma_wait3A_1004 = tpu.memref_squeeze %dma_wait3A_1003 : memref<1x1x32x128xf32, #tpu.memory_space<vmem>> -> memref<32x128xf32, #tpu.memory_space<vmem>>
      %dma_wait3A_1005 = arith.constant 0 : i32
      %dma_wait3A_1006 = arith.constant 0 : i32
      %dma_wait3A_1007 = tpu.memref_slice %arg3[%dma_wait3A_1005, %dma_wait3A_1006] : memref<32x1000000xf32, #tpu.memory_space<hbm>> -> memref<32x128xf32, #tpu.memory_space<hbm>>
      tpu.wait_dma2 semaphore(%arg17 : memref<!tpu.dma_semaphore, #tpu.memory_space<semaphore_mem>>) src(%dma_wait3A_1007 : memref<32x128xf32, #tpu.memory_space<hbm>>) dst(%dma_wait3A_1004 : memref<32x128xf32, #tpu.memory_space<vmem>>)
      %dma_wait3A_1008 = arith.constant 1 : i32
      %dma_wait3A_1009 = arith.constant 0 : i32
      %dma_wait3A_1010 = arith.constant 0 : i32
      %dma_wait3A_1011 = arith.constant 0 : i32
      %dma_wait3A_1012 = tpu.memref_slice %arg12[%dma_wait3A_1008, %dma_wait3A_1009, %dma_wait3A_1010, %dma_wait3A_1011] : memref<2x4x32x128xf32, #tpu.memory_space<vmem>> -> memref<1x1x32x128xf32, #tpu.memory_space<vmem>>
      %dma_wait3A_1013 = tpu.memref_squeeze %dma_wait3A_1012 : memref<1x1x32x128xf32, #tpu.memory_space<vmem>> -> memref<32x128xf32, #tpu.memory_space<vmem>>
      %dma_wait3A_1014 = arith.constant 0 : i32
      %dma_wait3A_1015 = arith.constant 0 : i32
      %dma_wait3A_1016 = tpu.memref_slice %arg3[%dma_wait3A_1014, %dma_wait3A_1015] : memref<32x1000000xf32, #tpu.memory_space<hbm>> -> memref<32x128xf32, #tpu.memory_space<hbm>>
      %dma_wait3A_1017 = arith.constant 0 : i32
      %dma_wait3A_1018 = arith.constant 0 : i32
      %dma_wait3A_1019 = tpu.memref_slice %arg12[%dma_wait3A_1008, %dma_wait3A_1009, %dma_wait3A_1017, %dma_wait3A_1018] : memref<2x4x32x128xf32, #tpu.memory_space<vmem>> -> memref<1x1x32x128xf32, #tpu.memory_space<vmem>>
      %dma_wait3A_1020 = tpu.memref_squeeze %dma_wait3A_1019 : memref<1x1x32x128xf32, #tpu.memory_space<vmem>> -> memref<32x128xf32, #tpu.memory_space<vmem>>
      %dma_wait3A_1021 = arith.constant 0 : i32
      %dma_wait3A_1022 = arith.constant 0 : i32
      %dma_wait3A_1023 = tpu.memref_slice %arg3[%dma_wait3A_1021, %dma_wait3A_1022] : memref<32x1000000xf32, #tpu.memory_space<hbm>> -> memref<32x128xf32, #tpu.memory_space<hbm>>
      tpu.wait_dma2 semaphore(%arg17 : memref<!tpu.dma_semaphore, #tpu.memory_space<semaphore_mem>>) src(%dma_wait3A_1023 : memref<32x128xf32, #tpu.memory_space<hbm>>) dst(%dma_wait3A_1020 : memref<32x128xf32, #tpu.memory_space<vmem>>)
      %dma_wait3A_1024 = arith.constant 1 : i32
      %dma_wait3A_1025 = arith.constant 1 : i32
      %dma_wait3A_1026 = arith.constant 0 : i32
      %dma_wait3A_1027 = arith.constant 0 : i32
      %dma_wait3A_1028 = tpu.memref_slice %arg12[%dma_wait3A_1024, %dma_wait3A_1025, %dma_wait3A_1026, %dma_wait3A_1027] : memref<2x4x32x128xf32, #tpu.memory_space<vmem>> -> memref<1x1x32x128xf32, #tpu.memory_space<vmem>>
      %dma_wait3A_1029 = tpu.memref_squeeze %dma_wait3A_1028 : memref<1x1x32x128xf32, #tpu.memory_space<vmem>> -> memref<32x128xf32, #tpu.memory_space<vmem>>
      %dma_wait3A_1030 = arith.constant 0 : i32
      %dma_wait3A_1031 = arith.constant 0 : i32
      %dma_wait3A_1032 = tpu.memref_slice %arg3[%dma_wait3A_1030, %dma_wait3A_1031] : memref<32x1000000xf32, #tpu.memory_space<hbm>> -> memref<32x128xf32, #tpu.memory_space<hbm>>
      %dma_wait3A_1033 = arith.constant 0 : i32
      %dma_wait3A_1034 = arith.constant 0 : i32
      %dma_wait3A_1035 = tpu.memref_slice %arg12[%dma_wait3A_1024, %dma_wait3A_1025, %dma_wait3A_1033, %dma_wait3A_1034] : memref<2x4x32x128xf32, #tpu.memory_space<vmem>> -> memref<1x1x32x128xf32, #tpu.memory_space<vmem>>
      %dma_wait3A_1036 = tpu.memref_squeeze %dma_wait3A_1035 : memref<1x1x32x128xf32, #tpu.memory_space<vmem>> -> memref<32x128xf32, #tpu.memory_space<vmem>>
      %dma_wait3A_1037 = arith.constant 0 : i32
      %dma_wait3A_1038 = arith.constant 0 : i32
      %dma_wait3A_1039 = tpu.memref_slice %arg3[%dma_wait3A_1037, %dma_wait3A_1038] : memref<32x1000000xf32, #tpu.memory_space<hbm>> -> memref<32x128xf32, #tpu.memory_space<hbm>>
      tpu.wait_dma2 semaphore(%arg17 : memref<!tpu.dma_semaphore, #tpu.memory_space<semaphore_mem>>) src(%dma_wait3A_1039 : memref<32x128xf32, #tpu.memory_space<hbm>>) dst(%dma_wait3A_1036 : memref<32x128xf32, #tpu.memory_space<vmem>>)
      %dma_wait3A_1040 = arith.constant 1 : i32
      %dma_wait3A_1041 = arith.constant 2 : i32
      %dma_wait3A_1042 = arith.constant 0 : i32
      %dma_wait3A_1043 = arith.constant 0 : i32
      %dma_wait3A_1044 = tpu.memref_slice %arg12[%dma_wait3A_1040, %dma_wait3A_1041, %dma_wait3A_1042, %dma_wait3A_1043] : memref<2x4x32x128xf32, #tpu.memory_space<vmem>> -> memref<1x1x32x128xf32, #tpu.memory_space<vmem>>
      %dma_wait3A_1045 = tpu.memref_squeeze %dma_wait3A_1044 : memref<1x1x32x128xf32, #tpu.memory_space<vmem>> -> memref<32x128xf32, #tpu.memory_space<vmem>>
      %dma_wait3A_1046 = arith.constant 0 : i32
      %dma_wait3A_1047 = arith.constant 0 : i32
      %dma_wait3A_1048 = tpu.memref_slice %arg3[%dma_wait3A_1046, %dma_wait3A_1047] : memref<32x1000000xf32, #tpu.memory_space<hbm>> -> memref<32x128xf32, #tpu.memory_space<hbm>>
      %dma_wait3A_1049 = arith.constant 0 : i32
      %dma_wait3A_1050 = arith.constant 0 : i32
      %dma_wait3A_1051 = tpu.memref_slice %arg12[%dma_wait3A_1040, %dma_wait3A_1041, %dma_wait3A_1049, %dma_wait3A_1050] : memref<2x4x32x128xf32, #tpu.memory_space<vmem>> -> memref<1x1x32x128xf32, #tpu.memory_space<vmem>>
      %dma_wait3A_1052 = tpu.memref_squeeze %dma_wait3A_1051 : memref<1x1x32x128xf32, #tpu.memory_space<vmem>> -> memref<32x128xf32, #tpu.memory_space<vmem>>
      %dma_wait3A_1053 = arith.constant 0 : i32
      %dma_wait3A_1054 = arith.constant 0 : i32
      %dma_wait3A_1055 = tpu.memref_slice %arg3[%dma_wait3A_1053, %dma_wait3A_1054] : memref<32x1000000xf32, #tpu.memory_space<hbm>> -> memref<32x128xf32, #tpu.memory_space<hbm>>
      tpu.wait_dma2 semaphore(%arg17 : memref<!tpu.dma_semaphore, #tpu.memory_space<semaphore_mem>>) src(%dma_wait3A_1055 : memref<32x128xf32, #tpu.memory_space<hbm>>) dst(%dma_wait3A_1052 : memref<32x128xf32, #tpu.memory_space<vmem>>)
      %dma_wait3A_1056 = arith.constant 1 : i32
      %dma_wait3A_1057 = arith.constant 3 : i32
      %dma_wait3A_1058 = arith.constant 0 : i32
      %dma_wait3A_1059 = arith.constant 0 : i32
      %dma_wait3A_1060 = tpu.memref_slice %arg12[%dma_wait3A_1056, %dma_wait3A_1057, %dma_wait3A_1058, %dma_wait3A_1059] : memref<2x4x32x128xf32, #tpu.memory_space<vmem>> -> memref<1x1x32x128xf32, #tpu.memory_space<vmem>>
      %dma_wait3A_1061 = tpu.memref_squeeze %dma_wait3A_1060 : memref<1x1x32x128xf32, #tpu.memory_space<vmem>> -> memref<32x128xf32, #tpu.memory_space<vmem>>
      %dma_wait3A_1062 = arith.constant 0 : i32
      %dma_wait3A_1063 = arith.constant 0 : i32
      %dma_wait3A_1064 = tpu.memref_slice %arg3[%dma_wait3A_1062, %dma_wait3A_1063] : memref<32x1000000xf32, #tpu.memory_space<hbm>> -> memref<32x128xf32, #tpu.memory_space<hbm>>
      %dma_wait3A_1065 = arith.constant 0 : i32
      %dma_wait3A_1066 = arith.constant 0 : i32
      %dma_wait3A_1067 = tpu.memref_slice %arg12[%dma_wait3A_1056, %dma_wait3A_1057, %dma_wait3A_1065, %dma_wait3A_1066] : memref<2x4x32x128xf32, #tpu.memory_space<vmem>> -> memref<1x1x32x128xf32, #tpu.memory_space<vmem>>
      %dma_wait3A_1068 = tpu.memref_squeeze %dma_wait3A_1067 : memref<1x1x32x128xf32, #tpu.memory_space<vmem>> -> memref<32x128xf32, #tpu.memory_space<vmem>>
      %dma_wait3A_1069 = arith.constant 0 : i32
      %dma_wait3A_1070 = arith.constant 0 : i32
      %dma_wait3A_1071 = tpu.memref_slice %arg3[%dma_wait3A_1069, %dma_wait3A_1070] : memref<32x1000000xf32, #tpu.memory_space<hbm>> -> memref<32x128xf32, #tpu.memory_space<hbm>>
      tpu.wait_dma2 semaphore(%arg17 : memref<!tpu.dma_semaphore, #tpu.memory_space<semaphore_mem>>) src(%dma_wait3A_1071 : memref<32x128xf32, #tpu.memory_space<hbm>>) dst(%dma_wait3A_1068 : memref<32x128xf32, #tpu.memory_space<vmem>>)
      %get3A_1072 = arith.index_cast %add3A_872 : i32 to index
      %get3A_1073 = arith.constant 0 : index
      %get3A_1074 = tpu.vector_load %arg9[%get3A_1072, %get3A_1073] {strides = array<i32>} : memref<128x16xi32, #tpu.memory_space<vmem>>, vector<16xi32>,
      %slice3A_1075 = vector.extract_strided_slice %get3A_1074 {offsets = [0], sizes = [1], strides = [1]} : vector<16xi32> to vector<1xi32>
      %squeeze3A_1076 = vector.extract %slice3A_1075[0] : i32 from vector<1xi32>
      %slice3A_1077 = vector.extract_strided_slice %get3A_1074 {offsets = [4], sizes = [1], strides = [1]} : vector<16xi32> to vector<1xi32>
      %squeeze3A_1078 = vector.extract %slice3A_1077[0] : i32 from vector<1xi32>
      %slice3A_1079 = vector.extract_strided_slice %get3A_1074 {offsets = [8], sizes = [1], strides = [1]} : vector<16xi32> to vector<1xi32>
      %squeeze3A_1080 = vector.extract %slice3A_1079[0] : i32 from vector<1xi32>
      %and3A_1081 = arith.constant 127 : i32
      %and3A_1082 = arith.andi %squeeze3A_1076, %and3A_1081 : i32
      %broadcast_in_dim3A_1083 = vector.broadcast %and3A_1082 : i32 to vector<16xi32>
      %and3A_1084 = arith.constant 127 : i32
      %and3A_1085 = arith.andi %squeeze3A_1078, %and3A_1084 : i32
      %broadcast_in_dim3A_1086 = vector.broadcast %and3A_1085 : i32 to vector<16xi32>
      %and3A_1087 = arith.constant 127 : i32
      %and3A_1088 = arith.andi %squeeze3A_1080, %and3A_1087 : i32
      %broadcast_in_dim3A_1089 = vector.broadcast %and3A_1088 : i32 to vector<16xi32>
      %gather3A_1090 = arith.constant 1 : i32
      %gather3A_1091 = arith.constant 0 : i32
      %gather3A_1092 = arith.constant 0 : i32
      %gather3A_1093 = arith.constant 0 : i32
      %gather3A_1094 = tpu.memref_slice %arg10[%gather3A_1090, %gather3A_1091, %gather3A_1092, %gather3A_1093] : memref<2x4x32x128xf32, #tpu.memory_space<vmem>> -> memref<1x1x32x128xf32, #tpu.memory_space<vmem>>
      %gather3A_1095 = tpu.memref_squeeze %gather3A_1094 : memref<1x1x32x128xf32, #tpu.memory_space<vmem>> -> memref<32x128xf32, #tpu.memory_space<vmem>>
      %gather3A_1096 = tpu.vector_load_idx %gather3A_1095[%iota3A, %broadcast_in_dim3A_1083] : memref<32x128xf32, #tpu.memory_space<vmem>>[vector<16xi32>, vector<16xi32>], vector<16xf32>,
      %gather3A_1097 = arith.constant 1 : i32
      %gather3A_1098 = arith.constant 0 : i32
      %gather3A_1099 = arith.constant 0 : i32
      %gather3A_1100 = arith.constant 0 : i32
      %gather3A_1101 = tpu.memref_slice %arg10[%gather3A_1097, %gather3A_1098, %gather3A_1099, %gather3A_1100] : memref<2x4x32x128xf32, #tpu.memory_space<vmem>> -> memref<1x1x32x128xf32, #tpu.memory_space<vmem>>
      %gather3A_1102 = tpu.memref_squeeze %gather3A_1101 : memref<1x1x32x128xf32, #tpu.memory_space<vmem>> -> memref<32x128xf32, #tpu.memory_space<vmem>>
      %gather3A_1103 = tpu.vector_load_idx %gather3A_1102[%add3A_10, %broadcast_in_dim3A_1083] : memref<32x128xf32, #tpu.memory_space<vmem>>[vector<16xi32>, vector<16xi32>], vector<16xf32>,
      %gather3A_1104 = arith.constant 1 : i32
      %gather3A_1105 = arith.constant 0 : i32
      %gather3A_1106 = arith.constant 0 : i32
      %gather3A_1107 = arith.constant 0 : i32
      %gather3A_1108 = tpu.memref_slice %arg11[%gather3A_1104, %gather3A_1105, %gather3A_1106, %gather3A_1107] : memref<2x4x32x128xf32, #tpu.memory_space<vmem>> -> memref<1x1x32x128xf32, #tpu.memory_space<vmem>>
      %gather3A_1109 = tpu.memref_squeeze %gather3A_1108 : memref<1x1x32x128xf32, #tpu.memory_space<vmem>> -> memref<32x128xf32, #tpu.memory_space<vmem>>
      %gather3A_1110 = tpu.vector_load_idx %gather3A_1109[%iota3A, %broadcast_in_dim3A_1086] : memref<32x128xf32, #tpu.memory_space<vmem>>[vector<16xi32>, vector<16xi32>], vector<16xf32>,
      %gather3A_1111 = arith.constant 1 : i32
      %gather3A_1112 = arith.constant 0 : i32
      %gather3A_1113 = arith.constant 0 : i32
      %gather3A_1114 = arith.constant 0 : i32
      %gather3A_1115 = tpu.memref_slice %arg11[%gather3A_1111, %gather3A_1112, %gather3A_1113, %gather3A_1114] : memref<2x4x32x128xf32, #tpu.memory_space<vmem>> -> memref<1x1x32x128xf32, #tpu.memory_space<vmem>>
      %gather3A_1116 = tpu.memref_squeeze %gather3A_1115 : memref<1x1x32x128xf32, #tpu.memory_space<vmem>> -> memref<32x128xf32, #tpu.memory_space<vmem>>
      %gather3A_1117 = tpu.vector_load_idx %gather3A_1116[%add3A_10, %broadcast_in_dim3A_1086] : memref<32x128xf32, #tpu.memory_space<vmem>>[vector<16xi32>, vector<16xi32>], vector<16xf32>,
      %gather3A_1118 = arith.constant 1 : i32
      %gather3A_1119 = arith.constant 0 : i32
      %gather3A_1120 = arith.constant 0 : i32
      %gather3A_1121 = arith.constant 0 : i32
      %gather3A_1122 = tpu.memref_slice %arg12[%gather3A_1118, %gather3A_1119, %gather3A_1120, %gather3A_1121] : memref<2x4x32x128xf32, #tpu.memory_space<vmem>> -> memref<1x1x32x128xf32, #tpu.memory_space<vmem>>
      %gather3A_1123 = tpu.memref_squeeze %gather3A_1122 : memref<1x1x32x128xf32, #tpu.memory_space<vmem>> -> memref<32x128xf32, #tpu.memory_space<vmem>>
      %gather3A_1124 = tpu.vector_load_idx %gather3A_1123[%iota3A, %broadcast_in_dim3A_1089] : memref<32x128xf32, #tpu.memory_space<vmem>>[vector<16xi32>, vector<16xi32>], vector<16xf32>,
      %gather3A_1125 = arith.constant 1 : i32
      %gather3A_1126 = arith.constant 0 : i32
      %gather3A_1127 = arith.constant 0 : i32
      %gather3A_1128 = arith.constant 0 : i32
      %gather3A_1129 = tpu.memref_slice %arg12[%gather3A_1125, %gather3A_1126, %gather3A_1127, %gather3A_1128] : memref<2x4x32x128xf32, #tpu.memory_space<vmem>> -> memref<1x1x32x128xf32, #tpu.memory_space<vmem>>
      %gather3A_1130 = tpu.memref_squeeze %gather3A_1129 : memref<1x1x32x128xf32, #tpu.memory_space<vmem>> -> memref<32x128xf32, #tpu.memory_space<vmem>>
      %gather3A_1131 = tpu.vector_load_idx %gather3A_1130[%add3A_10, %broadcast_in_dim3A_1089] : memref<32x128xf32, #tpu.memory_space<vmem>>[vector<16xi32>, vector<16xi32>], vector<16xf32>,
      %mul3A_1132 = arith.mulf %gather3A_1096, %get3A_3 : vector<16xf32>
      %mul3A_1133 = arith.mulf %gather3A_1103, %get3A_5 : vector<16xf32>
      %mul3A_1134 = arith.mulf %mul3A_1132, %gather3A_1110 : vector<16xf32>
      %mul3A_1135 = arith.mulf %mul3A_1133, %gather3A_1117 : vector<16xf32>
      %add3A_1136 = arith.addf %mul3A_1134, %mul3A_1135 : vector<16xf32>
      %reduce_sum3A_1137 = arith.constant true
      %reduce_sum3A_1138 = vector.broadcast %reduce_sum3A_1137 : i1 to vector<16xi1>
      %reduce_sum3A_1139 = tpu.scan <sum>, %add3A_1136 masked %reduce_sum3A_1138 : vector<16xf32>, vector<16xi1> -> vector<16xf32>
      %reduce_sum3A_1140 = vector.extract %reduce_sum3A_1139[15] : f32 from vector<16xf32>
      %add3A_1141 = arith.addf %reduce_sum3A_1140, %squeeze3A : f32
      %mul3A_1142 = arith.mulf %mul3A_1132, %gather3A_1124 : vector<16xf32>
      %mul3A_1143 = arith.mulf %mul3A_1133, %gather3A_1131 : vector<16xf32>
      %add3A_1144 = arith.addf %mul3A_1142, %mul3A_1143 : vector<16xf32>
      %reduce_sum3A_1145 = arith.constant true
      %reduce_sum3A_1146 = vector.broadcast %reduce_sum3A_1145 : i1 to vector<16xi1>
      %reduce_sum3A_1147 = tpu.scan <sum>, %add3A_1144 masked %reduce_sum3A_1146 : vector<16xf32>, vector<16xi1> -> vector<16xf32>
      %reduce_sum3A_1148 = vector.extract %reduce_sum3A_1147[15] : f32 from vector<16xf32>
      %add3A_1149 = arith.addf %reduce_sum3A_1148, %squeeze3A : f32
      %jit3A_1150 = arith.constant 4 : i32
      %eq3A_1151 = arith.constant 0 : i32
      %eq3A_1152 = arith.cmpi eq, %jit3A_1150, %eq3A_1151 : i32
      %jit3A_1153 = arith.constant 1 : i32
      %select_n3A_1154 = arith.select %eq3A_1152, %jit3A_1153, %jit3A_1150 : i32
      %rem3A_1155 = arith.remsi %add3A_872, %select_n3A_1154 : i32
      %ne3A_1156 = arith.constant 0 : i32
      %ne3A_1157 = arith.cmpi ne, %rem3A_1155, %ne3A_1156 : i32
      %lt3A_1158 = arith.constant 0 : i32
      %lt3A_1159 = arith.cmpi slt, %rem3A_1155, %lt3A_1158 : i32
      %lt3A_1160 = arith.constant 0 : i32
      %lt3A_1161 = arith.cmpi slt, %select_n3A_1154, %lt3A_1160 : i32
      %ne3A_1162 = arith.xori %lt3A_1159, %lt3A_1161 : i1
      %and3A_1163 = arith.andi %ne3A_1162, %ne3A_1157 : i1
      %add3A_1164 = arith.addi %rem3A_1155, %select_n3A_1154 : i32
      %select_n3A_1165 = arith.select %and3A_1163, %add3A_1164, %rem3A_1155 : i32
      %mul3A_1166 = arith.constant 4 : i32
      %mul3A_1167 = arith.muli %select_n3A_1165, %mul3A_1166 : i32
      %add3A_1168 = arith.constant 0 : i32
      %add3A_1169 = arith.addi %mul3A_1167, %add3A_1168 : i32
      %eq3A_1170 = vector.broadcast %add3A_1169 : i32 to vector<16xi32>
      %eq3A_1171 = arith.cmpi eq, %iota3A, %eq3A_1170 : vector<16xi32>
      %broadcast_in_dim3A_1172 = vector.broadcast %add3A_1141 : f32 to vector<16xf32>
      %select_n3A_1173 = arith.select %eq3A_1171, %broadcast_in_dim3A_1172, %select_n3A_845 : vector<16xi1>, vector<16xf32>
      %broadcast_in_dim3A_1174 = vector.broadcast %add3A_1149 : f32 to vector<16xf32>
      %select_n3A_1175 = arith.select %eq3A_1171, %broadcast_in_dim3A_1174, %select_n3A_847 : vector<16xi1>, vector<16xf32>
      %slice3A_1176 = vector.extract_strided_slice %get3A_1074 {offsets = [1], sizes = [1], strides = [1]} : vector<16xi32> to vector<1xi32>
      %squeeze3A_1177 = vector.extract %slice3A_1176[0] : i32 from vector<1xi32>
      %slice3A_1178 = vector.extract_strided_slice %get3A_1074 {offsets = [5], sizes = [1], strides = [1]} : vector<16xi32> to vector<1xi32>
      %squeeze3A_1179 = vector.extract %slice3A_1178[0] : i32 from vector<1xi32>
      %slice3A_1180 = vector.extract_strided_slice %get3A_1074 {offsets = [9], sizes = [1], strides = [1]} : vector<16xi32> to vector<1xi32>
      %squeeze3A_1181 = vector.extract %slice3A_1180[0] : i32 from vector<1xi32>
      %and3A_1182 = arith.constant 127 : i32
      %and3A_1183 = arith.andi %squeeze3A_1177, %and3A_1182 : i32
      %broadcast_in_dim3A_1184 = vector.broadcast %and3A_1183 : i32 to vector<16xi32>
      %and3A_1185 = arith.constant 127 : i32
      %and3A_1186 = arith.andi %squeeze3A_1179, %and3A_1185 : i32
      %broadcast_in_dim3A_1187 = vector.broadcast %and3A_1186 : i32 to vector<16xi32>
      %and3A_1188 = arith.constant 127 : i32
      %and3A_1189 = arith.andi %squeeze3A_1181, %and3A_1188 : i32
      %broadcast_in_dim3A_1190 = vector.broadcast %and3A_1189 : i32 to vector<16xi32>
      %gather3A_1191 = arith.constant 1 : i32
      %gather3A_1192 = arith.constant 1 : i32
      %gather3A_1193 = arith.constant 0 : i32
      %gather3A_1194 = arith.constant 0 : i32
      %gather3A_1195 = tpu.memref_slice %arg10[%gather3A_1191, %gather3A_1192, %gather3A_1193, %gather3A_1194] : memref<2x4x32x128xf32, #tpu.memory_space<vmem>> -> memref<1x1x32x128xf32, #tpu.memory_space<vmem>>
      %gather3A_1196 = tpu.memref_squeeze %gather3A_1195 : memref<1x1x32x128xf32, #tpu.memory_space<vmem>> -> memref<32x128xf32, #tpu.memory_space<vmem>>
      %gather3A_1197 = tpu.vector_load_idx %gather3A_1196[%iota3A, %broadcast_in_dim3A_1184] : memref<32x128xf32, #tpu.memory_space<vmem>>[vector<16xi32>, vector<16xi32>], vector<16xf32>,
      %gather3A_1198 = arith.constant 1 : i32
      %gather3A_1199 = arith.constant 1 : i32
      %gather3A_1200 = arith.constant 0 : i32
      %gather3A_1201 = arith.constant 0 : i32
      %gather3A_1202 = tpu.memref_slice %arg10[%gather3A_1198, %gather3A_1199, %gather3A_1200, %gather3A_1201] : memref<2x4x32x128xf32, #tpu.memory_space<vmem>> -> memref<1x1x32x128xf32, #tpu.memory_space<vmem>>
      %gather3A_1203 = tpu.memref_squeeze %gather3A_1202 : memref<1x1x32x128xf32, #tpu.memory_space<vmem>> -> memref<32x128xf32, #tpu.memory_space<vmem>>
      %gather3A_1204 = tpu.vector_load_idx %gather3A_1203[%add3A_10, %broadcast_in_dim3A_1184] : memref<32x128xf32, #tpu.memory_space<vmem>>[vector<16xi32>, vector<16xi32>], vector<16xf32>,
      %gather3A_1205 = arith.constant 1 : i32
      %gather3A_1206 = arith.constant 1 : i32
      %gather3A_1207 = arith.constant 0 : i32
      %gather3A_1208 = arith.constant 0 : i32
      %gather3A_1209 = tpu.memref_slice %arg11[%gather3A_1205, %gather3A_1206, %gather3A_1207, %gather3A_1208] : memref<2x4x32x128xf32, #tpu.memory_space<vmem>> -> memref<1x1x32x128xf32, #tpu.memory_space<vmem>>
      %gather3A_1210 = tpu.memref_squeeze %gather3A_1209 : memref<1x1x32x128xf32, #tpu.memory_space<vmem>> -> memref<32x128xf32, #tpu.memory_space<vmem>>
      %gather3A_1211 = tpu.vector_load_idx %gather3A_1210[%iota3A, %broadcast_in_dim3A_1187] : memref<32x128xf32, #tpu.memory_space<vmem>>[vector<16xi32>, vector<16xi32>], vector<16xf32>,
      %gather3A_1212 = arith.constant 1 : i32
      %gather3A_1213 = arith.constant 1 : i32
      %gather3A_1214 = arith.constant 0 : i32
      %gather3A_1215 = arith.constant 0 : i32
      %gather3A_1216 = tpu.memref_slice %arg11[%gather3A_1212, %gather3A_1213, %gather3A_1214, %gather3A_1215] : memref<2x4x32x128xf32, #tpu.memory_space<vmem>> -> memref<1x1x32x128xf32, #tpu.memory_space<vmem>>
      %gather3A_1217 = tpu.memref_squeeze %gather3A_1216 : memref<1x1x32x128xf32, #tpu.memory_space<vmem>> -> memref<32x128xf32, #tpu.memory_space<vmem>>
      %gather3A_1218 = tpu.vector_load_idx %gather3A_1217[%add3A_10, %broadcast_in_dim3A_1187] : memref<32x128xf32, #tpu.memory_space<vmem>>[vector<16xi32>, vector<16xi32>], vector<16xf32>,
      %gather3A_1219 = arith.constant 1 : i32
      %gather3A_1220 = arith.constant 1 : i32
      %gather3A_1221 = arith.constant 0 : i32
      %gather3A_1222 = arith.constant 0 : i32
      %gather3A_1223 = tpu.memref_slice %arg12[%gather3A_1219, %gather3A_1220, %gather3A_1221, %gather3A_1222] : memref<2x4x32x128xf32, #tpu.memory_space<vmem>> -> memref<1x1x32x128xf32, #tpu.memory_space<vmem>>
      %gather3A_1224 = tpu.memref_squeeze %gather3A_1223 : memref<1x1x32x128xf32, #tpu.memory_space<vmem>> -> memref<32x128xf32, #tpu.memory_space<vmem>>
      %gather3A_1225 = tpu.vector_load_idx %gather3A_1224[%iota3A, %broadcast_in_dim3A_1190] : memref<32x128xf32, #tpu.memory_space<vmem>>[vector<16xi32>, vector<16xi32>], vector<16xf32>,
      %gather3A_1226 = arith.constant 1 : i32
      %gather3A_1227 = arith.constant 1 : i32
      %gather3A_1228 = arith.constant 0 : i32
      %gather3A_1229 = arith.constant 0 : i32
      %gather3A_1230 = tpu.memref_slice %arg12[%gather3A_1226, %gather3A_1227, %gather3A_1228, %gather3A_1229] : memref<2x4x32x128xf32, #tpu.memory_space<vmem>> -> memref<1x1x32x128xf32, #tpu.memory_space<vmem>>
      %gather3A_1231 = tpu.memref_squeeze %gather3A_1230 : memref<1x1x32x128xf32, #tpu.memory_space<vmem>> -> memref<32x128xf32, #tpu.memory_space<vmem>>
      %gather3A_1232 = tpu.vector_load_idx %gather3A_1231[%add3A_10, %broadcast_in_dim3A_1190] : memref<32x128xf32, #tpu.memory_space<vmem>>[vector<16xi32>, vector<16xi32>], vector<16xf32>,
      %mul3A_1233 = arith.mulf %gather3A_1197, %get3A_3 : vector<16xf32>
      %mul3A_1234 = arith.mulf %gather3A_1204, %get3A_5 : vector<16xf32>
      %mul3A_1235 = arith.mulf %mul3A_1233, %gather3A_1211 : vector<16xf32>
      %mul3A_1236 = arith.mulf %mul3A_1234, %gather3A_1218 : vector<16xf32>
      %add3A_1237 = arith.addf %mul3A_1235, %mul3A_1236 : vector<16xf32>
      %reduce_sum3A_1238 = arith.constant true
      %reduce_sum3A_1239 = vector.broadcast %reduce_sum3A_1238 : i1 to vector<16xi1>
      %reduce_sum3A_1240 = tpu.scan <sum>, %add3A_1237 masked %reduce_sum3A_1239 : vector<16xf32>, vector<16xi1> -> vector<16xf32>
      %reduce_sum3A_1241 = vector.extract %reduce_sum3A_1240[15] : f32 from vector<16xf32>
      %add3A_1242 = arith.addf %reduce_sum3A_1241, %squeeze3A : f32
      %mul3A_1243 = arith.mulf %mul3A_1233, %gather3A_1225 : vector<16xf32>
      %mul3A_1244 = arith.mulf %mul3A_1234, %gather3A_1232 : vector<16xf32>
      %add3A_1245 = arith.addf %mul3A_1243, %mul3A_1244 : vector<16xf32>
      %reduce_sum3A_1246 = arith.constant true
      %reduce_sum3A_1247 = vector.broadcast %reduce_sum3A_1246 : i1 to vector<16xi1>
      %reduce_sum3A_1248 = tpu.scan <sum>, %add3A_1245 masked %reduce_sum3A_1247 : vector<16xf32>, vector<16xi1> -> vector<16xf32>
      %reduce_sum3A_1249 = vector.extract %reduce_sum3A_1248[15] : f32 from vector<16xf32>
      %add3A_1250 = arith.addf %reduce_sum3A_1249, %squeeze3A : f32
      %jit3A_1251 = arith.constant 4 : i32
      %eq3A_1252 = arith.constant 0 : i32
      %eq3A_1253 = arith.cmpi eq, %jit3A_1251, %eq3A_1252 : i32
      %jit3A_1254 = arith.constant 1 : i32
      %select_n3A_1255 = arith.select %eq3A_1253, %jit3A_1254, %jit3A_1251 : i32
      %rem3A_1256 = arith.remsi %add3A_872, %select_n3A_1255 : i32
      %ne3A_1257 = arith.constant 0 : i32
      %ne3A_1258 = arith.cmpi ne, %rem3A_1256, %ne3A_1257 : i32
      %lt3A_1259 = arith.constant 0 : i32
      %lt3A_1260 = arith.cmpi slt, %rem3A_1256, %lt3A_1259 : i32
      %lt3A_1261 = arith.constant 0 : i32
      %lt3A_1262 = arith.cmpi slt, %select_n3A_1255, %lt3A_1261 : i32
      %ne3A_1263 = arith.xori %lt3A_1260, %lt3A_1262 : i1
      %and3A_1264 = arith.andi %ne3A_1263, %ne3A_1258 : i1
      %add3A_1265 = arith.addi %rem3A_1256, %select_n3A_1255 : i32
      %select_n3A_1266 = arith.select %and3A_1264, %add3A_1265, %rem3A_1256 : i32
      %mul3A_1267 = arith.constant 4 : i32
      %mul3A_1268 = arith.muli %select_n3A_1266, %mul3A_1267 : i32
      %add3A_1269 = arith.constant 1 : i32
      %add3A_1270 = arith.addi %mul3A_1268, %add3A_1269 : i32
      %eq3A_1271 = vector.broadcast %add3A_1270 : i32 to vector<16xi32>
      %eq3A_1272 = arith.cmpi eq, %iota3A, %eq3A_1271 : vector<16xi32>
      %broadcast_in_dim3A_1273 = vector.broadcast %add3A_1242 : f32 to vector<16xf32>
      %select_n3A_1274 = arith.select %eq3A_1272, %broadcast_in_dim3A_1273, %select_n3A_1173 : vector<16xi1>, vector<16xf32>
      %broadcast_in_dim3A_1275 = vector.broadcast %add3A_1250 : f32 to vector<16xf32>
      %select_n3A_1276 = arith.select %eq3A_1272, %broadcast_in_dim3A_1275, %select_n3A_1175 : vector<16xi1>, vector<16xf32>
      %slice3A_1277 = vector.extract_strided_slice %get3A_1074 {offsets = [2], sizes = [1], strides = [1]} : vector<16xi32> to vector<1xi32>
      %squeeze3A_1278 = vector.extract %slice3A_1277[0] : i32 from vector<1xi32>
      %slice3A_1279 = vector.extract_strided_slice %get3A_1074 {offsets = [6], sizes = [1], strides = [1]} : vector<16xi32> to vector<1xi32>
      %squeeze3A_1280 = vector.extract %slice3A_1279[0] : i32 from vector<1xi32>
      %slice3A_1281 = vector.extract_strided_slice %get3A_1074 {offsets = [10], sizes = [1], strides = [1]} : vector<16xi32> to vector<1xi32>
      %squeeze3A_1282 = vector.extract %slice3A_1281[0] : i32 from vector<1xi32>
      %and3A_1283 = arith.constant 127 : i32
      %and3A_1284 = arith.andi %squeeze3A_1278, %and3A_1283 : i32
      %broadcast_in_dim3A_1285 = vector.broadcast %and3A_1284 : i32 to vector<16xi32>
      %and3A_1286 = arith.constant 127 : i32
      %and3A_1287 = arith.andi %squeeze3A_1280, %and3A_1286 : i32
      %broadcast_in_dim3A_1288 = vector.broadcast %and3A_1287 : i32 to vector<16xi32>
      %and3A_1289 = arith.constant 127 : i32
      %and3A_1290 = arith.andi %squeeze3A_1282, %and3A_1289 : i32
      %broadcast_in_dim3A_1291 = vector.broadcast %and3A_1290 : i32 to vector<16xi32>
      %gather3A_1292 = arith.constant 1 : i32
      %gather3A_1293 = arith.constant 2 : i32
      %gather3A_1294 = arith.constant 0 : i32
      %gather3A_1295 = arith.constant 0 : i32
      %gather3A_1296 = tpu.memref_slice %arg10[%gather3A_1292, %gather3A_1293, %gather3A_1294, %gather3A_1295] : memref<2x4x32x128xf32, #tpu.memory_space<vmem>> -> memref<1x1x32x128xf32, #tpu.memory_space<vmem>>
      %gather3A_1297 = tpu.memref_squeeze %gather3A_1296 : memref<1x1x32x128xf32, #tpu.memory_space<vmem>> -> memref<32x128xf32, #tpu.memory_space<vmem>>
      %gather3A_1298 = tpu.vector_load_idx %gather3A_1297[%iota3A, %broadcast_in_dim3A_1285] : memref<32x128xf32, #tpu.memory_space<vmem>>[vector<16xi32>, vector<16xi32>], vector<16xf32>,
      %gather3A_1299 = arith.constant 1 : i32
      %gather3A_1300 = arith.constant 2 : i32
      %gather3A_1301 = arith.constant 0 : i32
      %gather3A_1302 = arith.constant 0 : i32
      %gather3A_1303 = tpu.memref_slice %arg10[%gather3A_1299, %gather3A_1300, %gather3A_1301, %gather3A_1302] : memref<2x4x32x128xf32, #tpu.memory_space<vmem>> -> memref<1x1x32x128xf32, #tpu.memory_space<vmem>>
      %gather3A_1304 = tpu.memref_squeeze %gather3A_1303 : memref<1x1x32x128xf32, #tpu.memory_space<vmem>> -> memref<32x128xf32, #tpu.memory_space<vmem>>
      %gather3A_1305 = tpu.vector_load_idx %gather3A_1304[%add3A_10, %broadcast_in_dim3A_1285] : memref<32x128xf32, #tpu.memory_space<vmem>>[vector<16xi32>, vector<16xi32>], vector<16xf32>,
      %gather3A_1306 = arith.constant 1 : i32
      %gather3A_1307 = arith.constant 2 : i32
      %gather3A_1308 = arith.constant 0 : i32
      %gather3A_1309 = arith.constant 0 : i32
      %gather3A_1310 = tpu.memref_slice %arg11[%gather3A_1306, %gather3A_1307, %gather3A_1308, %gather3A_1309] : memref<2x4x32x128xf32, #tpu.memory_space<vmem>> -> memref<1x1x32x128xf32, #tpu.memory_space<vmem>>
      %gather3A_1311 = tpu.memref_squeeze %gather3A_1310 : memref<1x1x32x128xf32, #tpu.memory_space<vmem>> -> memref<32x128xf32, #tpu.memory_space<vmem>>
      %gather3A_1312 = tpu.vector_load_idx %gather3A_1311[%iota3A, %broadcast_in_dim3A_1288] : memref<32x128xf32, #tpu.memory_space<vmem>>[vector<16xi32>, vector<16xi32>], vector<16xf32>,
      %gather3A_1313 = arith.constant 1 : i32
      %gather3A_1314 = arith.constant 2 : i32
      %gather3A_1315 = arith.constant 0 : i32
      %gather3A_1316 = arith.constant 0 : i32
      %gather3A_1317 = tpu.memref_slice %arg11[%gather3A_1313, %gather3A_1314, %gather3A_1315, %gather3A_1316] : memref<2x4x32x128xf32, #tpu.memory_space<vmem>> -> memref<1x1x32x128xf32, #tpu.memory_space<vmem>>
      %gather3A_1318 = tpu.memref_squeeze %gather3A_1317 : memref<1x1x32x128xf32, #tpu.memory_space<vmem>> -> memref<32x128xf32, #tpu.memory_space<vmem>>
      %gather3A_1319 = tpu.vector_load_idx %gather3A_1318[%add3A_10, %broadcast_in_dim3A_1288] : memref<32x128xf32, #tpu.memory_space<vmem>>[vector<16xi32>, vector<16xi32>], vector<16xf32>,
      %gather3A_1320 = arith.constant 1 : i32
      %gather3A_1321 = arith.constant 2 : i32
      %gather3A_1322 = arith.constant 0 : i32
      %gather3A_1323 = arith.constant 0 : i32
      %gather3A_1324 = tpu.memref_slice %arg12[%gather3A_1320, %gather3A_1321, %gather3A_1322, %gather3A_1323] : memref<2x4x32x128xf32, #tpu.memory_space<vmem>> -> memref<1x1x32x128xf32, #tpu.memory_space<vmem>>
      %gather3A_1325 = tpu.memref_squeeze %gather3A_1324 : memref<1x1x32x128xf32, #tpu.memory_space<vmem>> -> memref<32x128xf32, #tpu.memory_space<vmem>>
      %gather3A_1326 = tpu.vector_load_idx %gather3A_1325[%iota3A, %broadcast_in_dim3A_1291] : memref<32x128xf32, #tpu.memory_space<vmem>>[vector<16xi32>, vector<16xi32>], vector<16xf32>,
      %gather3A_1327 = arith.constant 1 : i32
      %gather3A_1328 = arith.constant 2 : i32
      %gather3A_1329 = arith.constant 0 : i32
      %gather3A_1330 = arith.constant 0 : i32
      %gather3A_1331 = tpu.memref_slice %arg12[%gather3A_1327, %gather3A_1328, %gather3A_1329, %gather3A_1330] : memref<2x4x32x128xf32, #tpu.memory_space<vmem>> -> memref<1x1x32x128xf32, #tpu.memory_space<vmem>>
      %gather3A_1332 = tpu.memref_squeeze %gather3A_1331 : memref<1x1x32x128xf32, #tpu.memory_space<vmem>> -> memref<32x128xf32, #tpu.memory_space<vmem>>
      %gather3A_1333 = tpu.vector_load_idx %gather3A_1332[%add3A_10, %broadcast_in_dim3A_1291] : memref<32x128xf32, #tpu.memory_space<vmem>>[vector<16xi32>, vector<16xi32>], vector<16xf32>,
      %mul3A_1334 = arith.mulf %gather3A_1298, %get3A_3 : vector<16xf32>
      %mul3A_1335 = arith.mulf %gather3A_1305, %get3A_5 : vector<16xf32>
      %mul3A_1336 = arith.mulf %mul3A_1334, %gather3A_1312 : vector<16xf32>
      %mul3A_1337 = arith.mulf %mul3A_1335, %gather3A_1319 : vector<16xf32>
      %add3A_1338 = arith.addf %mul3A_1336, %mul3A_1337 : vector<16xf32>
      %reduce_sum3A_1339 = arith.constant true
      %reduce_sum3A_1340 = vector.broadcast %reduce_sum3A_1339 : i1 to vector<16xi1>
      %reduce_sum3A_1341 = tpu.scan <sum>, %add3A_1338 masked %reduce_sum3A_1340 : vector<16xf32>, vector<16xi1> -> vector<16xf32>
      %reduce_sum3A_1342 = vector.extract %reduce_sum3A_1341[15] : f32 from vector<16xf32>
      %add3A_1343 = arith.addf %reduce_sum3A_1342, %squeeze3A : f32
      %mul3A_1344 = arith.mulf %mul3A_1334, %gather3A_1326 : vector<16xf32>
      %mul3A_1345 = arith.mulf %mul3A_1335, %gather3A_1333 : vector<16xf32>
      %add3A_1346 = arith.addf %mul3A_1344, %mul3A_1345 : vector<16xf32>
      %reduce_sum3A_1347 = arith.constant true
      %reduce_sum3A_1348 = vector.broadcast %reduce_sum3A_1347 : i1 to vector<16xi1>
      %reduce_sum3A_1349 = tpu.scan <sum>, %add3A_1346 masked %reduce_sum3A_1348 : vector<16xf32>, vector<16xi1> -> vector<16xf32>
      %reduce_sum3A_1350 = vector.extract %reduce_sum3A_1349[15] : f32 from vector<16xf32>
      %add3A_1351 = arith.addf %reduce_sum3A_1350, %squeeze3A : f32
      %jit3A_1352 = arith.constant 4 : i32
      %eq3A_1353 = arith.constant 0 : i32
      %eq3A_1354 = arith.cmpi eq, %jit3A_1352, %eq3A_1353 : i32
      %jit3A_1355 = arith.constant 1 : i32
      %select_n3A_1356 = arith.select %eq3A_1354, %jit3A_1355, %jit3A_1352 : i32
      %rem3A_1357 = arith.remsi %add3A_872, %select_n3A_1356 : i32
      %ne3A_1358 = arith.constant 0 : i32
      %ne3A_1359 = arith.cmpi ne, %rem3A_1357, %ne3A_1358 : i32
      %lt3A_1360 = arith.constant 0 : i32
      %lt3A_1361 = arith.cmpi slt, %rem3A_1357, %lt3A_1360 : i32
      %lt3A_1362 = arith.constant 0 : i32
      %lt3A_1363 = arith.cmpi slt, %select_n3A_1356, %lt3A_1362 : i32
      %ne3A_1364 = arith.xori %lt3A_1361, %lt3A_1363 : i1
      %and3A_1365 = arith.andi %ne3A_1364, %ne3A_1359 : i1
      %add3A_1366 = arith.addi %rem3A_1357, %select_n3A_1356 : i32
      %select_n3A_1367 = arith.select %and3A_1365, %add3A_1366, %rem3A_1357 : i32
      %mul3A_1368 = arith.constant 4 : i32
      %mul3A_1369 = arith.muli %select_n3A_1367, %mul3A_1368 : i32
      %add3A_1370 = arith.constant 2 : i32
      %add3A_1371 = arith.addi %mul3A_1369, %add3A_1370 : i32
      %eq3A_1372 = vector.broadcast %add3A_1371 : i32 to vector<16xi32>
      %eq3A_1373 = arith.cmpi eq, %iota3A, %eq3A_1372 : vector<16xi32>
      %broadcast_in_dim3A_1374 = vector.broadcast %add3A_1343 : f32 to vector<16xf32>
      %select_n3A_1375 = arith.select %eq3A_1373, %broadcast_in_dim3A_1374, %select_n3A_1274 : vector<16xi1>, vector<16xf32>
      %broadcast_in_dim3A_1376 = vector.broadcast %add3A_1351 : f32 to vector<16xf32>
      %select_n3A_1377 = arith.select %eq3A_1373, %broadcast_in_dim3A_1376, %select_n3A_1276 : vector<16xi1>, vector<16xf32>
      %slice3A_1378 = vector.extract_strided_slice %get3A_1074 {offsets = [3], sizes = [1], strides = [1]} : vector<16xi32> to vector<1xi32>
      %squeeze3A_1379 = vector.extract %slice3A_1378[0] : i32 from vector<1xi32>
      %slice3A_1380 = vector.extract_strided_slice %get3A_1074 {offsets = [7], sizes = [1], strides = [1]} : vector<16xi32> to vector<1xi32>
      %squeeze3A_1381 = vector.extract %slice3A_1380[0] : i32 from vector<1xi32>
      %slice3A_1382 = vector.extract_strided_slice %get3A_1074 {offsets = [11], sizes = [1], strides = [1]} : vector<16xi32> to vector<1xi32>
      %squeeze3A_1383 = vector.extract %slice3A_1382[0] : i32 from vector<1xi32>
      %and3A_1384 = arith.constant 127 : i32
      %and3A_1385 = arith.andi %squeeze3A_1379, %and3A_1384 : i32
      %broadcast_in_dim3A_1386 = vector.broadcast %and3A_1385 : i32 to vector<16xi32>
      %and3A_1387 = arith.constant 127 : i32
      %and3A_1388 = arith.andi %squeeze3A_1381, %and3A_1387 : i32
      %broadcast_in_dim3A_1389 = vector.broadcast %and3A_1388 : i32 to vector<16xi32>
      %and3A_1390 = arith.constant 127 : i32
      %and3A_1391 = arith.andi %squeeze3A_1383, %and3A_1390 : i32
      %broadcast_in_dim3A_1392 = vector.broadcast %and3A_1391 : i32 to vector<16xi32>
      %gather3A_1393 = arith.constant 1 : i32
      %gather3A_1394 = arith.constant 3 : i32
      %gather3A_1395 = arith.constant 0 : i32
      %gather3A_1396 = arith.constant 0 : i32
      %gather3A_1397 = tpu.memref_slice %arg10[%gather3A_1393, %gather3A_1394, %gather3A_1395, %gather3A_1396] : memref<2x4x32x128xf32, #tpu.memory_space<vmem>> -> memref<1x1x32x128xf32, #tpu.memory_space<vmem>>
      %gather3A_1398 = tpu.memref_squeeze %gather3A_1397 : memref<1x1x32x128xf32, #tpu.memory_space<vmem>> -> memref<32x128xf32, #tpu.memory_space<vmem>>
      %gather3A_1399 = tpu.vector_load_idx %gather3A_1398[%iota3A, %broadcast_in_dim3A_1386] : memref<32x128xf32, #tpu.memory_space<vmem>>[vector<16xi32>, vector<16xi32>], vector<16xf32>,
      %gather3A_1400 = arith.constant 1 : i32
      %gather3A_1401 = arith.constant 3 : i32
      %gather3A_1402 = arith.constant 0 : i32
      %gather3A_1403 = arith.constant 0 : i32
      %gather3A_1404 = tpu.memref_slice %arg10[%gather3A_1400, %gather3A_1401, %gather3A_1402, %gather3A_1403] : memref<2x4x32x128xf32, #tpu.memory_space<vmem>> -> memref<1x1x32x128xf32, #tpu.memory_space<vmem>>
      %gather3A_1405 = tpu.memref_squeeze %gather3A_1404 : memref<1x1x32x128xf32, #tpu.memory_space<vmem>> -> memref<32x128xf32, #tpu.memory_space<vmem>>
      %gather3A_1406 = tpu.vector_load_idx %gather3A_1405[%add3A_10, %broadcast_in_dim3A_1386] : memref<32x128xf32, #tpu.memory_space<vmem>>[vector<16xi32>, vector<16xi32>], vector<16xf32>,
      %gather3A_1407 = arith.constant 1 : i32
      %gather3A_1408 = arith.constant 3 : i32
      %gather3A_1409 = arith.constant 0 : i32
      %gather3A_1410 = arith.constant 0 : i32
      %gather3A_1411 = tpu.memref_slice %arg11[%gather3A_1407, %gather3A_1408, %gather3A_1409, %gather3A_1410] : memref<2x4x32x128xf32, #tpu.memory_space<vmem>> -> memref<1x1x32x128xf32, #tpu.memory_space<vmem>>
      %gather3A_1412 = tpu.memref_squeeze %gather3A_1411 : memref<1x1x32x128xf32, #tpu.memory_space<vmem>> -> memref<32x128xf32, #tpu.memory_space<vmem>>
      %gather3A_1413 = tpu.vector_load_idx %gather3A_1412[%iota3A, %broadcast_in_dim3A_1389] : memref<32x128xf32, #tpu.memory_space<vmem>>[vector<16xi32>, vector<16xi32>], vector<16xf32>,
      %gather3A_1414 = arith.constant 1 : i32
      %gather3A_1415 = arith.constant 3 : i32
      %gather3A_1416 = arith.constant 0 : i32
      %gather3A_1417 = arith.constant 0 : i32
      %gather3A_1418 = tpu.memref_slice %arg11[%gather3A_1414, %gather3A_1415, %gather3A_1416, %gather3A_1417] : memref<2x4x32x128xf32, #tpu.memory_space<vmem>> -> memref<1x1x32x128xf32, #tpu.memory_space<vmem>>
      %gather3A_1419 = tpu.memref_squeeze %gather3A_1418 : memref<1x1x32x128xf32, #tpu.memory_space<vmem>> -> memref<32x128xf32, #tpu.memory_space<vmem>>
      %gather3A_1420 = tpu.vector_load_idx %gather3A_1419[%add3A_10, %broadcast_in_dim3A_1389] : memref<32x128xf32, #tpu.memory_space<vmem>>[vector<16xi32>, vector<16xi32>], vector<16xf32>,
      %gather3A_1421 = arith.constant 1 : i32
      %gather3A_1422 = arith.constant 3 : i32
      %gather3A_1423 = arith.constant 0 : i32
      %gather3A_1424 = arith.constant 0 : i32
      %gather3A_1425 = tpu.memref_slice %arg12[%gather3A_1421, %gather3A_1422, %gather3A_1423, %gather3A_1424] : memref<2x4x32x128xf32, #tpu.memory_space<vmem>> -> memref<1x1x32x128xf32, #tpu.memory_space<vmem>>
      %gather3A_1426 = tpu.memref_squeeze %gather3A_1425 : memref<1x1x32x128xf32, #tpu.memory_space<vmem>> -> memref<32x128xf32, #tpu.memory_space<vmem>>
      %gather3A_1427 = tpu.vector_load_idx %gather3A_1426[%iota3A, %broadcast_in_dim3A_1392] : memref<32x128xf32, #tpu.memory_space<vmem>>[vector<16xi32>, vector<16xi32>], vector<16xf32>,
      %gather3A_1428 = arith.constant 1 : i32
      %gather3A_1429 = arith.constant 3 : i32
      %gather3A_1430 = arith.constant 0 : i32
      %gather3A_1431 = arith.constant 0 : i32
      %gather3A_1432 = tpu.memref_slice %arg12[%gather3A_1428, %gather3A_1429, %gather3A_1430, %gather3A_1431] : memref<2x4x32x128xf32, #tpu.memory_space<vmem>> -> memref<1x1x32x128xf32, #tpu.memory_space<vmem>>
      %gather3A_1433 = tpu.memref_squeeze %gather3A_1432 : memref<1x1x32x128xf32, #tpu.memory_space<vmem>> -> memref<32x128xf32, #tpu.memory_space<vmem>>
      %gather3A_1434 = tpu.vector_load_idx %gather3A_1433[%add3A_10, %broadcast_in_dim3A_1392] : memref<32x128xf32, #tpu.memory_space<vmem>>[vector<16xi32>, vector<16xi32>], vector<16xf32>,
      %mul3A_1435 = arith.mulf %gather3A_1399, %get3A_3 : vector<16xf32>
      %mul3A_1436 = arith.mulf %gather3A_1406, %get3A_5 : vector<16xf32>
      %mul3A_1437 = arith.mulf %mul3A_1435, %gather3A_1413 : vector<16xf32>
      %mul3A_1438 = arith.mulf %mul3A_1436, %gather3A_1420 : vector<16xf32>
      %add3A_1439 = arith.addf %mul3A_1437, %mul3A_1438 : vector<16xf32>
      %reduce_sum3A_1440 = arith.constant true
      %reduce_sum3A_1441 = vector.broadcast %reduce_sum3A_1440 : i1 to vector<16xi1>
      %reduce_sum3A_1442 = tpu.scan <sum>, %add3A_1439 masked %reduce_sum3A_1441 : vector<16xf32>, vector<16xi1> -> vector<16xf32>
      %reduce_sum3A_1443 = vector.extract %reduce_sum3A_1442[15] : f32 from vector<16xf32>
      %add3A_1444 = arith.addf %reduce_sum3A_1443, %squeeze3A : f32
      %mul3A_1445 = arith.mulf %mul3A_1435, %gather3A_1427 : vector<16xf32>
      %mul3A_1446 = arith.mulf %mul3A_1436, %gather3A_1434 : vector<16xf32>
      %add3A_1447 = arith.addf %mul3A_1445, %mul3A_1446 : vector<16xf32>
      %reduce_sum3A_1448 = arith.constant true
      %reduce_sum3A_1449 = vector.broadcast %reduce_sum3A_1448 : i1 to vector<16xi1>
      %reduce_sum3A_1450 = tpu.scan <sum>, %add3A_1447 masked %reduce_sum3A_1449 : vector<16xf32>, vector<16xi1> -> vector<16xf32>
      %reduce_sum3A_1451 = vector.extract %reduce_sum3A_1450[15] : f32 from vector<16xf32>
      %add3A_1452 = arith.addf %reduce_sum3A_1451, %squeeze3A : f32
      %jit3A_1453 = arith.constant 4 : i32
      %eq3A_1454 = arith.constant 0 : i32
      %eq3A_1455 = arith.cmpi eq, %jit3A_1453, %eq3A_1454 : i32
      %jit3A_1456 = arith.constant 1 : i32
      %select_n3A_1457 = arith.select %eq3A_1455, %jit3A_1456, %jit3A_1453 : i32
      %rem3A_1458 = arith.remsi %add3A_872, %select_n3A_1457 : i32
      %ne3A_1459 = arith.constant 0 : i32
      %ne3A_1460 = arith.cmpi ne, %rem3A_1458, %ne3A_1459 : i32
      %lt3A_1461 = arith.constant 0 : i32
      %lt3A_1462 = arith.cmpi slt, %rem3A_1458, %lt3A_1461 : i32
      %lt3A_1463 = arith.constant 0 : i32
      %lt3A_1464 = arith.cmpi slt, %select_n3A_1457, %lt3A_1463 : i32
      %ne3A_1465 = arith.xori %lt3A_1462, %lt3A_1464 : i1
      %and3A_1466 = arith.andi %ne3A_1465, %ne3A_1460 : i1
      %add3A_1467 = arith.addi %rem3A_1458, %select_n3A_1457 : i32
      %select_n3A_1468 = arith.select %and3A_1466, %add3A_1467, %rem3A_1458 : i32
      %mul3A_1469 = arith.constant 4 : i32
      %mul3A_1470 = arith.muli %select_n3A_1468, %mul3A_1469 : i32
      %add3A_1471 = arith.constant 3 : i32
      %add3A_1472 = arith.addi %mul3A_1470, %add3A_1471 : i32
      %eq3A_1473 = vector.broadcast %add3A_1472 : i32 to vector<16xi32>
      %eq3A_1474 = arith.cmpi eq, %iota3A, %eq3A_1473 : vector<16xi32>
      %broadcast_in_dim3A_1475 = vector.broadcast %add3A_1444 : f32 to vector<16xf32>
      %select_n3A_1476 = arith.select %eq3A_1474, %broadcast_in_dim3A_1475, %select_n3A_1375 : vector<16xi1>, vector<16xf32>
      %broadcast_in_dim3A_1477 = vector.broadcast %add3A_1452 : f32 to vector<16xf32>
      %select_n3A_1478 = arith.select %eq3A_1474, %broadcast_in_dim3A_1477, %select_n3A_1377 : vector<16xi1>, vector<16xf32>
      %jit3A_1479 = arith.constant 4 : i32
      %eq3A_1480 = arith.constant 0 : i32
      %eq3A_1481 = arith.cmpi eq, %jit3A_1479, %eq3A_1480 : i32
      %jit3A_1482 = arith.constant 1 : i32
      %select_n3A_1483 = arith.select %eq3A_1481, %jit3A_1482, %jit3A_1479 : i32
      %rem3A_1484 = arith.remsi %add3A_872, %select_n3A_1483 : i32
      %ne3A_1485 = arith.constant 0 : i32
      %ne3A_1486 = arith.cmpi ne, %rem3A_1484, %ne3A_1485 : i32
      %lt3A_1487 = arith.constant 0 : i32
      %lt3A_1488 = arith.cmpi slt, %rem3A_1484, %lt3A_1487 : i32
      %lt3A_1489 = arith.constant 0 : i32
      %lt3A_1490 = arith.cmpi slt, %select_n3A_1483, %lt3A_1489 : i32
      %ne3A_1491 = arith.xori %lt3A_1488, %lt3A_1490 : i1
      %and3A_1492 = arith.andi %ne3A_1491, %ne3A_1486 : i1
      %add3A_1493 = arith.addi %rem3A_1484, %select_n3A_1483 : i32
      %select_n3A_1494 = arith.select %and3A_1492, %add3A_1493, %rem3A_1484 : i32
      %eq3A_1495 = arith.constant 3 : i32
      %eq3A_1496 = arith.cmpi eq, %select_n3A_1494, %eq3A_1495 : i32
      %convert_element_type3A_1497 = arith.extui %eq3A_1496 : i1 to i32
      %cond3A_1498 = arith.constant 0 : i32
      %cond3A_1499 = arith.cmpi ne, %convert_element_type3A_1497, %cond3A_1498 : i32
      scf.if %cond3A_1499 {
        %jit3A_1500 = arith.constant 4 : i32
        %div3A = arith.divsi %add3A_872, %jit3A_1500 : i32
        %sign3A = arith.constant 0 : i32
        %sign3A_1501 = arith.cmpi sgt, %add3A_872, %sign3A : i32
        %sign3A_1502 = arith.extui %sign3A_1501 : i1 to i32
        %sign3A_1503 = arith.constant 0 : i32
        %sign3A_1504 = arith.cmpi slt, %add3A_872, %sign3A_1503 : i32
        %sign3A_1505 = arith.extui %sign3A_1504 : i1 to i32
        %sign3A_1506 = arith.subi %sign3A_1502, %sign3A_1505 : i32
        %sign3A_1507 = arith.constant 0 : i32
        %sign3A_1508 = arith.cmpi sgt, %jit3A_1500, %sign3A_1507 : i32
        %sign3A_1509 = arith.extui %sign3A_1508 : i1 to i32
        %sign3A_1510 = arith.constant 0 : i32
        %sign3A_1511 = arith.cmpi slt, %jit3A_1500, %sign3A_1510 : i32
        %sign3A_1512 = arith.extui %sign3A_1511 : i1 to i32
        %sign3A_1513 = arith.subi %sign3A_1509, %sign3A_1512 : i32
        %ne3A_1514 = arith.cmpi ne, %sign3A_1506, %sign3A_1513 : i32
        %rem3A_1515 = arith.remsi %add3A_872, %jit3A_1500 : i32
        %ne3A_1516 = arith.constant 0 : i32
        %ne3A_1517 = arith.cmpi ne, %rem3A_1515, %ne3A_1516 : i32
        %and3A_1518 = arith.andi %ne3A_1514, %ne3A_1517 : i1
        %sub3A = arith.constant 1 : i32
        %sub3A_1519 = arith.subi %div3A, %sub3A : i32
        %select_n3A_1520 = arith.select %and3A_1518, %sub3A_1519, %div3A : i32
        %mul3A_1521 = arith.constant 16 : i32
        %mul3A_1522 = arith.muli %select_n3A_1520, %mul3A_1521 : i32
        %swap3A = arith.index_cast %mul3A_1522 : i32 to index
        %swap3A_1523 = tpu.vector_load %arg15[%swap3A] {strides = array<i32>} : memref<512xf32, #tpu.memory_space<vmem>>, vector<16xf32>,
        tpu.vector_store %arg15[%swap3A], %select_n3A_1476 {strides = array<i32>} : memref<512xf32, #tpu.memory_space<vmem>>, vector<16xf32>,
        %jit3A_1524 = arith.constant 4 : i32
        %div3A_1525 = arith.divsi %add3A_872, %jit3A_1524 : i32
        %sign3A_1526 = arith.constant 0 : i32
        %sign3A_1527 = arith.cmpi sgt, %add3A_872, %sign3A_1526 : i32
        %sign3A_1528 = arith.extui %sign3A_1527 : i1 to i32
        %sign3A_1529 = arith.constant 0 : i32
        %sign3A_1530 = arith.cmpi slt, %add3A_872, %sign3A_1529 : i32
        %sign3A_1531 = arith.extui %sign3A_1530 : i1 to i32
        %sign3A_1532 = arith.subi %sign3A_1528, %sign3A_1531 : i32
        %sign3A_1533 = arith.constant 0 : i32
        %sign3A_1534 = arith.cmpi sgt, %jit3A_1524, %sign3A_1533 : i32
        %sign3A_1535 = arith.extui %sign3A_1534 : i1 to i32
        %sign3A_1536 = arith.constant 0 : i32
        %sign3A_1537 = arith.cmpi slt, %jit3A_1524, %sign3A_1536 : i32
        %sign3A_1538 = arith.extui %sign3A_1537 : i1 to i32
        %sign3A_1539 = arith.subi %sign3A_1535, %sign3A_1538 : i32
        %ne3A_1540 = arith.cmpi ne, %sign3A_1532, %sign3A_1539 : i32
        %rem3A_1541 = arith.remsi %add3A_872, %jit3A_1524 : i32
        %ne3A_1542 = arith.constant 0 : i32
        %ne3A_1543 = arith.cmpi ne, %rem3A_1541, %ne3A_1542 : i32
        %and3A_1544 = arith.andi %ne3A_1540, %ne3A_1543 : i1
        %sub3A_1545 = arith.constant 1 : i32
        %sub3A_1546 = arith.subi %div3A_1525, %sub3A_1545 : i32
        %select_n3A_1547 = arith.select %and3A_1544, %sub3A_1546, %div3A_1525 : i32
        %mul3A_1548 = arith.constant 16 : i32
        %mul3A_1549 = arith.muli %select_n3A_1547, %mul3A_1548 : i32
        %swap3A_1550 = arith.index_cast %mul3A_1549 : i32 to index
        %swap3A_1551 = tpu.vector_load %arg16[%swap3A_1550] {strides = array<i32>} : memref<512xf32, #tpu.memory_space<vmem>>, vector<16xf32>,
        tpu.vector_store %arg16[%swap3A_1550], %select_n3A_1478 {strides = array<i32>} : memref<512xf32, #tpu.memory_space<vmem>>, vector<16xf32>,
      } else {
      }
      scf.yield %select_n3A_1476, %select_n3A_1478 : vector<16xf32>, vector<16xf32>
    }
    %scan3A_245 = arith.constant 64 : i32
    "tpu.region"() ({
      %run_scoped3A = tpu.sem_alloc : memref<!tpu.dma_semaphore, #tpu.memory_space<semaphore_mem>>
      %dma_start3A_246 = tpu.memref_slice %arg7[%mul3A_2] : memref<16384xf32, #tpu.memory_space<hbm>> -> memref<512xf32, #tpu.memory_space<hbm>>
      %dma_start3A_247 = tpu.memref_slice %arg7[%mul3A_2] : memref<16384xf32, #tpu.memory_space<hbm>> -> memref<512xf32, #tpu.memory_space<hbm>>
      tpu.enqueue_dma source(%arg15 : memref<512xf32, #tpu.memory_space<vmem>>) target(%dma_start3A_247 : memref<512xf32, #tpu.memory_space<hbm>>) target_semaphore(%run_scoped3A : memref<!tpu.dma_semaphore, #tpu.memory_space<semaphore_mem>>)
      %dma_wait3A = tpu.memref_slice %arg7[%mul3A_2] : memref<16384xf32, #tpu.memory_space<hbm>> -> memref<512xf32, #tpu.memory_space<hbm>>
      %dma_wait3A_248 = tpu.memref_slice %arg7[%mul3A_2] : memref<16384xf32, #tpu.memory_space<hbm>> -> memref<512xf32, #tpu.memory_space<hbm>>
      tpu.wait_dma2 semaphore(%run_scoped3A : memref<!tpu.dma_semaphore, #tpu.memory_space<semaphore_mem>>) src(%arg15 : memref<512xf32, #tpu.memory_space<vmem>>) dst(%dma_wait3A_248 : memref<512xf32, #tpu.memory_space<hbm>>)
      tpu.yield
    }) : () -> ()
    "tpu.region"() ({
      %run_scoped3A = tpu.sem_alloc : memref<!tpu.dma_semaphore, #tpu.memory_space<semaphore_mem>>
      %dma_start3A_246 = tpu.memref_slice %arg8[%mul3A_2] : memref<16384xf32, #tpu.memory_space<hbm>> -> memref<512xf32, #tpu.memory_space<hbm>>
      %dma_start3A_247 = tpu.memref_slice %arg8[%mul3A_2] : memref<16384xf32, #tpu.memory_space<hbm>> -> memref<512xf32, #tpu.memory_space<hbm>>
      tpu.enqueue_dma source(%arg16 : memref<512xf32, #tpu.memory_space<vmem>>) target(%dma_start3A_247 : memref<512xf32, #tpu.memory_space<hbm>>) target_semaphore(%run_scoped3A : memref<!tpu.dma_semaphore, #tpu.memory_space<semaphore_mem>>)
      %dma_wait3A = tpu.memref_slice %arg8[%mul3A_2] : memref<16384xf32, #tpu.memory_space<hbm>> -> memref<512xf32, #tpu.memory_space<hbm>>
      %dma_wait3A_248 = tpu.memref_slice %arg8[%mul3A_2] : memref<16384xf32, #tpu.memory_space<hbm>> -> memref<512xf32, #tpu.memory_space<hbm>>
      tpu.wait_dma2 semaphore(%run_scoped3A : memref<!tpu.dma_semaphore, #tpu.memory_space<semaphore_mem>>) src(%arg16 : memref<512xf32, #tpu.memory_space<vmem>>) dst(%dma_wait3A_248 : memref<512xf32, #tpu.memory_space<hbm>>)
      tpu.yield
    }) : () -> ()
    return
  }
}

</mosaic_0001>

<sc_bundles>
// kernel: bpr_sc.3.cloned.1.call-start
scs
__scs_entry_jumppad:
0x0: {  	(pc) =	sbr.rel $0x88, $3  }
0x1: {  	(tag) =	ssettag $0x0;
	lr =	simm.s32 $0x1  }
0x2: {  	[smem:$0x3F9A] =	sst lr;
	_ =	strace $0xD0000000  }
0x3: {  	_ = 	snop  }
0x4: {  	_ = 	snop  }
0x5: {  	_ = 	snop  }
0x6: {  	_ = 	snop  }
0x7: {  	_ = 	snop  }
__scs_overlays_trampoline_lowered:
0x8: {  	[smem:$0x3FA9] =	sst s0  }
0x9: {  	[smem:$0x3FAA] =	sst s1  }
0xa: {  	[smem:$0x3FAB] =	sst s2  }
0xb: {  	[smem:$0x3FAC] =	sst s3  }
0xc: {  	[smem:$0x3FAD] =	sst s4  }
0xd: {  	[smem:$0x3FAE] =	sst s5  }
0xe: {  	[smem:$0x3FAF] =	sst s6  }
0xf: {  	[smem:$0x3FB0] =	sst s7  }
0x10: {  	[smem:$0x3FB1] =	sst s8  }
0x11: {  	[smem:$0x3FB2] =	sst s9;
	s0 =	simm.s32 @!p0 $0x0  }
0x12: {  	s1 =	sld [smem:$0x3F98];
	s0 =	simm.s32 @p0 $0x1  }
0x13: {  	[smem:$0x3FB3] =	sst s0;
	s0 =	simm.s32 @!p1 $0x0  }
0x14: {  	s2 =	sld [smem:$0x3F97];
	s0 =	simm.s32 @p1 $0x1  }
0x15: {  	[smem:$0x3FB4] =	sst s0;
	s0 =	simm.s32 @!p2 $0x0  }
0x16: {  	s3 =	sld [smem:$0x3FDB];
	s0 =	simm.s32 @p2 $0x1  }
0x17: {  	s4 =	simm.s32 $0x1BF5;
	[smem:$0x3FB6] =	sst s0  }
0x18: {  	s0 =	sld [smem:$0x3F99];
	_ =	swait.ge [sflag:s4], $0x0  }
0x19: {  	s7 =	sld [smem:$0x3F9A]  }
0x1a: {  	s8 =	sadd.s32 $0xFFFFE003, lr  }
0x1b: {  	s9 =	sadd.s32 $0xFFFFFEF7, lr;
	s5 =	simm.s32 $0xFFFFFFFF;
	p2 =	slt.u32 s8, $0xFFFFF086  }
0x1c: {  	p1 =	slt.u32 s9, $0xF7A;
	s5 =	simm.s32 @!p2 $0x0  }
0x1d: {  	s5 =	simm.s32 @p1 $0x1;
	p0 =	seq.s32 s7, s2  }
0x1e: {  	s7 =	smul.u32 @!p0 $0xF7A, s2;
	p2 =	seq.s32 @!p0 s5, $0x0  }
0x1f: {  	s9 =	smul.u32 $0xF7A, s1;
	s8 =	simm.s32 @!p0 $0x1BF5;
	p2 =	por !p2, p0  }
0x20: {  	[sflag:s8] =	ssyncset.s32 @!p0 $0xFFFFF086;
	s6 =	sadd.s32 @!p0 s3, s7;
	s7 =	simm.s32 @!p0 $0x108  }
0x21: {  	s3 =	sadd.s32 s3, s9;
	s6 =	sadd.s32 @!p0 $0x88, s6;
	s7 =	simm.s32 @p2 $0x1082  }
0x22: {  	[simem:s7], [sflag:s8] =	dma.local @!p0 [hbm:s6], $0xF7A  }
0x23: {  	s9 =	sor.u32 $0xD0000000, s2;
	s6 =	simm.s32 $0x108;
	_ =	swait.ge @!p0 [sflag:s8], $0x0  }
0x24: {  	s3 =	sadd.s32 $0x88, s3;
	s6 =	simm.s32 @!p1 $0x1082;
	[sflag:s4] =	ssyncset.s32 $0xFFFFF086  }
0x25: {  	[simem:s6], [sflag:s4] =	dma.local [hbm:s3], $0xF7A  }
0x26: {  	[smem:$0x3F9A] =	sst s1;
	(tag) =	ssettag s2;
	_ =	strace s9  }
0x27: {  	s1 =	sld [smem:$0x3FAA]  }
0x28: {  	s2 =	sld [smem:$0x3FAB]  }
0x29: {  	s4 =	sld [smem:$0x3FAD]  }
0x2a: {  	p0 =	seq.s32 s5, $0x0;
	s5 =	sld [smem:$0x3FAE]  }
0x2b: {  	s6 =	sld [smem:$0x3FAF]  }
0x2c: {  	s7 =	sld [smem:$0x3FB0]  }
0x2d: {  	s3 =	simm.s32 $0x108;
	s8 =	sld [smem:$0x3FB1]  }
0x2e: {  	s3 =	simm.s32 @!p0 $0x1082;
	s9 =	sld [smem:$0x3FB2]  }
0x2f: {  	lr =	sadd.s32 s0, s3;
	s0 =	sld [smem:$0x3FA9]  }
0x30: {  	s3 =	sld [smem:$0x3FAC]  }
0x31: {  	[smem:$0x3FB5] =	sst s10  }
0x32: {  	s10 =	sld [smem:$0x3FB3];
	_ =	sdelay $0x3  }
0x33: {  	p0 =	seq.s32 s10, $0x1;
	s10 =	sld [smem:$0x3FB5];
	_ =	sdelay $0x3  }
0x34: {  	[smem:$0x3FB5] =	sst s10  }
0x35: {  	s10 =	sld [smem:$0x3FB4];
	_ =	sdelay $0x3  }
0x36: {  	p1 =	seq.s32 s10, $0x1;
	s10 =	sld [smem:$0x3FB5];
	_ =	sdelay $0x3  }
0x37: {  	[smem:$0x3FB5] =	sst s10  }
0x38: {  	s10 =	sld [smem:$0x3FB6]  }
0x39: {  	_ = 	snop;
	(pc) =	sbr.ind lr, $3  }
0x3a: {  	_ = 	snop  }
0x3b: {  	_ = 	snop  }
0x3c: {  	p2 =	seq.s32 s10, $0x1;
	s10 =	sld [smem:$0x3FB5]  }
0x3d: {  	_ =	shalt  }
0x3e: {  	_ =	shalt  }
0x3f: {  	_ =	shalt  }
0x40: {  	_ =	shalt  }
0x41: {  	_ =	shalt  }
0x42: {  	_ =	shalt  }
0x43: {  	_ =	shalt  }
0x44: {  	_ =	shalt  }
0x45: {  	_ =	shalt  }
0x46: {  	_ =	shalt  }
0x47: {  	_ =	shalt  }
0x48: {  	_ =	shalt  }
0x49: {  	_ =	shalt  }
0x4a: {  	_ =	shalt  }
0x4b: {  	_ =	shalt  }
0x4c: {  	_ =	shalt  }
0x4d: {  	_ =	shalt  }
0x4e: {  	_ =	shalt  }
0x4f: {  	_ =	shalt  }
0x50: {  	_ =	shalt  }
0x51: {  	_ =	shalt  }
0x52: {  	_ =	shalt  }
0x53: {  	_ =	shalt  }
0x54: {  	_ =	shalt  }
0x55: {  	_ =	shalt  }
0x56: {  	_ =	shalt  }
0x57: {  	_ =	shalt  }
0x58: {  	_ =	shalt  }
0x59: {  	_ =	shalt  }
0x5a: {  	_ =	shalt  }
0x5b: {  	_ =	shalt  }
0x5c: {  	_ =	shalt  }
0x5d: {  	_ =	shalt  }
0x5e: {  	_ =	shalt  }
0x5f: {  	_ =	shalt  }
0x60: {  	_ =	shalt  }
0x61: {  	_ =	shalt  }
0x62: {  	_ =	shalt  }
0x63: {  	_ =	shalt  }
0x64: {  	_ =	shalt  }
0x65: {  	_ =	shalt  }
0x66: {  	_ =	shalt  }
0x67: {  	_ =	shalt  }
0x68: {  	_ =	shalt  }
0x69: {  	_ =	shalt  }
0x6a: {  	_ =	shalt  }
0x6b: {  	_ =	shalt  }
0x6c: {  	_ =	shalt  }
0x6d: {  	_ =	shalt  }
0x6e: {  	_ =	shalt  }
0x6f: {  	_ =	shalt  }
0x70: {  	_ =	shalt  }
0x71: {  	_ =	shalt  }
0x72: {  	_ =	shalt  }
0x73: {  	_ =	shalt  }
0x74: {  	_ =	shalt  }
0x75: {  	_ =	shalt  }
0x76: {  	_ =	shalt  }
0x77: {  	_ =	shalt  }
0x78: {  	_ =	shalt  }
0x79: {  	_ =	shalt  }
0x7a: {  	_ =	shalt  }
0x7b: {  	_ =	shalt  }
0x7c: {  	_ =	shalt  }
0x7d: {  	_ =	shalt  }
0x7e: {  	_ =	shalt  }
0x7f: {  	_ =	shalt  }
0x80: {  	_ =	shalt  }
0x81: {  	_ =	shalt  }
0x82: {  	_ =	shalt  }
0x83: {  	_ =	shalt  }
0x84: {  	_ =	shalt  }
0x85: {  	_ =	shalt  }
0x86: {  	_ =	shalt  }
0x87: {  	_ =	shalt  }
.Lfunc_end0:
.L_simem_size_0:
called_computation_lowered:
.L_overlay_start_0:
0x88: {  	s2 =	sld [smem:$0x3FD9]  }
0x89: {  	s3 =	sld [smem:$0x3FFE];
	_ =	sdelay $0x1  }
0x8a: {  	s1 =	srdreg.scid  }
0x8b: {  	s0 =	sand.u32 $0x1, s1  }
0x8c: {  	s14 =	sshll.u32 s0, $0xA;
	s2 =	sadd.s32 s3, s2  }
0x8d: {  	s2 =	sadd.s32 s2, s14  }
0x8e: {  	[smem:$0x3FC1] =	sst s2  }
0x8f: {  	_ = 	snop  }
0x90: {  	s2 =	sld [smem:$0x3FD0]  }
0x91: {  	s15 =	sld [smem:$0x3FC6]  }
0x92: {  	s4 =	sld [smem:$0x3FC5]  }
0x93: {  	s6 =	simm.s32 $0xA;
	s7 =	simm.s32 $0x10;
	s5 =	sld [smem:$0x3FC4]  }
0x94: {  	[smem:s7], [sflag:s6] =	dma.local [hbm:s2], $0x1  }
0x95: {  	_ =	swait.eq [sflag:s6], $0x1  }
0x96: {  	[sflag:s6] =	ssyncset.done $0x0  }
0x97: {  	s16 =	sld [smem:$0x10];
	[sflag:s6] =	ssyncadd.s32 $0xFFFFFFFF  }
0x98: {  	s17 =	sld [smem:$0x11];
	(tm) =	ssettm $0x1  }
0x99: {  	s18 =	sld [smem:$0x3FFB];
	_ =	sdelay $0x3  }
0x9a: {  	_ =	strace s18  }
0x9b: {  	s7 =	sld [smem:$0x3FFC];
	_ =	sdelay $0x3  }
0x9c: {  	_ =	strace s7  }
0x9d: {  	s7 =	sld [smem:$0x3FFD];
	_ =	sdelay $0x3  }
0x9e: {  	_ =	strace s7  }
0x9f: {  	_ =	strace $0x8FFFFFFF  }
0xa0: {  	s19 =	sld [smem:$0x3FDB];
	_ =	sdelay $0x1  }
0xa1: {  	s8 =	simm.s32 $_scs_section_size  }
0xa2: {  	s9 =	simm.s32 $_size__tile_overlayer_lowered;
	s10 =	simm.s32 $_tile_overlayer_lowered  }
0xa3: {  	s22 =	simm.s32 $0x1BFF;
	s21 =	sshll.u32 s10, $0x1;
	s7 =	sadd.s32 s8, s19  }
0xa4: {  	s11 =	simm.s32 $0x0;
	s20 =	sshll.u32 s9, $0x1;
	s9 =	sadd.s32 s21, s7  }
0xa5: {  	[timem:s11], [sflag:s22] =	dma.local [hbm:s9], s20  }
0xa6: {  	_ =	swait.ge [sflag:s22], s20  }
0xa7: {  	s8 =	ssub.s32 $0x0, s20;
	[sflag:s22] =	ssyncset.done $0x0  }
0xa8: {  	[sflag:s22] =	ssyncadd.s32 s8;
	_ =	sdelay $0x1  }
0xa9: {  	s23 =	simm.s32 $0x1B8B  }
0xaa: {  	_ =	swait.ge [sflag:s23], $0x1  }
0xab: {  	[sflag:s23] =	ssyncset.done $0x0  }
0xac: {  	s25 =	simm.s32 $0x1B8E;
	s24 =	sld [smem:$0x3FFE];
	[sflag:s23] =	ssyncadd.s32 $0xFFFFFFFF  }
0xad: {  	s26 =	simm.s32 $execute0_lowered;
	[smem:$0x3FD2] =	sst s25  }
0xae: {  	s9 =	sshll.u32 s26, $0x1;
	_ =	strace $0x80000046;
	[dreg:$0x1] =	wrdreg $0xFFFFFFFF  }
0xaf: {  	s28 =	simm.s32 $_size_execute0_lowered;
	s7 =	sadd.s32 s7, s9;
	[dreg:$0x0] =	wrdreg $0x0  }
0xb0: {  	s9 =	sshll.u32 s28, $0x1;
	[dreg:$0x2] =	wrdreg s7  }
0xb1: {  	[dreg:$0x3] =	wrdreg s9  }
0xb2: {  	[dreg:$0x4] =	wrdreg $0xC0  }
0xb3: {  	_ =	task [dreg:s11], $0x5FFFF  }
0xb4: {  	[dreg:$0x1] =	wrdreg $0xFFFFFFFF  }
0xb5: {  	[dreg:$0x0] =	wrdreg $0x60  }
0xb6: {  	[dreg:$0x2] =	wrdreg s24  }
0xb7: {  	[dreg:$0x3] =	wrdreg s15  }
0xb8: {  	[dreg:$0x4] =	wrdreg s4  }
0xb9: {  	[dreg:$0x5] =	wrdreg s5  }
0xba: {  	[dreg:$0x6] =	wrdreg s16  }
0xbb: {  	[dreg:$0x7] =	wrdreg s17  }
0xbc: {  	[dreg:$0x8] =	wrdreg $0x9  }
0xbd: {  	_ =	task.clear_ibuf [dreg:s11], $0x9FFFF;
	_ =	strace $0x90000046  }
0xbe: {  	s29 =	simm.s32 $0x9;
	_ =	strace $0x80000048  }
0xbf: {  	_ =	swait.ge [sflag:s29], $0x1  }
0xc0: {  	[sflag:s29] =	ssyncadd.s32 $0xFFFFFFFF  }
0xc1: {  	_ =	strace $0x90000048  }
0xc2: {  	_ =	sfence  }
0xc3: {  	s30 =	sld [smem:$0x0];
	_ =	sdelay $0x2  }
0xc4: {  	s31 =	sshll.u32 s1, $0xD;
	s1 =	sshrl.u32 s1, $0x2  }
0xc5: {  	s3 =	sand.u32 $0x4000, s31;
	s1 =	sadd.s32 s1, s30  }
0xc6: {  	s0 =	sor.u32 s3, s0;
	s1 =	sshll.u32 s1, $0x11  }
0xc7: {  	s0 =	sor.u32 s1, s0  }
0xc8: {  	s0 =	sadd.s32 $0x8F2B, s0  }
0xc9: {  	[sflag:s0] =	ssyncadd.remote.s32 $0x1  }
0xca: {  	_ =	sfence.sel $0xFFFF  }
0xcb: {  	[dreg:$0x0] =	wrdreg $0xFFFFFFFF;
	(pc) =	sbr.abs _section_cstart, $3  }
0xcc: {  	[dreg:$0x1] =	wrdreg $0xFFFFFFFF  }
0xcd: {  	_ =	task.clear_ibuf [dreg:s11], $0x2FFFF;
	_ =	strace $0x9FFFFFFF  }
0xce: {  	(tm) =	ssettm $0x7FFFFFFF  }
0xcf: {  	_ =	shalt  }
tec
execute0_lowered:
.L_overlay_start_1:
0x0: {  	(tag) =	ssettag $0x1  }
0x1: {  	s0 =	rddreg [dreg:$0x0]  }
0x2: {  	s1 =	rddreg [dreg:$0x1]  }
0x3: {  	s2 =	rddreg [dreg:$0x2]  }
0x4: {  	s3 =	rddreg [dreg:$0x4]  }
0x5: {  	s4 =	rddreg [dreg:$0x5]  }
0x6: {  	s5 =	srdreg.scid;
	s6 =	stileid.u32  }
0x7: {  	s11 =	simm.s32 $0x0;
	s14 =	simm.s32 $0x400;
	s15 =	simm.s32 $0x7A1400  }
0x8: {  	s9 =	simm.s32 $0x7000;
	s28 =	simm.s32 $0x8000;
	s29 =	simm.s32 $0x10000  }
0x9: {  	s30 =	simm.s32 $0x18000;
	s31 =	simm.s32 $0x9000;
	s18 =	simm.s32 $0xB000  }
0xa: {  	s19 =	simm.s32 $0x13000;
	s5 =	sand.u32 $0x1, s5;
	s6 =	sshll.u32 s6, $0x1  }
0xb: {  	s20 =	simm.s32 $0x1B000;
	[smem:$0x7FF] =	sst s11;
	s6 =	sor.u32 s5, s6  }
0xc: {  	_ =	strace $0x80000047;
	s5 =	ssub.s32 $0x2, s5;
	s7 =	sshll.u32 s6, $0xB  }
0xd: {  	s25 =	sshll.u32 s6, $0x6;
	s7 =	sadd.s32 s7, s0;
	s0 =	sadd.s32 $0x10A00, s0  }
.Ltmp0:
0xe: {  	s3 =	sadd.s32 s3, s25;
	[dreg:$0x7] =	wrdreg s0;
	(pc) =	sbr.rel .LBB2_1-.Ltmp0, $4  }
0xf: {  	v0 =	vlaneseq.u32;
	s23 =	sshrl.u32 s5, $0x1;
	s26 =	sadd.s32 s4, s25;
	[dreg:$0x9] =	wrdreg s3  }
0x10: {  	v1 =	vmul.u32 $0x80, v0;
	s0 =	ssub.s32 s5, s23;
	s24 =	sadd.s32 $0xA00, s7;
	[dreg:$0xa] =	wrdreg s26  }
0x11: {  	s10 =	simm.s32 $0x1;
	[dreg:$0x8] =	wrdreg s24;
	s0 =	smax.u32 s0, $0x1  }
0x12: {  	v2 =	vor.u32 $0x800, v1;
	s4 =	simm.s32 $0x0;
	s3 =	simm.s32 $0x2;
	[dreg:$0xb] =	wrdreg s0  }
.LBB2_5:
0x13: {  	s11 =	simm.s32 $0x0;
	s0 =	rddreg [dreg:$0x9];
	s3 =	simm.s32 $0x1C100  }
0x14: {  	[hbm4b:s0+s11] =	stream.linear.scatter [tilespmem:s3], [sflag:$0x2], $0x200, $0x38;
	[tilespmem:$0x1C500] =	vst v63  }
0x15: {  	s3 =	simm.s32 $0x2  }
0x16: {  	_ =	swait.ge [sflag:s3], $0x200  }
0x17: {  	[sflag:s3] =	ssyncset.done $0x0  }
0x18: {  	s4 =	simm.s32 $0x1C300;
	s24 =	rddreg [dreg:$0xa];
	[sflag:s3] =	ssyncadd.s32 $0xFFFFFE00  }
0x19: {  	[hbm4b:s24+s11] =	stream.linear.scatter [tilespmem:s4], [sflag:$0x2], $0x200, $0x38;
	[tilespmem:$0x1C500] =	vst v63  }
0x1a: {  	_ =	swait.ge [sflag:s3], $0x200  }
0x1b: {  	s25 =	rddreg [dreg:$0xc]  }
0x1c: {  	s26 =	rddreg [dreg:$0xb];
	s4 =	sadd.s32 $0x1, s25  }
0x1d: {  	p0 =	sne.s32 s4, s26  }
.Ltmp1:
0x1e: {  	_ = 	snop;
	(pc) =	sbr.rel @!p0 .LBB2_6-.Ltmp1, $3  }
0x1f: {  	_ =	sdelay $0x1  }
0x20: {  	[sflag:s3] =	ssyncset.done $0x0  }
0x21: {  	[sflag:s3] =	ssyncadd.s32 $0xFFFFFE00  }
.LBB2_1:
0x22: {  	[dreg:$0xc] =	wrdreg s4  }
0x23: {  	s0 =	rddreg [dreg:$0x8]  }
0x24: {  	[tilespmem:s11], [sflag:$0x2] =	stream.linear.gather [hbm4b:s0+s11], $0x4000, $0x38;
	[tilespmem:$0x1C500] =	vst v63  }
0x25: {  	_ =	swait.ge [sflag:s3], $0x4000  }
0x26: {  	[sflag:s3] =	ssyncset.done $0x0  }
0x27: {  	[sflag:s3] =	ssyncadd.s32 $0xFFFFC000  }
0x28: {  	s5 =	simm.s32 $0x1C000;
	s4 =	rddreg [dreg:$0x3]  }
0x29: {  	[tilespmem:s5], [sflag:$0x2] =	stream.linear.gather [hbm4b:s4+s11], $0x80, $0x38;
	[tilespmem:$0x1C500] =	vst v63  }
0x2a: {  	_ =	swait.ge [sflag:s3], $0x80  }
0x2b: {  	[sflag:s3] =	ssyncset.done $0x0  }
0x2c: {  	s7 =	simm.s32 $0x1C080;
	s6 =	rddreg [dreg:$0x7];
	[sflag:s3] =	ssyncadd.s32 $0xFFFFFF80  }
0x2d: {  	[tilespmem:s7], [sflag:$0x2] =	stream.linear.gather [hbm4b:s6+s11], $0x80, $0x38;
	[tilespmem:$0x1C500] =	vst v63  }
0x2e: {  	_ =	swait.ge [sflag:s3], $0x80  }
0x2f: {  	[sflag:s3] =	ssyncset.done $0x0  }
0x30: {  	[sflag:s3] =	ssyncadd.s32 $0xFFFFFF80  }
0x31: {  	v3 =	vld [tilespmem:$0x1C080]  }
0x32: {  	v5 =	vld [tilespmem:$0x0];
	_ =	sdelay $0x3  }
0x33: {  	(v2sf) =	vpush v3, $0x0  }
0x34: {  	(v2sf) =	vpush v5, $0x0;
	_ =	sdelay $0x1  }
0x35: {  	(v2sf) =	vpush v5, $0x4;
	_ =	sdelay $0x3  }
0x36: {  	(v2sf) =	vpush v5, $0x8;
	_ =	sdelay $0x1  }
0x37: {  	(v2sf) =	vpush v5, $0x1;
	_ =	sdelay $0x5  }
0x38: {  	s5 =	spop (v2sf);
	(v2sf) =	vpush v5, $0x5  }
0x39: {  	s8 =	spop (v2sf);
	(v2sf) =	vpush v5, $0x9;
	_ =	sdelay $0x1  }
0x3a: {  	s0 =	sand.u32 $0xFFFFF80, s8;
	s12 =	spop (v2sf);
	(v2sf) =	vpush v5, $0x2  }
0x3b: {  	s11 =	simm.s32 $0x4000;
	v4 =	vld [tilespmem:$0x1C010];
	s0 =	sadd.s32 s1, s0  }
0x3c: {  	v3 =	vld [tilespmem:$0x1C000];
	[tilespmem:s11], [sflag:$0x1] =	stream.strided.gather [hbm4b:s0+s14], $0x1000, s15, s14, $0x38  }
0x3d: {  	s0 =	sand.u32 $0xFFFFF80, s12  }
0x3e: {  	s13 =	simm.s32 $0xC000;
	s16 =	spop (v2sf);
	s0 =	sadd.s32 s2, s0  }
0x3f: {  	(v2sf) =	vpush v5, $0x6;
	[tilespmem:s13], [sflag:$0x1] =	stream.strided.gather [hbm4b:s0+s14], $0x1000, s15, s14, $0x38;
	[tilespmem:$0x1C500] =	vst v63  }
0x40: {  	s21 =	spop (v2sf);
	(v2sf) =	vpush v5, $0xA;
	s0 =	sand.u32 $0xFFFFF80, s16  }
0x41: {  	s17 =	simm.s32 $0x14000;
	s0 =	sadd.s32 s2, s0  }
0x42: {  	[tilespmem:s17], [sflag:$0x1] =	stream.strided.gather [hbm4b:s0+s14], $0x1000, s15, s14, $0x38;
	[tilespmem:$0x1C500] =	vst v63  }
0x43: {  	s0 =	sand.u32 $0xFFFFF80, s21  }
0x44: {  	s22 =	simm.s32 $0x5000;
	s0 =	sadd.s32 s1, s0  }
0x45: {  	[tilespmem:s22], [sflag:$0x1] =	stream.strided.gather [hbm4b:s0+s14], $0x1000, s15, s14, $0x38;
	[tilespmem:$0x1C500] =	vst v63  }
0x46: {  	s23 =	spop (v2sf);
	(v2sf) =	vpush v5, $0x3  }
0x47: {  	s25 =	spop (v2sf);
	(v2sf) =	vpush v5, $0x7  }
0x48: {  	s0 =	sand.u32 $0xFFFFF80, s23  }
0x49: {  	s24 =	simm.s32 $0xD000;
	s0 =	sadd.s32 s2, s0;
	s3 =	spop (v2sf)  }
0x4a: {  	(v2sf) =	vpush v5, $0xB;
	[tilespmem:s24], [sflag:$0x1] =	stream.strided.gather [hbm4b:s0+s14], $0x1000, s15, s14, $0x38;
	[tilespmem:$0x1C500] =	vst v63  }
0x4b: {  	s0 =	sand.u32 $0xFFFFF80, s25  }
0x4c: {  	s26 =	simm.s32 $0x15000;
	s6 =	simm.s32 $0x6000;
	s0 =	sadd.s32 s2, s0  }
0x4d: {  	[tilespmem:s26], [sflag:$0x1] =	stream.strided.gather [hbm4b:s0+s14], $0x1000, s15, s14, $0x38;
	[tilespmem:$0x1C500] =	vst v63  }
0x4e: {  	s12 =	simm.s32 $0xE000;
	s4 =	spop (v2sf);
	s0 =	sand.u32 $0xFFFFF80, s3  }
0x4f: {  	s7 =	sand.u32 $0xFFFFF80, s4;
	s8 =	spop (v2sf);
	s0 =	sadd.s32 s1, s0  }
0x50: {  	[tilespmem:s6], [sflag:$0x1] =	stream.strided.gather [hbm4b:s0+s14], $0x1000, s15, s14, $0x38;
	[tilespmem:$0x1C500] =	vst v63  }
0x51: {  	s11 =	simm.s32 $0x80;
	s13 =	sand.u32 $0xFFFFF80, s8;
	s0 =	sadd.s32 s2, s7  }
0x52: {  	[tilespmem:s12], [sflag:$0x1] =	stream.strided.gather [hbm4b:s0+s14], $0x1000, s15, s14, $0x38;
	[tilespmem:$0x1C500] =	vst v63  }
0x53: {  	s17 =	simm.s32 $0x16000;
	s24 =	simm.s32 $0xF000;
	s0 =	sadd.s32 s2, s13  }
0x54: {  	[tilespmem:s17], [sflag:$0x1] =	stream.strided.gather [hbm4b:s0+s14], $0x1000, s15, s14, $0x38;
	[tilespmem:$0x1C500] =	vst v63  }
0x55: {  	s26 =	simm.s32 $0x17000;
	s8 =	simm.s32 $0x1A000;
	s16 =	spop (v2sf)  }
0x56: {  	s6 =	simm.s32 $0xA000;
	s21 =	sand.u32 $0xFFFFF80, s16;
	s22 =	spop (v2sf)  }
0x57: {  	s7 =	simm.s32 $0x12000;
	s0 =	sadd.s32 s1, s21;
	s23 =	sand.u32 $0xFFFFF80, s22  }
0x58: {  	[tilespmem:s9], [sflag:$0x1] =	stream.strided.gather [hbm4b:s0+s14], $0x1000, s15, s14, $0x38;
	[tilespmem:$0x1C500] =	vst v63  }
.Ltmp2:
0x59: {  	s25 =	spop (v2sf);
	s0 =	sadd.s32 s2, s23;
	(pc) =	sbr.rel .LBB2_2-.Ltmp2, $4  }
0x5a: {  	[tilespmem:s24], [sflag:$0x1] =	stream.strided.gather [hbm4b:s0+s14], $0x1000, s15, s14, $0x38;
	[tilespmem:$0x1C500] =	vst v63  }
0x5b: {  	s12 =	simm.s32 $0x11000;
	s13 =	simm.s32 $0x19000;
	s0 =	sand.u32 $0xFFFFF80, s25  }
0x5c: {  	s17 =	simm.s32 $0x0;
	s16 =	simm.s32 $0x1;
	s0 =	sadd.s32 s2, s0  }
0x5d: {  	v6 =	vimm.f32 $0.0e+00;
	v5 =	vimm.f32 $0.0e+00;
	[tilespmem:s26], [sflag:$0x1] =	stream.strided.gather [hbm4b:s0+s14], $0x1000, s15, s14, $0x38;
	[tilespmem:$0x1C500] =	vst v63  }
.LBB2_4:
0x5e: {  	_ =	swait.ge [sflag:s10], $0x1000  }
0x5f: {  	[sflag:s10] =	ssyncset.done $0x0  }
0x60: {  	[sflag:s10] =	ssyncadd.s32 $0xFFFFF000  }
0x61: {  	_ =	swait.ge [sflag:s10], $0x1000  }
0x62: {  	[sflag:s10] =	ssyncset.done $0x0  }
0x63: {  	[sflag:s10] =	ssyncadd.s32 $0xFFFFF000  }
0x64: {  	_ =	swait.ge [sflag:s10], $0x1000  }
0x65: {  	[sflag:s10] =	ssyncset.done $0x0  }
0x66: {  	[sflag:s10] =	ssyncadd.s32 $0xFFFFF000  }
0x67: {  	_ =	swait.ge [sflag:s10], $0x1000  }
0x68: {  	[sflag:s10] =	ssyncset.done $0x0  }
0x69: {  	[sflag:s10] =	ssyncadd.s32 $0xFFFFF000  }
0x6a: {  	_ =	swait.ge [sflag:s10], $0x1000  }
0x6b: {  	[sflag:s10] =	ssyncset.done $0x0  }
0x6c: {  	[sflag:s10] =	ssyncadd.s32 $0xFFFFF000  }
0x6d: {  	_ =	swait.ge [sflag:s10], $0x1000  }
0x6e: {  	[sflag:s10] =	ssyncset.done $0x0  }
0x6f: {  	[sflag:s10] =	ssyncadd.s32 $0xFFFFF000  }
0x70: {  	_ =	swait.ge [sflag:s10], $0x1000  }
0x71: {  	[sflag:s10] =	ssyncset.done $0x0  }
0x72: {  	[sflag:s10] =	ssyncadd.s32 $0xFFFFF000  }
0x73: {  	_ =	swait.ge [sflag:s10], $0x1000  }
0x74: {  	[sflag:s10] =	ssyncset.done $0x0  }
0x75: {  	[sflag:s10] =	ssyncadd.s32 $0xFFFFF000  }
0x76: {  	_ =	swait.ge [sflag:s10], $0x1000  }
0x77: {  	[sflag:s10] =	ssyncset.done $0x0  }
0x78: {  	[sflag:s10] =	ssyncadd.s32 $0xFFFFF000  }
0x79: {  	_ =	swait.ge [sflag:s10], $0x1000  }
0x7a: {  	[sflag:s10] =	ssyncset.done $0x0  }
0x7b: {  	[sflag:s10] =	ssyncadd.s32 $0xFFFFF000  }
0x7c: {  	_ =	swait.ge [sflag:s10], $0x1000  }
0x7d: {  	[sflag:s10] =	ssyncset.done $0x0  }
0x7e: {  	[sflag:s10] =	ssyncadd.s32 $0xFFFFF000  }
0x7f: {  	_ =	swait.ge [sflag:s10], $0x1000  }
0x80: {  	[sflag:s10] =	ssyncset.done $0x0  }
0x81: {  	[sflag:s10] =	ssyncadd.s32 $0xFFFFF000  }
0x82: {  	v7 =	vld [tilespmem:s11+$0x0];
	_ =	sdelay $0x4  }
0x83: {  	(v2sf) =	vpush v7, $0x0;
	_ =	sdelay $0x1  }
0x84: {  	(v2sf) =	vpush v7, $0x4;
	_ =	sdelay $0x1  }
0x85: {  	(v2sf) =	vpush v7, $0x8;
	_ =	sdelay $0xa  }
0x86: {  	s0 =	spop (v2sf)  }
0x87: {  	s0 =	sand.u32 $0x7F, s0  }
0x88: {  	s26 =	spop (v2sf);
	v8 =	vor.u32 s0, v1  }
0x89: {  	s26 =	sand.u32 $0x7F, s26;
	v9 =	vor.u32 s0, v2  }
0x8a: {  	s3 =	spop (v2sf);
	v10 =	vor.u32 s26, v1  }
0x8b: {  	s0 =	sand.u32 $0x7F, s3;
	v11 =	vor.u32 s26, v2  }
0x8c: {  	v12 =	vor.u32 s0, v1  }
0x8d: {  	v13 =	vor.u32 s0, v2;
	v8 =	vld.idx.msk [tilespmem:v8+s28+$0x0], $0xffff  }
0x8e: {  	v9 =	vld.idx.msk [tilespmem:v9+s28+$0x0], $0xffff  }
0x8f: {  	v10 =	vld.idx.msk [tilespmem:v10+s29+$0x0], $0xffff  }
0x90: {  	v11 =	vld.idx.msk [tilespmem:v11+s29+$0x0], $0xffff  }
0x91: {  	v12 =	vld.idx.msk [tilespmem:v12+s30+$0x0], $0xffff  }
0x92: {  	v13 =	vld.idx.msk [tilespmem:v13+s30+$0x0], $0xffff;
	_ =	sdelay $0x1  }
0x93: {  	v8 =	vmul.f32 v8, v3;
	v9 =	vmul.f32 v9, v4;
	_ =	sdelay $0x1  }
0x94: {  	v10 =	vmul.f32 v10, v8;
	v11 =	vmul.f32 v11, v9  }
0x95: {  	v8 =	vmul.f32 v12, v8;
	v9 =	vmul.f32 v13, v9  }
0x96: {  	v10 =	vadd.f32 v11, v10  }
0x97: {  	v8 =	vadd.f32 v9, v8  }
0x98: {  	(xrf2) =	vadd.scan.msk.f32 $0xffff, v10  }
0x99: {  	(xrf2) =	vadd.scan.msk.f32 $0xffff, v8;
	_ =	sdelay $0x8  }
0x9a: {  	v8, _, _ =	vpop (xrf2)  }
0x9b: {  	(v2sf) =	vpush v8, $0xF;
	v8, _, _ =	vpop (xrf2)  }
0x9c: {  	(v2sf) =	vpush v8, $0xF  }
0x9d: {  	(v2sf) =	vpush v7, $0x1;
	_ =	sdelay $0x1  }
0x9e: {  	(v2sf) =	vpush v7, $0x5;
	_ =	sdelay $0x1  }
0x9f: {  	(v2sf) =	vpush v7, $0x9;
	_ =	sdelay $0x8  }
0xa0: {  	s28 =	spop (v2sf)  }
0xa1: {  	s26 =	spop (v2sf)  }
0xa2: {  	s8 =	spop (v2sf)  }
0xa3: {  	s0 =	sand.u32 $0x7F, s8  }
0xa4: {  	s29 =	spop (v2sf);
	v8 =	vor.u32 s0, v1  }
0xa5: {  	s29 =	sand.u32 $0x7F, s29;
	v50 =	vor.u32 s0, v2  }
0xa6: {  	s3 =	spop (v2sf);
	v51 =	vor.u32 s29, v1  }
0xa7: {  	s0 =	sand.u32 $0x7F, s3;
	v52 =	vor.u32 s29, v2  }
0xa8: {  	v53 =	vor.u32 s0, v1  }
0xa9: {  	v54 =	vor.u32 s0, v2;
	v8 =	vld.idx.msk [tilespmem:v8+s31+$0x0], $0xffff  }
0xaa: {  	v9 =	vld.idx.msk [tilespmem:v50+s31+$0x0], $0xffff  }
0xab: {  	v10 =	vld.idx.msk [tilespmem:v51+s4+$0x0], $0xffff  }
0xac: {  	v11 =	vld.idx.msk [tilespmem:v52+s4+$0x0], $0xffff  }
0xad: {  	v12 =	vld.idx.msk [tilespmem:v53+s12+$0x0], $0xffff  }
0xae: {  	v13 =	vld.idx.msk [tilespmem:v54+s12+$0x0], $0xffff;
	_ =	sdelay $0x1  }
0xaf: {  	v8 =	vmul.f32 v8, v3;
	v9 =	vmul.f32 v9, v4;
	_ =	sdelay $0x1  }
0xb0: {  	v10 =	vmul.f32 v10, v8;
	v11 =	vmul.f32 v11, v9  }
0xb1: {  	v8 =	vmul.f32 v12, v8;
	v9 =	vmul.f32 v13, v9  }
0xb2: {  	v10 =	vadd.f32 v11, v10  }
0xb3: {  	v8 =	vadd.f32 v9, v8  }
0xb4: {  	(xrf2) =	vadd.scan.msk.f32 $0xffff, v10  }
0xb5: {  	(xrf2) =	vadd.scan.msk.f32 $0xffff, v8;
	_ =	sdelay $0x8  }
0xb6: {  	v8, _, _ =	vpop (xrf2)  }
0xb7: {  	(v2sf) =	vpush v8, $0xF;
	v8, _, _ =	vpop (xrf2)  }
0xb8: {  	(v2sf) =	vpush v8, $0xF  }
0xb9: {  	(v2sf) =	vpush v7, $0x2;
	_ =	sdelay $0x1  }
0xba: {  	(v2sf) =	vpush v7, $0x6;
	_ =	sdelay $0x1  }
0xbb: {  	(v2sf) =	vpush v7, $0xA;
	_ =	sdelay $0x8  }
0xbc: {  	s30 =	spop (v2sf)  }
0xbd: {  	s29 =	spop (v2sf)  }
0xbe: {  	s8 =	spop (v2sf)  }
0xbf: {  	s0 =	sand.u32 $0x7F, s8  }
0xc0: {  	s31 =	spop (v2sf);
	v8 =	vor.u32 s0, v1  }
0xc1: {  	s31 =	sand.u32 $0x7F, s31;
	v55 =	vor.u32 s0, v2  }
0xc2: {  	s12 =	spop (v2sf);
	v56 =	vor.u32 s31, v1  }
0xc3: {  	s0 =	sand.u32 $0x7F, s12;
	v57 =	vor.u32 s31, v2  }
0xc4: {  	v58 =	vor.u32 s0, v1  }
0xc5: {  	v59 =	vor.u32 s0, v2;
	v8 =	vld.idx.msk [tilespmem:v8+s13+$0x0], $0xffff  }
0xc6: {  	v9 =	vld.idx.msk [tilespmem:v55+s13+$0x0], $0xffff  }
0xc7: {  	v10 =	vld.idx.msk [tilespmem:v56+s6+$0x0], $0xffff  }
0xc8: {  	v11 =	vld.idx.msk [tilespmem:v57+s6+$0x0], $0xffff  }
0xc9: {  	v12 =	vld.idx.msk [tilespmem:v58+s7+$0x0], $0xffff  }
0xca: {  	v13 =	vld.idx.msk [tilespmem:v59+s7+$0x0], $0xffff;
	_ =	sdelay $0x1  }
0xcb: {  	v8 =	vmul.f32 v8, v3;
	v9 =	vmul.f32 v9, v4;
	_ =	sdelay $0x1  }
0xcc: {  	v10 =	vmul.f32 v10, v8;
	v11 =	vmul.f32 v11, v9  }
0xcd: {  	v8 =	vmul.f32 v12, v8;
	v9 =	vmul.f32 v13, v9  }
0xce: {  	v10 =	vadd.f32 v11, v10  }
0xcf: {  	v8 =	vadd.f32 v9, v8  }
0xd0: {  	(xrf2) =	vadd.scan.msk.f32 $0xffff, v10  }
0xd1: {  	(xrf2) =	vadd.scan.msk.f32 $0xffff, v8;
	_ =	sdelay $0x8  }
0xd2: {  	v8, _, _ =	vpop (xrf2)  }
0xd3: {  	(v2sf) =	vpush v8, $0xF;
	v8, _, _ =	vpop (xrf2)  }
0xd4: {  	(v2sf) =	vpush v8, $0xF  }
0xd5: {  	(v2sf) =	vpush v7, $0x3;
	_ =	sdelay $0x1  }
0xd6: {  	(v2sf) =	vpush v7, $0x7;
	_ =	sdelay $0x1  }
0xd7: {  	(v2sf) =	vpush v7, $0xB;
	_ =	sdelay $0x8  }
0xd8: {  	s0 =	spop (v2sf)  }
0xd9: {  	s31 =	spop (v2sf)  }
0xda: {  	s3 =	spop (v2sf)  }
0xdb: {  	s4 =	sand.u32 $0x7F, s3  }
0xdc: {  	s3 =	spop (v2sf);
	v7 =	vor.u32 s4, v1  }
0xdd: {  	s3 =	sand.u32 $0x7F, s3;
	v8 =	vor.u32 s4, v2  }
0xde: {  	s4 =	spop (v2sf);
	v60 =	vor.u32 s3, v1  }
0xdf: {  	s4 =	sand.u32 $0x7F, s4;
	v61 =	vor.u32 s3, v2  }
0xe0: {  	s3 =	simm.s32 $0xB000;
	v62 =	vor.u32 s4, v1  }
0xe1: {  	v63 =	vor.u32 s4, v2;
	v7 =	vld.idx.msk [tilespmem:v7+s3+$0x0], $0xffff  }
0xe2: {  	s4 =	simm.s32 $0x13000;
	v8 =	vld.idx.msk [tilespmem:v8+s3+$0x0], $0xffff  }
0xe3: {  	v9 =	vld.idx.msk [tilespmem:v60+s4+$0x0], $0xffff  }
0xe4: {  	v10 =	vld.idx.msk [tilespmem:v61+s4+$0x0], $0xffff;
	s4 =	simm.s32 $0x1B000  }
0xe5: {  	v11 =	vld.idx.msk [tilespmem:v62+s4+$0x0], $0xffff  }
0xe6: {  	v12 =	vld.idx.msk [tilespmem:v63+s4+$0x0], $0xffff  }
0xe7: {  	v7 =	vmul.f32 v7, v3;
	v8 =	vmul.f32 v8, v4;
	_ =	sdelay $0x1  }
0xe8: {  	v9 =	vmul.f32 v9, v7;
	v10 =	vmul.f32 v10, v8;
	_ =	sdelay $0x1  }
0xe9: {  	v7 =	vmul.f32 v11, v7;
	v8 =	vmul.f32 v12, v8;
	v9 =	vadd.f32 v10, v9;
	_ =	sdelay $0x1  }
0xea: {  	v7 =	vadd.f32 v8, v7;
	(xrf2) =	vadd.scan.msk.f32 $0xffff, v9;
	_ =	sdelay $0x1  }
0xeb: {  	(xrf2) =	vadd.scan.msk.f32 $0xffff, v7;
	_ =	sdelay $0x7  }
0xec: {  	v7, _, _ =	vpop (xrf2)  }
0xed: {  	(v2sf) =	vpush v7, $0xF  }
0xee: {  	s22 =	sadd.f32 s22, s5;
	v7, _, _ =	vpop (xrf2)  }
0xef: {  	s24 =	sadd.f32 s24, s5;
	(v2sf) =	vpush v7, $0xF  }
0xf0: {  	s3 =	sadd.f32 s18, s5  }
0xf1: {  	s18 =	sadd.f32 s20, s5  }
0xf2: {  	s4 =	sadd.f32 s19, s5  }
0xf3: {  	s20 =	sand.u32 $0x8, s17;
	s19 =	sadd.f32 s21, s5  }
0xf4: {  	s21 =	sadd.f32 s23, s5;
	s23 =	sor.u32 $0x1, s20  }
0xf5: {  	s0 =	sadd.f32 s0, s5;
	v8 =	vmov s23;
	v7 =	vmov s20  }
0xf6: {  	s23 =	sadd.f32 s25, s5;
	s25 =	sor.u32 $0x2, s20;
	vm1 =	veq.s32 v8, v0;
	vm0 =	veq.s32 v7, v0  }
0xf7: {  	s20 =	sor.u32 $0x3, s20;
	v7 =	vmov s25;
	v6 =	vsel vm0, s3, v6;
	v5 =	vsel vm0, s4, v5;
	s4 =	sadd.f32 s28, s5  }
0xf8: {  	vm10 =	veq.s32 v7, v0;
	v7 =	vmov s20;
	s3 =	sadd.f32 s26, s5;
	v6 =	vsel vm1, s18, v6;
	s18 =	sand.u32 $0x3, s16  }
0xf9: {  	s11 =	sadd.s32 $0x100, s11;
	s20 =	sadd.f32 s30, s5;
	v5 =	vsel vm1, s19, v5;
	vm11 =	veq.s32 v7, v0;
	s19 =	sshll.u32 s18, $0x2  }
0xfa: {  	v6 =	vsel vm10, s21, v6;
	v5 =	vsel vm10, s22, v5;
	s21 =	sadd.f32 s29, s5;
	p0 =	sne.s32 s18, $0x3;
	v7 =	vmov s19;
	s25 =	sor.u32 $0x1, s19  }
0xfb: {  	v6 =	vsel vm11, s23, v6;
	v5 =	vsel vm11, s24, v5;
	s19 =	sor.u32 $0x2, s19;
	s23 =	sadd.f32 s31, s5;
	s24 =	sshllo.u32 s18, $0x2;
	vm12 =	veq.s32 v7, v0  }
0xfc: {  	s18 =	sand.u32 @!p0 $0x1F0, s17;
	s17 =	sadd.s32 $0x8, s17;
	v7 =	vmov s25;
	v6 =	vsel vm12, s4, v6;
	s26 =	spop (v2sf)  }
0xfd: {  	s8 =	simm.s32 $0x1A000;
	p1 =	sne.s32 s17, $0x200;
	v5 =	vsel vm12, s3, v5;
	vm13 =	veq.s32 v7, v0;
	v7 =	vmov s19;
	s4 =	sadd.f32 s26, s5  }
.Ltmp3:
0xfe: {  	s12 =	simm.s32 $0x11000;
	v6 =	vsel vm13, s20, v6;
	vm14 =	veq.s32 v7, v0;
	v7 =	vmov s24;
	s25 =	spop (v2sf);
	(pc) =	sbr.rel @!p1 .LBB2_5-.Ltmp3, $4  }
0xff: {  	s13 =	simm.s32 $0x19000;
	s6 =	simm.s32 $0xA000;
	v5 =	vsel vm13, s21, v5;
	v6 =	vsel vm14, s0, v6;
	vm15 =	veq.s32 v7, v0;
	s26 =	sadd.f32 s25, s5  }
0x100: {  	s7 =	simm.s32 $0x12000;
	s28 =	simm.s32 $0x8000;
	s30 =	simm.s32 $0x18000;
	v5 =	vsel vm14, s23, v5;
	v6 =	vsel vm15, s4, v6  }
0x101: {  	s16 =	sadd.s32 $0x2, s16;
	s29 =	simm.s32 $0x10000;
	s31 =	simm.s32 $0x9000;
	v5 =	vsel vm15, s26, v5;
	[tilespmem:s18+$0x1C100] =	vst @!p0 v6  }
0x102: {  	s19 =	simm.s32 $0x13000;
	s20 =	simm.s32 $0x1B000;
	[tilespmem:s18+$0x1C300] =	vst @!p0 v5;
	s18 =	simm.s32 $0xB000  }
.LBB2_2:
0x103: {  	v7 =	vld [tilespmem:s11+$0x0];
	_ =	sdelay $0x4  }
0x104: {  	(v2sf) =	vpush v7, $0x0;
	_ =	sdelay $0x1  }
0x105: {  	(v2sf) =	vpush v7, $0x4;
	_ =	sdelay $0x1  }
0x106: {  	(v2sf) =	vpush v7, $0x8;
	_ =	sdelay $0x7  }
0x107: {  	(v2sf) =	vpush v7, $0x1;
	_ =	sdelay $0x2  }
0x108: {  	s0 =	spop (v2sf);
	(v2sf) =	vpush v7, $0x5;
	_ =	sdelay $0x1  }
0x109: {  	s22 =	spop (v2sf);
	(v2sf) =	vpush v7, $0x9;
	_ =	sdelay $0x1  }
0x10a: {  	s23 =	spop (v2sf);
	(v2sf) =	vpush v7, $0x2  }
0x10b: {  	s0 =	sand.u32 $0xFFFFF80, s0  }
0x10c: {  	s0 =	sadd.s32 s1, s0  }
0x10d: {  	[tilespmem:s28], [sflag:$0x1] =	stream.strided.gather [hbm4b:s0+s14], $0x1000, s15, s14, $0x38;
	(v2sf) =	vpush v7, $0x6;
	[tilespmem:$0x1C500] =	vst v63  }
0x10e: {  	s0 =	sand.u32 $0xFFFFF80, s22  }
0x10f: {  	s0 =	sadd.s32 s2, s0  }
0x110: {  	[tilespmem:s29], [sflag:$0x1] =	stream.strided.gather [hbm4b:s0+s14], $0x1000, s15, s14, $0x38;
	[tilespmem:$0x1C500] =	vst v63  }
0x111: {  	s0 =	sand.u32 $0xFFFFF80, s23  }
0x112: {  	s24 =	spop (v2sf);
	s0 =	sadd.s32 s2, s0  }
0x113: {  	[tilespmem:s30], [sflag:$0x1] =	stream.strided.gather [hbm4b:s0+s14], $0x1000, s15, s14, $0x38;
	[tilespmem:$0x1C500] =	vst v63  }
0x114: {  	s0 =	sand.u32 $0xFFFFF80, s24  }
0x115: {  	s0 =	sadd.s32 s1, s0;
	s25 =	spop (v2sf);
	(v2sf) =	vpush v7, $0xA  }
0x116: {  	[tilespmem:s31], [sflag:$0x1] =	stream.strided.gather [hbm4b:s0+s14], $0x1000, s15, s14, $0x38;
	[tilespmem:$0x1C500] =	vst v63  }
0x117: {  	s26 =	spop (v2sf);
	(v2sf) =	vpush v7, $0x3  }
0x118: {  	s0 =	sand.u32 $0xFFFFF80, s25  }
0x119: {  	s0 =	sadd.s32 s2, s0;
	s3 =	spop (v2sf)  }
0x11a: {  	(v2sf) =	vpush v7, $0x7;
	[tilespmem:s12], [sflag:$0x1] =	stream.strided.gather [hbm4b:s0+s14], $0x1000, s15, s14, $0x38;
	[tilespmem:$0x1C500] =	vst v63  }
0x11b: {  	s0 =	sand.u32 $0xFFFFF80, s26  }
0x11c: {  	s4 =	spop (v2sf);
	s0 =	sadd.s32 s2, s0  }
0x11d: {  	(v2sf) =	vpush v7, $0xB;
	[tilespmem:s13], [sflag:$0x1] =	stream.strided.gather [hbm4b:s0+s14], $0x1000, s15, s14, $0x38;
	[tilespmem:$0x1C500] =	vst v63  }
0x11e: {  	s0 =	sand.u32 $0xFFFFF80, s3  }
0x11f: {  	s0 =	sadd.s32 s1, s0  }
0x120: {  	[tilespmem:s6], [sflag:$0x1] =	stream.strided.gather [hbm4b:s0+s14], $0x1000, s15, s14, $0x38;
	[tilespmem:$0x1C500] =	vst v63  }
0x121: {  	s0 =	sand.u32 $0xFFFFF80, s4  }
0x122: {  	s0 =	sadd.s32 s2, s0  }
0x123: {  	[tilespmem:s7], [sflag:$0x1] =	stream.strided.gather [hbm4b:s0+s14], $0x1000, s15, s14, $0x38;
	[tilespmem:$0x1C500] =	vst v63  }
0x124: {  	s6 =	spop (v2sf)  }
0x125: {  	s0 =	sand.u32 $0xFFFFF80, s6  }
0x126: {  	s7 =	spop (v2sf);
	s0 =	sadd.s32 s2, s0  }
0x127: {  	[tilespmem:s8], [sflag:$0x1] =	stream.strided.gather [hbm4b:s0+s14], $0x1000, s15, s14, $0x38;
	[tilespmem:$0x1C500] =	vst v63  }
0x128: {  	s0 =	sand.u32 $0xFFFFF80, s7  }
0x129: {  	s8 =	spop (v2sf);
	s0 =	sadd.s32 s1, s0  }
0x12a: {  	[tilespmem:s18], [sflag:$0x1] =	stream.strided.gather [hbm4b:s0+s14], $0x1000, s15, s14, $0x38;
	[tilespmem:$0x1C500] =	vst v63  }
0x12b: {  	s0 =	sand.u32 $0xFFFFF80, s8  }
0x12c: {  	s9 =	spop (v2sf);
	s0 =	sadd.s32 s2, s0  }
0x12d: {  	[tilespmem:s19], [sflag:$0x1] =	stream.strided.gather [hbm4b:s0+s14], $0x1000, s15, s14, $0x38;
	[tilespmem:$0x1C500] =	vst v63  }
0x12e: {  	s0 =	sand.u32 $0xFFFFF80, s9  }
0x12f: {  	s0 =	sadd.s32 s2, s0  }
0x130: {  	[tilespmem:s20], [sflag:$0x1] =	stream.strided.gather [hbm4b:s0+s14], $0x1000, s15, s14, $0x38;
	[tilespmem:$0x1C500] =	vst v63  }
0x131: {  	_ =	swait.ge [sflag:s10], $0x1000  }
0x132: {  	[sflag:s10] =	ssyncset.done $0x0  }
0x133: {  	[sflag:s10] =	ssyncadd.s32 $0xFFFFF000  }
0x134: {  	_ =	swait.ge [sflag:s10], $0x1000  }
0x135: {  	[sflag:s10] =	ssyncset.done $0x0  }
0x136: {  	[sflag:s10] =	ssyncadd.s32 $0xFFFFF000  }
0x137: {  	_ =	swait.ge [sflag:s10], $0x1000  }
0x138: {  	[sflag:s10] =	ssyncset.done $0x0  }
0x139: {  	[sflag:s10] =	ssyncadd.s32 $0xFFFFF000  }
0x13a: {  	_ =	swait.ge [sflag:s10], $0x1000  }
0x13b: {  	[sflag:s10] =	ssyncset.done $0x0  }
0x13c: {  	[sflag:s10] =	ssyncadd.s32 $0xFFFFF000  }
0x13d: {  	_ =	swait.ge [sflag:s10], $0x1000  }
0x13e: {  	[sflag:s10] =	ssyncset.done $0x0  }
0x13f: {  	[sflag:s10] =	ssyncadd.s32 $0xFFFFF000  }
0x140: {  	_ =	swait.ge [sflag:s10], $0x1000  }
0x141: {  	[sflag:s10] =	ssyncset.done $0x0  }
0x142: {  	[sflag:s10] =	ssyncadd.s32 $0xFFFFF000  }
0x143: {  	_ =	swait.ge [sflag:s10], $0x1000  }
0x144: {  	[sflag:s10] =	ssyncset.done $0x0  }
0x145: {  	[sflag:s10] =	ssyncadd.s32 $0xFFFFF000  }
0x146: {  	_ =	swait.ge [sflag:s10], $0x1000  }
0x147: {  	[sflag:s10] =	ssyncset.done $0x0  }
0x148: {  	[sflag:s10] =	ssyncadd.s32 $0xFFFFF000  }
0x149: {  	_ =	swait.ge [sflag:s10], $0x1000  }
0x14a: {  	[sflag:s10] =	ssyncset.done $0x0  }
0x14b: {  	[sflag:s10] =	ssyncadd.s32 $0xFFFFF000  }
0x14c: {  	_ =	swait.ge [sflag:s10], $0x1000  }
0x14d: {  	[sflag:s10] =	ssyncset.done $0x0  }
0x14e: {  	[sflag:s10] =	ssyncadd.s32 $0xFFFFF000  }
0x14f: {  	_ =	swait.ge [sflag:s10], $0x1000  }
0x150: {  	[sflag:s10] =	ssyncset.done $0x0  }
0x151: {  	[sflag:s10] =	ssyncadd.s32 $0xFFFFF000  }
0x152: {  	_ =	swait.ge [sflag:s10], $0x1000  }
0x153: {  	[sflag:s10] =	ssyncset.done $0x0  }
0x154: {  	[sflag:s10] =	ssyncadd.s32 $0xFFFFF000  }
0x155: {  	v7 =	vld [tilespmem:s11+$0xFFFFFF80];
	_ =	sdelay $0x4  }
0x156: {  	(v2sf) =	vpush v7, $0x0;
	_ =	sdelay $0x1  }
0x157: {  	(v2sf) =	vpush v7, $0x4;
	_ =	sdelay $0x1  }
0x158: {  	(v2sf) =	vpush v7, $0x8;
	_ =	sdelay $0xa  }
0x159: {  	s12 =	spop (v2sf)  }
0x15a: {  	s0 =	sand.u32 $0x7F, s12  }
0x15b: {  	s13 =	spop (v2sf);
	v8 =	vor.u32 s0, v1  }
0x15c: {  	s18 =	sand.u32 $0x7F, s13;
	v9 =	vor.u32 s0, v2  }
0x15d: {  	s19 =	spop (v2sf);
	v10 =	vor.u32 s18, v1  }
0x15e: {  	s0 =	sand.u32 $0x7F, s19;
	v11 =	vor.u32 s18, v2  }
0x15f: {  	s3 =	simm.s32 $0x4000;
	v12 =	vor.u32 s0, v1  }
0x160: {  	v13 =	vor.u32 s0, v2;
	v8 =	vld.idx.msk [tilespmem:v8+s3+$0x0], $0xffff  }
0x161: {  	s20 =	simm.s32 $0xC000;
	v9 =	vld.idx.msk [tilespmem:v9+s3+$0x0], $0xffff  }
0x162: {  	v10 =	vld.idx.msk [tilespmem:v10+s20+$0x0], $0xffff  }
0x163: {  	s21 =	simm.s32 $0x14000;
	v11 =	vld.idx.msk [tilespmem:v11+s20+$0x0], $0xffff  }
0x164: {  	v12 =	vld.idx.msk [tilespmem:v12+s21+$0x0], $0xffff  }
0x165: {  	v13 =	vld.idx.msk [tilespmem:v13+s21+$0x0], $0xffff;
	_ =	sdelay $0x1  }
0x166: {  	v8 =	vmul.f32 v8, v3;
	v9 =	vmul.f32 v9, v4;
	_ =	sdelay $0x1  }
0x167: {  	v10 =	vmul.f32 v10, v8;
	v11 =	vmul.f32 v11, v9  }
0x168: {  	v8 =	vmul.f32 v12, v8;
	v9 =	vmul.f32 v13, v9  }
0x169: {  	v10 =	vadd.f32 v11, v10  }
0x16a: {  	v8 =	vadd.f32 v9, v8  }
0x16b: {  	(xrf2) =	vadd.scan.msk.f32 $0xffff, v10  }
0x16c: {  	(xrf2) =	vadd.scan.msk.f32 $0xffff, v8;
	_ =	sdelay $0x8  }
0x16d: {  	v8, _, _ =	vpop (xrf2)  }
0x16e: {  	(v2sf) =	vpush v8, $0xF;
	v8, _, _ =	vpop (xrf2)  }
0x16f: {  	(v2sf) =	vpush v8, $0xF  }
0x170: {  	(v2sf) =	vpush v7, $0x1;
	_ =	sdelay $0x1  }
0x171: {  	(v2sf) =	vpush v7, $0x5;
	_ =	sdelay $0x1  }
0x172: {  	(v2sf) =	vpush v7, $0x9;
	_ =	sdelay $0x8  }
0x173: {  	s18 =	spop (v2sf)  }
0x174: {  	s19 =	spop (v2sf)  }
0x175: {  	s22 =	spop (v2sf)  }
0x176: {  	s0 =	sand.u32 $0x7F, s22  }
0x177: {  	s23 =	spop (v2sf);
	v8 =	vor.u32 s0, v1  }
0x178: {  	s20 =	sand.u32 $0x7F, s23;
	v50 =	vor.u32 s0, v2  }
0x179: {  	s24 =	spop (v2sf);
	v51 =	vor.u32 s20, v1  }
0x17a: {  	s0 =	sand.u32 $0x7F, s24;
	v52 =	vor.u32 s20, v2  }
0x17b: {  	s25 =	simm.s32 $0x5000;
	v53 =	vor.u32 s0, v1  }
0x17c: {  	v54 =	vor.u32 s0, v2;
	v8 =	vld.idx.msk [tilespmem:v8+s25+$0x0], $0xffff  }
0x17d: {  	s26 =	simm.s32 $0xD000;
	v9 =	vld.idx.msk [tilespmem:v50+s25+$0x0], $0xffff  }
0x17e: {  	v10 =	vld.idx.msk [tilespmem:v51+s26+$0x0], $0xffff  }
0x17f: {  	s3 =	simm.s32 $0x15000;
	v11 =	vld.idx.msk [tilespmem:v52+s26+$0x0], $0xffff  }
0x180: {  	v12 =	vld.idx.msk [tilespmem:v53+s3+$0x0], $0xffff  }
0x181: {  	v13 =	vld.idx.msk [tilespmem:v54+s3+$0x0], $0xffff;
	_ =	sdelay $0x1  }
0x182: {  	v8 =	vmul.f32 v8, v3;
	v9 =	vmul.f32 v9, v4;
	_ =	sdelay $0x1  }
0x183: {  	v10 =	vmul.f32 v10, v8;
	v11 =	vmul.f32 v11, v9  }
0x184: {  	v8 =	vmul.f32 v12, v8;
	v9 =	vmul.f32 v13, v9  }
0x185: {  	v10 =	vadd.f32 v11, v10  }
0x186: {  	v8 =	vadd.f32 v9, v8  }
0x187: {  	(xrf2) =	vadd.scan.msk.f32 $0xffff, v10  }
0x188: {  	(xrf2) =	vadd.scan.msk.f32 $0xffff, v8;
	_ =	sdelay $0x8  }
0x189: {  	v8, _, _ =	vpop (xrf2)  }
0x18a: {  	(v2sf) =	vpush v8, $0xF;
	v8, _, _ =	vpop (xrf2)  }
0x18b: {  	(v2sf) =	vpush v8, $0xF  }
0x18c: {  	(v2sf) =	vpush v7, $0x2;
	_ =	sdelay $0x1  }
0x18d: {  	(v2sf) =	vpush v7, $0x6;
	_ =	sdelay $0x1  }
0x18e: {  	(v2sf) =	vpush v7, $0xA;
	_ =	sdelay $0x8  }
0x18f: {  	s20 =	spop (v2sf)  }
0x190: {  	s21 =	spop (v2sf)  }
0x191: {  	s4 =	spop (v2sf)  }
0x192: {  	s0 =	sand.u32 $0x7F, s4  }
0x193: {  	s22 =	spop (v2sf);
	v8 =	vor.u32 s0, v1  }
0x194: {  	s22 =	sand.u32 $0x7F, s22;
	v55 =	vor.u32 s0, v2  }
0x195: {  	s6 =	spop (v2sf);
	v56 =	vor.u32 s22, v1  }
0x196: {  	s0 =	sand.u32 $0x7F, s6;
	v57 =	vor.u32 s22, v2  }
0x197: {  	s7 =	simm.s32 $0x6000;
	v58 =	vor.u32 s0, v1  }
0x198: {  	v59 =	vor.u32 s0, v2;
	v8 =	vld.idx.msk [tilespmem:v8+s7+$0x0], $0xffff  }
0x199: {  	s8 =	simm.s32 $0xE000;
	v9 =	vld.idx.msk [tilespmem:v55+s7+$0x0], $0xffff  }
0x19a: {  	v10 =	vld.idx.msk [tilespmem:v56+s8+$0x0], $0xffff  }
0x19b: {  	s9 =	simm.s32 $0x16000;
	v11 =	vld.idx.msk [tilespmem:v57+s8+$0x0], $0xffff  }
0x19c: {  	v12 =	vld.idx.msk [tilespmem:v58+s9+$0x0], $0xffff  }
0x19d: {  	v13 =	vld.idx.msk [tilespmem:v59+s9+$0x0], $0xffff;
	_ =	sdelay $0x1  }
0x19e: {  	v8 =	vmul.f32 v8, v3;
	v9 =	vmul.f32 v9, v4;
	_ =	sdelay $0x1  }
0x19f: {  	v10 =	vmul.f32 v10, v8;
	v11 =	vmul.f32 v11, v9  }
0x1a0: {  	v8 =	vmul.f32 v12, v8;
	v9 =	vmul.f32 v13, v9  }
0x1a1: {  	v10 =	vadd.f32 v11, v10  }
0x1a2: {  	v8 =	vadd.f32 v9, v8  }
0x1a3: {  	(xrf2) =	vadd.scan.msk.f32 $0xffff, v10  }
0x1a4: {  	(xrf2) =	vadd.scan.msk.f32 $0xffff, v8;
	_ =	sdelay $0x8  }
0x1a5: {  	v8, _, _ =	vpop (xrf2)  }
0x1a6: {  	(v2sf) =	vpush v8, $0xF;
	v8, _, _ =	vpop (xrf2)  }
0x1a7: {  	(v2sf) =	vpush v8, $0xF  }
0x1a8: {  	(v2sf) =	vpush v7, $0x3;
	_ =	sdelay $0x1  }
0x1a9: {  	(v2sf) =	vpush v7, $0x7;
	_ =	sdelay $0x1  }
0x1aa: {  	(v2sf) =	vpush v7, $0xB;
	_ =	sdelay $0x8  }
0x1ab: {  	s23 =	spop (v2sf)  }
0x1ac: {  	s22 =	spop (v2sf)  }
0x1ad: {  	s12 =	spop (v2sf)  }
0x1ae: {  	s0 =	sand.u32 $0x7F, s12  }
0x1af: {  	s24 =	spop (v2sf);
	v7 =	vor.u32 s0, v1  }
0x1b0: {  	s24 =	sand.u32 $0x7F, s24;
	v8 =	vor.u32 s0, v2  }
0x1b1: {  	s13 =	spop (v2sf);
	v60 =	vor.u32 s24, v1  }
0x1b2: {  	s0 =	sand.u32 $0x7F, s13;
	v61 =	vor.u32 s24, v2  }
0x1b3: {  	s24 =	simm.s32 $0x7000;
	v62 =	vor.u32 s0, v1  }
0x1b4: {  	v63 =	vor.u32 s0, v2;
	v7 =	vld.idx.msk [tilespmem:v7+s24+$0x0], $0xffff  }
0x1b5: {  	s25 =	simm.s32 $0xF000;
	v8 =	vld.idx.msk [tilespmem:v8+s24+$0x0], $0xffff  }
0x1b6: {  	v9 =	vld.idx.msk [tilespmem:v60+s25+$0x0], $0xffff  }
0x1b7: {  	s26 =	simm.s32 $0x17000;
	v10 =	vld.idx.msk [tilespmem:v61+s25+$0x0], $0xffff  }
0x1b8: {  	v11 =	vld.idx.msk [tilespmem:v62+s26+$0x0], $0xffff  }
0x1b9: {  	v12 =	vld.idx.msk [tilespmem:v63+s26+$0x0], $0xffff;
	_ =	sdelay $0x1  }
0x1ba: {  	v7 =	vmul.f32 v7, v3;
	v8 =	vmul.f32 v8, v4;
	_ =	sdelay $0x1  }
0x1bb: {  	v9 =	vmul.f32 v9, v7;
	v10 =	vmul.f32 v10, v8  }
0x1bc: {  	v7 =	vmul.f32 v11, v7;
	v8 =	vmul.f32 v12, v8  }
0x1bd: {  	v9 =	vadd.f32 v10, v9  }
0x1be: {  	v7 =	vadd.f32 v8, v7  }
0x1bf: {  	(xrf2) =	vadd.scan.msk.f32 $0xffff, v9  }
0x1c0: {  	(xrf2) =	vadd.scan.msk.f32 $0xffff, v7;
	_ =	sdelay $0x8  }
0x1c1: {  	v7, _, _ =	vpop (xrf2)  }
0x1c2: {  	(v2sf) =	vpush v7, $0xF;
	v7, _, _ =	vpop (xrf2)  }
0x1c3: {  	(v2sf) =	vpush v7, $0xF;
	_ =	sdelay $0x9  }
0x1c4: {  	p0 =	seq.s32 s17, $0x1F8  }
.Ltmp4:
0x1c5: {  	_ = 	snop;
	(pc) =	sbr.rel @p0 .LBB2_4-.Ltmp4, $4  }
0x1c6: {  	_ = 	snop  }
0x1c7: {  	s4 =	simm.s32 $0x11000;
	s6 =	simm.s32 $0x12000  }
0x1c8: {  	s7 =	simm.s32 $0x1A000;
	s9 =	simm.s32 $0x7000;
	s25 =	spop (v2sf)  }
0x1c9: {  	s12 =	simm.s32 $0x19000;
	s13 =	simm.s32 $0xA000;
	s24 =	spop (v2sf)  }
0x1ca: {  	v7 =	vld [tilespmem:s11+$0x80];
	_ =	sdelay $0x4  }
0x1cb: {  	(v2sf) =	vpush v7, $0x0;
	_ =	sdelay $0x1  }
0x1cc: {  	(v2sf) =	vpush v7, $0x4;
	_ =	sdelay $0x2  }
0x1cd: {  	(v2sf) =	vpush v7, $0x8;
	_ =	sdelay $0x2  }
0x1ce: {  	(v2sf) =	vpush v7, $0x1;
	_ =	sdelay $0x6  }
0x1cf: {  	s0 =	spop (v2sf);
	(v2sf) =	vpush v7, $0x5;
	_ =	sdelay $0x1  }
0x1d0: {  	s0 =	sand.u32 $0xFFFFF80, s0;
	s8 =	spop (v2sf);
	(v2sf) =	vpush v7, $0x9  }
0x1d1: {  	s3 =	simm.s32 $0x4000;
	s0 =	sadd.s32 s1, s0  }
0x1d2: {  	[tilespmem:s3], [sflag:$0x1] =	stream.strided.gather [hbm4b:s0+s14], $0x1000, s15, s14, $0x38;
	[tilespmem:$0x1C500] =	vst v63  }
0x1d3: {  	s0 =	sand.u32 $0xFFFFF80, s8;
	s8 =	spop (v2sf);
	(v2sf) =	vpush v7, $0x2  }
0x1d4: {  	s26 =	simm.s32 $0xC000;
	s0 =	sadd.s32 s2, s0  }
0x1d5: {  	[tilespmem:s26], [sflag:$0x1] =	stream.strided.gather [hbm4b:s0+s14], $0x1000, s15, s14, $0x38;
	[tilespmem:$0x1C500] =	vst v63  }
0x1d6: {  	s0 =	sand.u32 $0xFFFFF80, s8;
	s8 =	spop (v2sf);
	(v2sf) =	vpush v7, $0x6;
	_ =	sdelay $0x3  }
0x1d7: {  	s26 =	simm.s32 $0x14000;
	s0 =	sadd.s32 s2, s0  }
0x1d8: {  	[tilespmem:s26], [sflag:$0x1] =	stream.strided.gather [hbm4b:s0+s14], $0x1000, s15, s14, $0x38;
	[tilespmem:$0x1C500] =	vst v63  }
0x1d9: {  	s0 =	sand.u32 $0xFFFFF80, s8  }
0x1da: {  	s26 =	simm.s32 $0x5000;
	s0 =	sadd.s32 s1, s0;
	s8 =	spop (v2sf);
	(v2sf) =	vpush v7, $0xA  }
0x1db: {  	[tilespmem:s26], [sflag:$0x1] =	stream.strided.gather [hbm4b:s0+s14], $0x1000, s15, s14, $0x38;
	[tilespmem:$0x1C500] =	vst v63  }
0x1dc: {  	s0 =	sand.u32 $0xFFFFF80, s8;
	s8 =	spop (v2sf);
	(v2sf) =	vpush v7, $0x3  }
0x1dd: {  	s26 =	simm.s32 $0xD000;
	s0 =	sadd.s32 s2, s0  }
0x1de: {  	[tilespmem:s26], [sflag:$0x1] =	stream.strided.gather [hbm4b:s0+s14], $0x1000, s15, s14, $0x38;
	[tilespmem:$0x1C500] =	vst v63  }
0x1df: {  	s0 =	sand.u32 $0xFFFFF80, s8;
	s8 =	spop (v2sf);
	(v2sf) =	vpush v7, $0x7  }
0x1e0: {  	s26 =	simm.s32 $0x15000;
	s0 =	sadd.s32 s2, s0  }
0x1e1: {  	[tilespmem:s26], [sflag:$0x1] =	stream.strided.gather [hbm4b:s0+s14], $0x1000, s15, s14, $0x38;
	[tilespmem:$0x1C500] =	vst v63  }
0x1e2: {  	s0 =	sand.u32 $0xFFFFF80, s8;
	s8 =	spop (v2sf);
	(v2sf) =	vpush v7, $0xB;
	_ =	sdelay $0x1  }
0x1e3: {  	s26 =	simm.s32 $0x6000;
	s0 =	sadd.s32 s1, s0  }
0x1e4: {  	[tilespmem:s26], [sflag:$0x1] =	stream.strided.gather [hbm4b:s0+s14], $0x1000, s15, s14, $0x38;
	[tilespmem:$0x1C500] =	vst v63  }
0x1e5: {  	s0 =	sand.u32 $0xFFFFF80, s8  }
0x1e6: {  	s26 =	simm.s32 $0xE000;
	s0 =	sadd.s32 s2, s0  }
0x1e7: {  	[tilespmem:s26], [sflag:$0x1] =	stream.strided.gather [hbm4b:s0+s14], $0x1000, s15, s14, $0x38;
	[tilespmem:$0x1C500] =	vst v63  }
0x1e8: {  	s8 =	spop (v2sf)  }
0x1e9: {  	s0 =	sand.u32 $0xFFFFF80, s8  }
0x1ea: {  	s26 =	simm.s32 $0x16000;
	s3 =	spop (v2sf);
	s0 =	sadd.s32 s2, s0  }
0x1eb: {  	[tilespmem:s26], [sflag:$0x1] =	stream.strided.gather [hbm4b:s0+s14], $0x1000, s15, s14, $0x38;
	[tilespmem:$0x1C500] =	vst v63  }
0x1ec: {  	s0 =	sand.u32 $0xFFFFF80, s3  }
0x1ed: {  	s8 =	spop (v2sf);
	s0 =	sadd.s32 s1, s0  }
0x1ee: {  	[tilespmem:s9], [sflag:$0x1] =	stream.strided.gather [hbm4b:s0+s14], $0x1000, s15, s14, $0x38;
	[tilespmem:$0x1C500] =	vst v63  }
0x1ef: {  	s26 =	simm.s32 $0xF000;
	s0 =	sand.u32 $0xFFFFF80, s8  }
.Ltmp5:
0x1f0: {  	s8 =	spop (v2sf);
	s0 =	sadd.s32 s2, s0;
	(pc) =	sbr.rel .LBB2_4-.Ltmp5, $4  }
0x1f1: {  	[tilespmem:s26], [sflag:$0x1] =	stream.strided.gather [hbm4b:s0+s14], $0x1000, s15, s14, $0x38;
	[tilespmem:$0x1C500] =	vst v63  }
0x1f2: {  	s0 =	sand.u32 $0xFFFFF80, s8  }
0x1f3: {  	s26 =	simm.s32 $0x17000;
	s0 =	sadd.s32 s2, s0  }
0x1f4: {  	[tilespmem:s26], [sflag:$0x1] =	stream.strided.gather [hbm4b:s0+s14], $0x1000, s15, s14, $0x38;
	[tilespmem:$0x1C500] =	vst v63  }
.LBB2_6:
0x1f5: {  	_ =	sfence.sel $0x180000  }
0x1f6: {  	[bflag:$0x0] =	sbarrier.arrive $0xFFFF  }
0x1f7: {  	_ =	strace $0x90000047  }
0x1f8: {  	s0 =	stileid.u32;
	[bflag:$0x2] =	sbarrier.arrive $0xFFFF  }
0x1f9: {  	p0 =	sne.s32 s0, $0x0;
	s0 =	rddreg [dreg:$0x6]  }
0x1fa: {  	s0 =	sadd.s32 @!p0 $0x100000, s0  }
0x1fb: {  	[sflag:s0] =	ssyncadd.tile.s32 @!p0 $0x1;
	_ =	shalt  }
.Lfunc_end2:
_tile_overlayer_lowered:
.L_overlay_start_2:
0x1fc: {  	(tag) =	ssettag $0x2  }
0x1fd: {  	s0 =	rddreg [dreg:$0x0];
	s2 =	stileid.u32  }
0x1fe: {  	s1 =	rddreg [dreg:$0x1];
	p0 =	sne.s32 s2, $0x0  }
0x1ff: {  	s3 =	rddreg [dreg:$0x2];
	[bflag:$0x3] =	sbarrier.arrive $0xFFFF;
	s2 =	simm.s32 @!p0 $0x1C02  }
0x200: {  	[timem:s3], [sflag:s2] =	dma.local @!p0 [hbm:s0], s1  }
0x201: {  	s0 =	simm.s32 @!p0 $0x2  }
0x202: {  	_ =	swait.ge @!p0 [sflag:s0], s1  }
0x203: {  	s1 =	ssub.s32 @!p0 $0x0, s1;
	[sflag:s0] =	ssyncset.done @!p0 $0x0  }
0x204: {  	[sflag:s0] =	ssyncadd.s32 @!p0 s1  }
0x205: {  	[bflag:$0x3] =	sbarrier.arrive $0xFFFF  }
0x206: {  	_ =	shalt  }

</sc_bundles>
